<compile_context>
chip_gen: v7x
topology: tpu7x:2x2x1
jax: 0.10.2.dev20260603
libtpu: 0.0.44.dev20260713+nightly
codegen_flags: <defaults>
</compile_context>

<pallas_src>
import jax
import jax.numpy as jnp
from jax import lax
from jax.experimental import pallas as pl
from jax.experimental.pallas import tpu as pltpu
from jax.experimental.pallas import tpu_sc as plsc

N = 10000
PADN = 10240
E = 320000
FEAT = 128
HALF = 64
GRAPHS = 64
NUM_SC = 2
NUM_SUBCORES = 16
NUM_WORKERS = NUM_SC * NUM_SUBCORES
CHUNK = 128
EDGES_PER_WORKER = E // NUM_WORKERS
CPW_PAD = 80
STAGE = 16
NBUF = 4
ROWS_PER_SUBCORE = PADN // NUM_SUBCORES


def _sc_agg_kernel(h0_hbm, h1_hbm, src_hbm, dst_hbm, out0_hbm, out1_hbm,
                   src_v, dst_v, r0, r1, r2, r3, h_sp, accum, sem_g, sem_s):
    cid = lax.axis_index("c")
    sid = lax.axis_index("s")
    wid = cid * NUM_SUBCORES + sid
    rows = (r0, r1, r2, r3)

    zvec = jnp.zeros((16,), jnp.float32)

    for h_hbm, out_hbm in ((h0_hbm, out0_hbm), (h1_hbm, out1_hbm)):
        @pl.when(sid < NUM_SUBCORES - 1)
        def _():
            pltpu.sync_copy(h_hbm.at[pl.ds(sid * ROWS_PER_SUBCORE,
                                           ROWS_PER_SUBCORE)],
                            h_sp.at[pl.ds(sid * ROWS_PER_SUBCORE,
                                          ROWS_PER_SUBCORE)])

        @pl.when(sid == NUM_SUBCORES - 1)
        def _():
            pltpu.sync_copy(h_hbm.at[pl.ds(9600, N - 9600)],
                            h_sp.at[pl.ds(9600, N - 9600)])

        @pl.loop(0, CHUNK)
        def _(r):
            @pl.loop(0, HALF // 16)
            def _(c):
                r0[r, pl.ds(c * 16, 16)] = zvec

        @pl.loop(0, PADN // CHUNK // NUM_SUBCORES)
        def _(t):
            chunk = sid * (PADN // CHUNK // NUM_SUBCORES) + t
            pltpu.sync_copy(r0, accum.at[pl.ds(chunk * CHUNK, CHUNK)])

        plsc.subcore_barrier()

        @pl.loop(0, CPW_PAD // STAGE)
        def _(s):
            pltpu.sync_copy(src_hbm.at[wid].at[pl.ds(s * STAGE, STAGE)],
                            src_v)
            pltpu.sync_copy(dst_hbm.at[wid].at[pl.ds(s * STAGE, STAGE)],
                            dst_v)

            for j in range(NBUF - 1):
                pltpu.async_copy(h_sp.at[src_v.at[j]], rows[j % NBUF], sem_g)

            for j in range(STAGE):
                buf = rows[j % NBUF]
                pltpu.make_async_copy(h_sp.at[src_v.at[j]], buf, sem_g).wait()
                pltpu.async_copy(buf, accum.at[dst_v.at[j]], sem_s, add=True)
                if j >= 1:
                    prev = rows[(j - 1) % NBUF]
                    pltpu.make_async_copy(prev, accum.at[dst_v.at[j - 1]],
                                          sem_s).wait()
                if j + NBUF - 1 < STAGE:
                    nxt = rows[(j + NBUF - 1) % NBUF]
                    pltpu.async_copy(h_sp.at[src_v.at[j + NBUF - 1]], nxt,
                                     sem_g)

            pltpu.make_async_copy(rows[(STAGE - 1) % NBUF],
                                  accum.at[dst_v.at[STAGE - 1]],
                                  sem_s).wait()

        plsc.subcore_barrier()

        pltpu.sync_copy(accum.at[pl.ds(sid * ROWS_PER_SUBCORE,
                                       ROWS_PER_SUBCORE)],
                        out_hbm.at[cid].at[pl.ds(sid * ROWS_PER_SUBCORE,
                                                 ROWS_PER_SUBCORE)])
        plsc.subcore_barrier()


@jax.jit
def _sc_agg(h0, h1, src3d, dst3d):
    mesh = plsc.VectorSubcoreMesh(core_axis_name="c", subcore_axis_name="s")
    run = pl.kernel(
        _sc_agg_kernel,
        out_type=(
            jax.ShapeDtypeStruct((NUM_SC, PADN, HALF), jnp.float32),
            jax.ShapeDtypeStruct((NUM_SC, PADN, HALF), jnp.float32),
        ),
        mesh=mesh,
        compiler_params=pltpu.CompilerParams(use_tc_tiling_on_sc=False),
        scratch_types=[
            pltpu.VMEM((STAGE, CHUNK), jnp.int32),
            pltpu.VMEM((STAGE, CHUNK), jnp.int32),
            pltpu.VMEM((CHUNK, HALF), jnp.float32),
            pltpu.VMEM((CHUNK, HALF), jnp.float32),
            pltpu.VMEM((CHUNK, HALF), jnp.float32),
            pltpu.VMEM((CHUNK, HALF), jnp.float32),
            pltpu.VMEM_SHARED((PADN, HALF), jnp.float32),
            pltpu.VMEM_SHARED((PADN, HALF), jnp.float32),
            pltpu.SemaphoreType.DMA,
            pltpu.SemaphoreType.DMA,
        ],
    )
    return run(h0, h1, src3d, dst3d)


def _tc_layer_kernel(h0_ref, h1_ref, p0_ref, p1_ref, w1_ref, b1_ref, w2_ref,
                     b2_ref, g_ref, bt_ref, batch_ref, hout0_ref, hout1_ref,
                     pool_ref):
    h = jnp.concatenate([h0_ref[...], h1_ref[...]], axis=1)
    p0 = p0_ref[...]
    p1 = p1_ref[...]
    agg = jnp.concatenate([p0[0, :N, :] + p0[1, :N, :],
                           p1[0, :N, :] + p1[1, :N, :]], axis=1)
    h2 = h + agg
    a = jnp.maximum(
        jax.lax.dot_general(h2, w1_ref[...], (((1,), (0,)), ((), ())),
                            preferred_element_type=jnp.float32) + b1_ref[...],
        0.0)
    z = jax.lax.dot_general(a, w2_ref[...], (((1,), (0,)), ((), ())),
                            preferred_element_type=jnp.float32) + b2_ref[...]
    z = jnp.maximum(z, 0.0)
    mean = jnp.mean(z, axis=0, keepdims=True)
    var = jnp.mean((z - mean) ** 2, axis=0, keepdims=True)
    hout = g_ref[...] * (z - mean) * lax.rsqrt(var + 1e-5) + bt_ref[...]
    hout0_ref[...] = hout[:, :HALF]
    hout1_ref[...] = hout[:, HALF:]
    seg = jnp.broadcast_to(batch_ref[...], (GRAPHS, N))
    gid = lax.broadcasted_iota(jnp.int32, (GRAPHS, N), 0)
    ph = jnp.where(seg == gid, 1.0, 0.0).astype(jnp.float32)
    pool_ref[...] = jax.lax.dot_general(ph, hout, (((1,), (0,)), ((), ())),
                                        preferred_element_type=jnp.float32)


@jax.jit
def _tc_layer(h0, h1, p0, p1, w1, b1, w2, b2, gamma, beta, batch2d):
    return pl.pallas_call(
        _tc_layer_kernel,
        out_shape=(
            jax.ShapeDtypeStruct((N, HALF), jnp.float32),
            jax.ShapeDtypeStruct((N, HALF), jnp.float32),
            jax.ShapeDtypeStruct((GRAPHS, FEAT), jnp.float32),
        ),
    )(h0, h1, p0, p1, w1, b1.reshape(1, FEAT), w2, b2.reshape(1, FEAT),
      gamma.reshape(1, FEAT), beta.reshape(1, FEAT), batch2d)


def kernel(x, edge_index, batch, W1_0, b1_0, W2_0, b2_0, gamma_0, beta_0,
           W1_1, b1_1, W2_1, b2_1, gamma_1, beta_1, W1_2, b1_2, W2_2, b2_2,
           gamma_2, beta_2):
    padlen = CPW_PAD * CHUNK - EDGES_PER_WORKER
    arange = jnp.arange(padlen, dtype=jnp.int32)
    pad_src = jnp.broadcast_to((arange * 41) % N, (NUM_WORKERS, padlen))
    pad_dst = jnp.broadcast_to(N + arange % (PADN - N),
                               (NUM_WORKERS, padlen))
    src3d = jnp.concatenate(
        [edge_index[0].reshape(NUM_WORKERS, EDGES_PER_WORKER), pad_src],
        axis=1).reshape(NUM_WORKERS, CPW_PAD, CHUNK)
    dst3d = jnp.concatenate(
        [edge_index[1].reshape(NUM_WORKERS, EDGES_PER_WORKER), pad_dst],
        axis=1).reshape(NUM_WORKERS, CPW_PAD, CHUNK)
    batch2d = batch.reshape(1, N)
    params = [
        (W1_0, b1_0, W2_0, b2_0, gamma_0, beta_0),
        (W1_1, b1_1, W2_1, b2_1, gamma_1, beta_1),
        (W1_2, b1_2, W2_2, b2_2, gamma_2, beta_2),
    ]
    h0, h1 = x[:, :HALF], x[:, HALF:]
    hs, pools = [], []
    for (w1, b1, w2, b2, g, b) in params:
        p0, p1 = _sc_agg(h0, h1, src3d, dst3d)
        h0, h1, pool = _tc_layer(h0, h1, p0, p1, w1, b1, w2, b2, g, b,
                                 batch2d)
        hs.extend([h0, h1])
        pools.append(pool)
    return (jnp.concatenate(pools, axis=1), jnp.concatenate(hs, axis=1))

# --- scband reference (transcript-rebuilt; emitter-appended) ---
"""Pipeline reference for scband-encoder-86947317940934 (READ-ONLY COPY).

The authoritative reference and input builder live on the scoring server;
editing this copy changes nothing except your own understanding.
"""

import jax, jax.numpy as jnp
import numpy as np

N = 10000
E = 320000
FEAT = 128
DIM = 128
LAYERS = 3
GRAPHS = 64


def setup_inputs(seed: int = 0) -> dict:
    key = jax.random.key(seed)
    ks = jax.random.split(key, 4 + 6 * LAYERS)
    inp = {}
    inp["x"] = jax.random.normal(ks[0], (N, FEAT), dtype=jnp.float32)
    inp["edge_index"] = jax.random.randint(ks[1], (2, E), 0, N, dtype=jnp.int32)
    inp["batch"] = jnp.sort(jax.random.randint(ks[2], (N,), 0, GRAPHS, dtype=jnp.int32))
    for i in range(LAYERS):
        fin = FEAT if i == 0 else DIM
        base = 3 + 6 * i
        inp[f"W1_{i}"] = jax.random.normal(ks[base], (fin, DIM), dtype=jnp.float32) * (1.0 / np.sqrt(fin))
        inp[f"b1_{i}"] = jnp.zeros((DIM,), dtype=jnp.float32)
        inp[f"W2_{i}"] = jax.random.normal(ks[base + 1], (DIM, DIM), dtype=jnp.float32) * (1.0 / np.sqrt(DIM))
        inp[f"b2_{i}"] = jnp.zeros((DIM,), dtype=jnp.float32)
        inp[f"gamma_{i}"] = jnp.ones((DIM,), dtype=jnp.float32)
        inp[f"beta_{i}"] = jnp.zeros((DIM,), dtype=jnp.float32)
    return inp


def _forward(x, edge_index, batch, params):
    # GINConv (eps=0): h_i' = MLP((1+eps)*h_i + sum_{j->i} h_j), then ReLU + BatchNorm (training stats)
    src = edge_index[0]
    dst = edge_index[1]
    xs = []
    h = x
    for (W1, b1, W2, b2, g, b) in params:
        agg = jax.ops.segment_sum(h[src], dst, num_segments=h.shape[0])
        h2 = h + agg
        h2 = jnp.maximum(h2 @ W1 + b1, 0.0) @ W2 + b2
        h2 = jnp.maximum(h2, 0.0)  # F.relu after conv
        mean = jnp.mean(h2, axis=0)
        var = jnp.mean((h2 - mean) ** 2, axis=0)  # biased var, as torch BatchNorm1d normalization
        h = g * (h2 - mean) * jax.lax.rsqrt(var + 1e-5) + b
        xs.append(h)
    # GlobalReadout with read_op='sum' == global_add_pool per graph
    xpool = [jax.ops.segment_sum(xi, batch, num_segments=GRAPHS) for xi in xs]
    return (jnp.concatenate(xpool, axis=1), jnp.concatenate(xs, axis=1))


def reference(x, edge_index, batch, W1_0, b1_0, W2_0, b2_0, gamma_0, beta_0, W1_1, b1_1, W2_1, b2_1, gamma_1, beta_1, W1_2, b1_2, W2_2, b2_2, gamma_2, beta_2):
    params = [
        (W1_0, b1_0, W2_0, b2_0, gamma_0, beta_0),
        (W1_1, b1_1, W2_1, b2_1, gamma_1, beta_1),
        (W1_2, b1_2, W2_2, b2_2, gamma_2, beta_2),
    ]
    return _forward(x, edge_index, batch, params)

if __name__ == "__main__":
    import jax
    _d = setup_inputs()
    print(jax.jit(kernel)(*tuple(_d.values())))

</pallas_src>

<mosaic_0001>
#map = affine_map<(d0, d1) -> (0, 0)>
#map1 = affine_map<(d0, d1) -> (0, 0, 0)>
module attributes {stable_mosaic.version = 14 : i64} {
  func.func @_sc_agg_kernel(%arg0: i32, %arg1: i32, %arg2: memref<10000x64xf32, #tpu.memory_space<hbm>>, %arg3: memref<10000x64xf32, #tpu.memory_space<hbm>>, %arg4: memref<32x80x128xi32, #tpu.memory_space<hbm>>, %arg5: memref<32x80x128xi32, #tpu.memory_space<hbm>>, %arg6: memref<2x10240x64xf32, #tpu.memory_space<hbm>>, %arg7: memref<2x10240x64xf32, #tpu.memory_space<hbm>>, %arg8: memref<16x128xi32, #tpu.memory_space<vmem>>, %arg9: memref<16x128xi32, #tpu.memory_space<vmem>>, %arg10: memref<128x64xf32, #tpu.memory_space<vmem>>, %arg11: memref<128x64xf32, #tpu.memory_space<vmem>>, %arg12: memref<128x64xf32, #tpu.memory_space<vmem>>, %arg13: memref<128x64xf32, #tpu.memory_space<vmem>>, %arg14: memref<10240x64xf32, #tpu.memory_space<vmem_shared>>, %arg15: memref<10240x64xf32, #tpu.memory_space<vmem_shared>>, %arg16: memref<!tpu.dma_semaphore, #tpu.memory_space<semaphore_mem>>, %arg17: memref<!tpu.dma_semaphore, #tpu.memory_space<semaphore_mem>>) attributes {dimension_semantics = [#tpu.dimension_semantics<core_parallel>, #tpu.dimension_semantics<subcore_parallel>], iteration_bounds = array<i64: 2, 16>, scalar_prefetch = 0 : i64, scratch_operands = 10 : i64, tpu.core_type = #tpu.core_type<sc_vector_subcore>, window_params = [{transform_indices = #map}, {transform_indices = #map}, {transform_indices = #map1}, {transform_indices = #map1}, {transform_indices = #map1}, {transform_indices = #map1}]} {
    %mul3A = arith.constant 16 : i32
    %mul3A_0 = arith.muli %arg0, %mul3A : i32
    %add3A = arith.addi %mul3A_0, %arg1 : i32
    %broadcast_in_dim3A = arith.constant 0.000000e+00 : f32
    %broadcast_in_dim3A_1 = vector.broadcast %broadcast_in_dim3A : f32 to vector<16xf32>
    %lt3A = arith.constant 15 : i32
    %lt3A_2 = arith.cmpi slt, %arg1, %lt3A : i32
    %convert_element_type3A = arith.extui %lt3A_2 : i1 to i32
    %cond3A = arith.constant 0 : i32
    %cond3A_3 = arith.cmpi ne, %convert_element_type3A, %cond3A : i32
    scf.if %cond3A_3 {
      %mul3A_60 = arith.constant 640 : i32
      %mul3A_61 = arith.muli %arg1, %mul3A_60 : i32
      %mul3A_62 = arith.constant 640 : i32
      %mul3A_63 = arith.muli %arg1, %mul3A_62 : i32
      "tpu.region"() ({
        %run_scoped3A = tpu.sem_alloc : memref<!tpu.dma_semaphore, #tpu.memory_space<semaphore_mem>>
        %dma_start3A = arith.constant 0 : i32
        %dma_start3A_64 = tpu.memref_slice %arg14[%mul3A_63, %dma_start3A] : memref<10240x64xf32, #tpu.memory_space<vmem_shared>> -> memref<640x64xf32, #tpu.memory_space<vmem_shared>>
        %dma_start3A_65 = arith.constant 0 : i32
        %dma_start3A_66 = tpu.memref_slice %arg2[%mul3A_61, %dma_start3A_65] : memref<10000x64xf32, #tpu.memory_space<hbm>> -> memref<640x64xf32, #tpu.memory_space<hbm>>
        tpu.enqueue_dma source(%dma_start3A_66 : memref<640x64xf32, #tpu.memory_space<hbm>>) target(%dma_start3A_64 : memref<640x64xf32, #tpu.memory_space<vmem_shared>>) target_semaphore(%run_scoped3A : memref<!tpu.dma_semaphore, #tpu.memory_space<semaphore_mem>>)
        %dma_wait3A = arith.constant 0 : i32
        %dma_wait3A_67 = tpu.memref_slice %arg14[%mul3A_63, %dma_wait3A] : memref<10240x64xf32, #tpu.memory_space<vmem_shared>> -> memref<640x64xf32, #tpu.memory_space<vmem_shared>>
        %dma_wait3A_68 = arith.constant 0 : i32
        %dma_wait3A_69 = tpu.memref_slice %arg2[%mul3A_61, %dma_wait3A_68] : memref<10000x64xf32, #tpu.memory_space<hbm>> -> memref<640x64xf32, #tpu.memory_space<hbm>>
        tpu.wait_dma2 semaphore(%run_scoped3A : memref<!tpu.dma_semaphore, #tpu.memory_space<semaphore_mem>>) src(%dma_wait3A_69 : memref<640x64xf32, #tpu.memory_space<hbm>>) dst(%dma_wait3A_67 : memref<640x64xf32, #tpu.memory_space<vmem_shared>>)
        tpu.yield
      }) : () -> ()
    } else {
    }
    %eq3A = arith.constant 15 : i32
    %eq3A_4 = arith.cmpi eq, %arg1, %eq3A : i32
    %convert_element_type3A_5 = arith.extui %eq3A_4 : i1 to i32
    %cond3A_6 = arith.constant 0 : i32
    %cond3A_7 = arith.cmpi ne, %convert_element_type3A_5, %cond3A_6 : i32
    scf.if %cond3A_7 {
      "tpu.region"() ({
        %run_scoped3A = tpu.sem_alloc : memref<!tpu.dma_semaphore, #tpu.memory_space<semaphore_mem>>
        %dma_start3A = arith.constant 9600 : i32
        %dma_start3A_60 = arith.constant 0 : i32
        %dma_start3A_61 = tpu.memref_slice %arg14[%dma_start3A, %dma_start3A_60] : memref<10240x64xf32, #tpu.memory_space<vmem_shared>> -> memref<400x64xf32, #tpu.memory_space<vmem_shared>>
        %dma_start3A_62 = arith.constant 9600 : i32
        %dma_start3A_63 = arith.constant 0 : i32
        %dma_start3A_64 = tpu.memref_slice %arg2[%dma_start3A_62, %dma_start3A_63] : memref<10000x64xf32, #tpu.memory_space<hbm>> -> memref<400x64xf32, #tpu.memory_space<hbm>>
        tpu.enqueue_dma source(%dma_start3A_64 : memref<400x64xf32, #tpu.memory_space<hbm>>) target(%dma_start3A_61 : memref<400x64xf32, #tpu.memory_space<vmem_shared>>) target_semaphore(%run_scoped3A : memref<!tpu.dma_semaphore, #tpu.memory_space<semaphore_mem>>)
        %dma_wait3A = arith.constant 9600 : i32
        %dma_wait3A_65 = arith.constant 0 : i32
        %dma_wait3A_66 = tpu.memref_slice %arg14[%dma_wait3A, %dma_wait3A_65] : memref<10240x64xf32, #tpu.memory_space<vmem_shared>> -> memref<400x64xf32, #tpu.memory_space<vmem_shared>>
        %dma_wait3A_67 = arith.constant 9600 : i32
        %dma_wait3A_68 = arith.constant 0 : i32
        %dma_wait3A_69 = tpu.memref_slice %arg2[%dma_wait3A_67, %dma_wait3A_68] : memref<10000x64xf32, #tpu.memory_space<hbm>> -> memref<400x64xf32, #tpu.memory_space<hbm>>
        tpu.wait_dma2 semaphore(%run_scoped3A : memref<!tpu.dma_semaphore, #tpu.memory_space<semaphore_mem>>) src(%dma_wait3A_69 : memref<400x64xf32, #tpu.memory_space<hbm>>) dst(%dma_wait3A_66 : memref<400x64xf32, #tpu.memory_space<vmem_shared>>)
        tpu.yield
      }) : () -> ()
    } else {
    }
    %scan3A = arith.constant 0 : i32
    %scan3A_8 = arith.constant 128 : i32
    %scan3A_9 = arith.addi %scan3A, %scan3A_8 : i32
    %scan3A_10 = arith.constant 1 : i32
    scf.for %scan3A_60 = %scan3A to %scan3A_9 step %scan3A_10  : i32 {
      %mul3A_61 = arith.constant 1 : i32
      %mul3A_62 = arith.muli %scan3A_60, %mul3A_61 : i32
      %add3A_63 = arith.constant 0 : i32
      %add3A_64 = arith.addi %add3A_63, %mul3A_62 : i32
      %scan3A_65 = arith.constant 0 : i32
      %scan3A_66 = arith.constant 4 : i32
      %scan3A_67 = arith.addi %scan3A_65, %scan3A_66 : i32
      %scan3A_68 = arith.constant 1 : i32
      scf.for %scan3A_70 = %scan3A_65 to %scan3A_67 step %scan3A_68  : i32 {
        %mul3A_71 = arith.constant 1 : i32
        %mul3A_72 = arith.muli %scan3A_70, %mul3A_71 : i32
        %add3A_73 = arith.constant 0 : i32
        %add3A_74 = arith.addi %add3A_73, %mul3A_72 : i32
        %mul3A_75 = arith.constant 16 : i32
        %mul3A_76 = arith.muli %add3A_74, %mul3A_75 : i32
        %swap3A = arith.index_cast %add3A_64 : i32 to index
        %swap3A_77 = arith.index_cast %mul3A_76 : i32 to index
        %swap3A_78 = tpu.vector_load %arg10[%swap3A, %swap3A_77] {strides = array<i32>} : memref<128x64xf32, #tpu.memory_space<vmem>>, vector<1x16xf32>,
        %swap3A_79 = vector.shape_cast %swap3A_78 : vector<1x16xf32> to vector<16xf32>
        %swap3A_80 = vector.shape_cast %broadcast_in_dim3A_1 : vector<16xf32> to vector<1x16xf32>
        tpu.vector_store %arg10[%swap3A, %swap3A_77], %swap3A_80 {strides = array<i32>} : memref<128x64xf32, #tpu.memory_space<vmem>>, vector<1x16xf32>,
      }
      %scan3A_69 = arith.constant 4 : i32
    }
    %scan3A_11 = arith.constant 128 : i32
    %scan3A_12 = arith.constant 0 : i32
    %scan3A_13 = arith.constant 5 : i32
    %scan3A_14 = arith.addi %scan3A_12, %scan3A_13 : i32
    %scan3A_15 = arith.constant 1 : i32
    scf.for %scan3A_60 = %scan3A_12 to %scan3A_14 step %scan3A_15  : i32 {
      %mul3A_61 = arith.constant 1 : i32
      %mul3A_62 = arith.muli %scan3A_60, %mul3A_61 : i32
      %add3A_63 = arith.constant 0 : i32
      %add3A_64 = arith.addi %add3A_63, %mul3A_62 : i32
      %mul3A_65 = arith.constant 5 : i32
      %mul3A_66 = arith.muli %arg1, %mul3A_65 : i32
      %add3A_67 = arith.addi %mul3A_66, %add3A_64 : i32
      %mul3A_68 = arith.constant 128 : i32
      %mul3A_69 = arith.muli %add3A_67, %mul3A_68 : i32
      "tpu.region"() ({
        %run_scoped3A = tpu.sem_alloc : memref<!tpu.dma_semaphore, #tpu.memory_space<semaphore_mem>>
        %dma_start3A = arith.constant 0 : i32
        %dma_start3A_70 = tpu.memref_slice %arg15[%mul3A_69, %dma_start3A] : memref<10240x64xf32, #tpu.memory_space<vmem_shared>> -> memref<128x64xf32, #tpu.memory_space<vmem_shared>>
        %dma_start3A_71 = arith.constant 0 : i32
        %dma_start3A_72 = tpu.memref_slice %arg15[%mul3A_69, %dma_start3A_71] : memref<10240x64xf32, #tpu.memory_space<vmem_shared>> -> memref<128x64xf32, #tpu.memory_space<vmem_shared>>
        tpu.enqueue_dma source(%arg10 : memref<128x64xf32, #tpu.memory_space<vmem>>) target(%dma_start3A_72 : memref<128x64xf32, #tpu.memory_space<vmem_shared>>) target_semaphore(%run_scoped3A : memref<!tpu.dma_semaphore, #tpu.memory_space<semaphore_mem>>)
        %dma_wait3A = arith.constant 0 : i32
        %dma_wait3A_73 = tpu.memref_slice %arg15[%mul3A_69, %dma_wait3A] : memref<10240x64xf32, #tpu.memory_space<vmem_shared>> -> memref<128x64xf32, #tpu.memory_space<vmem_shared>>
        %dma_wait3A_74 = arith.constant 0 : i32
        %dma_wait3A_75 = tpu.memref_slice %arg15[%mul3A_69, %dma_wait3A_74] : memref<10240x64xf32, #tpu.memory_space<vmem_shared>> -> memref<128x64xf32, #tpu.memory_space<vmem_shared>>
        tpu.wait_dma2 semaphore(%run_scoped3A : memref<!tpu.dma_semaphore, #tpu.memory_space<semaphore_mem>>) src(%arg10 : memref<128x64xf32, #tpu.memory_space<vmem>>) dst(%dma_wait3A_75 : memref<128x64xf32, #tpu.memory_space<vmem_shared>>)
        tpu.yield
      }) : () -> ()
    }
    %scan3A_16 = arith.constant 5 : i32
    %barrier3A = arith.constant 0 : index
    tpu.barrier barrier_id(%barrier3A)
    %scan3A_17 = arith.constant 0 : i32
    %scan3A_18 = arith.constant 5 : i32
    %scan3A_19 = arith.addi %scan3A_17, %scan3A_18 : i32
    %scan3A_20 = arith.constant 1 : i32
    scf.for %scan3A_60 = %scan3A_17 to %scan3A_19 step %scan3A_20  : i32 {
      %mul3A_61 = arith.constant 1 : i32
      %mul3A_62 = arith.muli %scan3A_60, %mul3A_61 : i32
      %add3A_63 = arith.constant 0 : i32
      %add3A_64 = arith.addi %add3A_63, %mul3A_62 : i32
      %mul3A_65 = arith.constant 16 : i32
      %mul3A_66 = arith.muli %add3A_64, %mul3A_65 : i32
      "tpu.region"() ({
        %run_scoped3A = tpu.sem_alloc : memref<!tpu.dma_semaphore, #tpu.memory_space<semaphore_mem>>
        %dma_start3A_515 = arith.constant 0 : i32
        %dma_start3A_516 = arith.constant 0 : i32
        %dma_start3A_517 = tpu.memref_slice %arg4[%add3A, %dma_start3A_515, %dma_start3A_516] : memref<32x80x128xi32, #tpu.memory_space<hbm>> -> memref<1x80x128xi32, #tpu.memory_space<hbm>>
        %dma_start3A_518 = tpu.memref_squeeze %dma_start3A_517 : memref<1x80x128xi32, #tpu.memory_space<hbm>> -> memref<80x128xi32, #tpu.memory_space<hbm>>
        %dma_start3A_519 = arith.constant 0 : i32
        %dma_start3A_520 = tpu.memref_slice %dma_start3A_518[%mul3A_66, %dma_start3A_519] : memref<80x128xi32, #tpu.memory_space<hbm>> -> memref<16x128xi32, #tpu.memory_space<hbm>>
        %dma_start3A_521 = arith.constant 0 : i32
        %dma_start3A_522 = arith.constant 0 : i32
        %dma_start3A_523 = tpu.memref_slice %arg4[%add3A, %dma_start3A_521, %dma_start3A_522] : memref<32x80x128xi32, #tpu.memory_space<hbm>> -> memref<1x80x128xi32, #tpu.memory_space<hbm>>
        %dma_start3A_524 = tpu.memref_squeeze %dma_start3A_523 : memref<1x80x128xi32, #tpu.memory_space<hbm>> -> memref<80x128xi32, #tpu.memory_space<hbm>>
        %dma_start3A_525 = arith.constant 0 : i32
        %dma_start3A_526 = tpu.memref_slice %dma_start3A_524[%mul3A_66, %dma_start3A_525] : memref<80x128xi32, #tpu.memory_space<hbm>> -> memref<16x128xi32, #tpu.memory_space<hbm>>
        tpu.enqueue_dma source(%dma_start3A_526 : memref<16x128xi32, #tpu.memory_space<hbm>>) target(%arg8 : memref<16x128xi32, #tpu.memory_space<vmem>>) target_semaphore(%run_scoped3A : memref<!tpu.dma_semaphore, #tpu.memory_space<semaphore_mem>>)
        %dma_wait3A_527 = arith.constant 0 : i32
        %dma_wait3A_528 = arith.constant 0 : i32
        %dma_wait3A_529 = tpu.memref_slice %arg4[%add3A, %dma_wait3A_527, %dma_wait3A_528] : memref<32x80x128xi32, #tpu.memory_space<hbm>> -> memref<1x80x128xi32, #tpu.memory_space<hbm>>
        %dma_wait3A_530 = tpu.memref_squeeze %dma_wait3A_529 : memref<1x80x128xi32, #tpu.memory_space<hbm>> -> memref<80x128xi32, #tpu.memory_space<hbm>>
        %dma_wait3A_531 = arith.constant 0 : i32
        %dma_wait3A_532 = tpu.memref_slice %dma_wait3A_530[%mul3A_66, %dma_wait3A_531] : memref<80x128xi32, #tpu.memory_space<hbm>> -> memref<16x128xi32, #tpu.memory_space<hbm>>
        %dma_wait3A_533 = arith.constant 0 : i32
        %dma_wait3A_534 = arith.constant 0 : i32
        %dma_wait3A_535 = tpu.memref_slice %arg4[%add3A, %dma_wait3A_533, %dma_wait3A_534] : memref<32x80x128xi32, #tpu.memory_space<hbm>> -> memref<1x80x128xi32, #tpu.memory_space<hbm>>
        %dma_wait3A_536 = tpu.memref_squeeze %dma_wait3A_535 : memref<1x80x128xi32, #tpu.memory_space<hbm>> -> memref<80x128xi32, #tpu.memory_space<hbm>>
        %dma_wait3A_537 = arith.constant 0 : i32
        %dma_wait3A_538 = tpu.memref_slice %dma_wait3A_536[%mul3A_66, %dma_wait3A_537] : memref<80x128xi32, #tpu.memory_space<hbm>> -> memref<16x128xi32, #tpu.memory_space<hbm>>
        tpu.wait_dma2 semaphore(%run_scoped3A : memref<!tpu.dma_semaphore, #tpu.memory_space<semaphore_mem>>) src(%dma_wait3A_538 : memref<16x128xi32, #tpu.memory_space<hbm>>) dst(%arg8 : memref<16x128xi32, #tpu.memory_space<vmem>>)
        tpu.yield
      }) : () -> ()
      %mul3A_67 = arith.constant 16 : i32
      %mul3A_68 = arith.muli %add3A_64, %mul3A_67 : i32
      "tpu.region"() ({
        %run_scoped3A = tpu.sem_alloc : memref<!tpu.dma_semaphore, #tpu.memory_space<semaphore_mem>>
        %dma_start3A_515 = arith.constant 0 : i32
        %dma_start3A_516 = arith.constant 0 : i32
        %dma_start3A_517 = tpu.memref_slice %arg5[%add3A, %dma_start3A_515, %dma_start3A_516] : memref<32x80x128xi32, #tpu.memory_space<hbm>> -> memref<1x80x128xi32, #tpu.memory_space<hbm>>
        %dma_start3A_518 = tpu.memref_squeeze %dma_start3A_517 : memref<1x80x128xi32, #tpu.memory_space<hbm>> -> memref<80x128xi32, #tpu.memory_space<hbm>>
        %dma_start3A_519 = arith.constant 0 : i32
        %dma_start3A_520 = tpu.memref_slice %dma_start3A_518[%mul3A_68, %dma_start3A_519] : memref<80x128xi32, #tpu.memory_space<hbm>> -> memref<16x128xi32, #tpu.memory_space<hbm>>
        %dma_start3A_521 = arith.constant 0 : i32
        %dma_start3A_522 = arith.constant 0 : i32
        %dma_start3A_523 = tpu.memref_slice %arg5[%add3A, %dma_start3A_521, %dma_start3A_522] : memref<32x80x128xi32, #tpu.memory_space<hbm>> -> memref<1x80x128xi32, #tpu.memory_space<hbm>>
        %dma_start3A_524 = tpu.memref_squeeze %dma_start3A_523 : memref<1x80x128xi32, #tpu.memory_space<hbm>> -> memref<80x128xi32, #tpu.memory_space<hbm>>
        %dma_start3A_525 = arith.constant 0 : i32
        %dma_start3A_526 = tpu.memref_slice %dma_start3A_524[%mul3A_68, %dma_start3A_525] : memref<80x128xi32, #tpu.memory_space<hbm>> -> memref<16x128xi32, #tpu.memory_space<hbm>>
        tpu.enqueue_dma source(%dma_start3A_526 : memref<16x128xi32, #tpu.memory_space<hbm>>) target(%arg9 : memref<16x128xi32, #tpu.memory_space<vmem>>) target_semaphore(%run_scoped3A : memref<!tpu.dma_semaphore, #tpu.memory_space<semaphore_mem>>)
        %dma_wait3A_527 = arith.constant 0 : i32
        %dma_wait3A_528 = arith.constant 0 : i32
        %dma_wait3A_529 = tpu.memref_slice %arg5[%add3A, %dma_wait3A_527, %dma_wait3A_528] : memref<32x80x128xi32, #tpu.memory_space<hbm>> -> memref<1x80x128xi32, #tpu.memory_space<hbm>>
        %dma_wait3A_530 = tpu.memref_squeeze %dma_wait3A_529 : memref<1x80x128xi32, #tpu.memory_space<hbm>> -> memref<80x128xi32, #tpu.memory_space<hbm>>
        %dma_wait3A_531 = arith.constant 0 : i32
        %dma_wait3A_532 = tpu.memref_slice %dma_wait3A_530[%mul3A_68, %dma_wait3A_531] : memref<80x128xi32, #tpu.memory_space<hbm>> -> memref<16x128xi32, #tpu.memory_space<hbm>>
        %dma_wait3A_533 = arith.constant 0 : i32
        %dma_wait3A_534 = arith.constant 0 : i32
        %dma_wait3A_535 = tpu.memref_slice %arg5[%add3A, %dma_wait3A_533, %dma_wait3A_534] : memref<32x80x128xi32, #tpu.memory_space<hbm>> -> memref<1x80x128xi32, #tpu.memory_space<hbm>>
        %dma_wait3A_536 = tpu.memref_squeeze %dma_wait3A_535 : memref<1x80x128xi32, #tpu.memory_space<hbm>> -> memref<80x128xi32, #tpu.memory_space<hbm>>
        %dma_wait3A_537 = arith.constant 0 : i32
        %dma_wait3A_538 = tpu.memref_slice %dma_wait3A_536[%mul3A_68, %dma_wait3A_537] : memref<80x128xi32, #tpu.memory_space<hbm>> -> memref<16x128xi32, #tpu.memory_space<hbm>>
        tpu.wait_dma2 semaphore(%run_scoped3A : memref<!tpu.dma_semaphore, #tpu.memory_space<semaphore_mem>>) src(%dma_wait3A_538 : memref<16x128xi32, #tpu.memory_space<hbm>>) dst(%arg9 : memref<16x128xi32, #tpu.memory_space<vmem>>)
        tpu.yield
      }) : () -> ()
      %dma_start3A = arith.constant 0 : i32
      %dma_start3A_69 = arith.constant 0 : i32
      %dma_start3A_70 = tpu.memref_slice %arg8[%dma_start3A, %dma_start3A_69] : memref<16x128xi32, #tpu.memory_space<vmem>> -> memref<1x128xi32, #tpu.memory_space<vmem>>
      %dma_start3A_71 = tpu.memref_squeeze %dma_start3A_70 : memref<1x128xi32, #tpu.memory_space<vmem>> -> memref<128xi32, #tpu.memory_space<vmem>>
      %dma_start3A_72 = arith.constant 0 : i32
      %dma_start3A_73 = arith.constant 0 : i32
      %dma_start3A_74 = tpu.memref_slice %arg14[%dma_start3A_72, %dma_start3A_73] : memref<10240x64xf32, #tpu.memory_space<vmem_shared>> -> memref<10240x64xf32, #tpu.memory_space<vmem_shared>>
      tpu.enqueue_indirect_dma source(%dma_start3A_74 : memref<10240x64xf32, #tpu.memory_space<vmem_shared>>) target(%arg10 : memref<128x64xf32, #tpu.memory_space<vmem>>) offsets(%dma_start3A_71 : memref<128xi32, #tpu.memory_space<vmem>>) semaphore(%arg16 : memref<!tpu.dma_semaphore, #tpu.memory_space<semaphore_mem>>)
      %dma_start3A_75 = arith.constant 1 : i32
      %dma_start3A_76 = arith.constant 0 : i32
      %dma_start3A_77 = tpu.memref_slice %arg8[%dma_start3A_75, %dma_start3A_76] : memref<16x128xi32, #tpu.memory_space<vmem>> -> memref<1x128xi32, #tpu.memory_space<vmem>>
      %dma_start3A_78 = tpu.memref_squeeze %dma_start3A_77 : memref<1x128xi32, #tpu.memory_space<vmem>> -> memref<128xi32, #tpu.memory_space<vmem>>
      %dma_start3A_79 = arith.constant 0 : i32
      %dma_start3A_80 = arith.constant 0 : i32
      %dma_start3A_81 = tpu.memref_slice %arg14[%dma_start3A_79, %dma_start3A_80] : memref<10240x64xf32, #tpu.memory_space<vmem_shared>> -> memref<10240x64xf32, #tpu.memory_space<vmem_shared>>
      tpu.enqueue_indirect_dma source(%dma_start3A_81 : memref<10240x64xf32, #tpu.memory_space<vmem_shared>>) target(%arg11 : memref<128x64xf32, #tpu.memory_space<vmem>>) offsets(%dma_start3A_78 : memref<128xi32, #tpu.memory_space<vmem>>) semaphore(%arg16 : memref<!tpu.dma_semaphore, #tpu.memory_space<semaphore_mem>>)
      %dma_start3A_82 = arith.constant 2 : i32
      %dma_start3A_83 = arith.constant 0 : i32
      %dma_start3A_84 = tpu.memref_slice %arg8[%dma_start3A_82, %dma_start3A_83] : memref<16x128xi32, #tpu.memory_space<vmem>> -> memref<1x128xi32, #tpu.memory_space<vmem>>
      %dma_start3A_85 = tpu.memref_squeeze %dma_start3A_84 : memref<1x128xi32, #tpu.memory_space<vmem>> -> memref<128xi32, #tpu.memory_space<vmem>>
      %dma_start3A_86 = arith.constant 0 : i32
      %dma_start3A_87 = arith.constant 0 : i32
      %dma_start3A_88 = tpu.memref_slice %arg14[%dma_start3A_86, %dma_start3A_87] : memref<10240x64xf32, #tpu.memory_space<vmem_shared>> -> memref<10240x64xf32, #tpu.memory_space<vmem_shared>>
      tpu.enqueue_indirect_dma source(%dma_start3A_88 : memref<10240x64xf32, #tpu.memory_space<vmem_shared>>) target(%arg12 : memref<128x64xf32, #tpu.memory_space<vmem>>) offsets(%dma_start3A_85 : memref<128xi32, #tpu.memory_space<vmem>>) semaphore(%arg16 : memref<!tpu.dma_semaphore, #tpu.memory_space<semaphore_mem>>)
      %dma_wait3A = arith.constant 0 : i32
      %dma_wait3A_89 = arith.constant 0 : i32
      %dma_wait3A_90 = tpu.memref_slice %arg8[%dma_wait3A, %dma_wait3A_89] : memref<16x128xi32, #tpu.memory_space<vmem>> -> memref<1x128xi32, #tpu.memory_space<vmem>>
      %dma_wait3A_91 = tpu.memref_squeeze %dma_wait3A_90 : memref<1x128xi32, #tpu.memory_space<vmem>> -> memref<128xi32, #tpu.memory_space<vmem>>
      %dma_wait3A_92 = arith.constant 0 : i32
      %dma_wait3A_93 = arith.constant 0 : i32
      %dma_wait3A_94 = tpu.memref_slice %arg14[%dma_wait3A_92, %dma_wait3A_93] : memref<10240x64xf32, #tpu.memory_space<vmem_shared>> -> memref<10240x64xf32, #tpu.memory_space<vmem_shared>>
      tpu.wait_indirect_dma semaphore(%arg16 : memref<!tpu.dma_semaphore, #tpu.memory_space<semaphore_mem>>) src(%dma_wait3A_94 : memref<10240x64xf32, #tpu.memory_space<vmem_shared>>) dst(%arg10 : memref<128x64xf32, #tpu.memory_space<vmem>>)
      %dma_start3A_95 = arith.constant 0 : i32
      %dma_start3A_96 = arith.constant 0 : i32
      %dma_start3A_97 = tpu.memref_slice %arg9[%dma_start3A_95, %dma_start3A_96] : memref<16x128xi32, #tpu.memory_space<vmem>> -> memref<1x128xi32, #tpu.memory_space<vmem>>
      %dma_start3A_98 = tpu.memref_squeeze %dma_start3A_97 : memref<1x128xi32, #tpu.memory_space<vmem>> -> memref<128xi32, #tpu.memory_space<vmem>>
      %dma_start3A_99 = arith.constant 0 : i32
      %dma_start3A_100 = arith.constant 0 : i32
      %dma_start3A_101 = tpu.memref_slice %arg15[%dma_start3A_99, %dma_start3A_100] : memref<10240x64xf32, #tpu.memory_space<vmem_shared>> -> memref<10240x64xf32, #tpu.memory_space<vmem_shared>>
      tpu.enqueue_indirect_dma source(%arg10 : memref<128x64xf32, #tpu.memory_space<vmem>>) target(%dma_start3A_101 : memref<10240x64xf32, #tpu.memory_space<vmem_shared>>) offsets(%dma_start3A_98 : memref<128xi32, #tpu.memory_space<vmem>>) semaphore(%arg17 : memref<!tpu.dma_semaphore, #tpu.memory_space<semaphore_mem>>) {add = true}
      %dma_start3A_102 = arith.constant 3 : i32
      %dma_start3A_103 = arith.constant 0 : i32
      %dma_start3A_104 = tpu.memref_slice %arg8[%dma_start3A_102, %dma_start3A_103] : memref<16x128xi32, #tpu.memory_space<vmem>> -> memref<1x128xi32, #tpu.memory_space<vmem>>
      %dma_start3A_105 = tpu.memref_squeeze %dma_start3A_104 : memref<1x128xi32, #tpu.memory_space<vmem>> -> memref<128xi32, #tpu.memory_space<vmem>>
      %dma_start3A_106 = arith.constant 0 : i32
      %dma_start3A_107 = arith.constant 0 : i32
      %dma_start3A_108 = tpu.memref_slice %arg14[%dma_start3A_106, %dma_start3A_107] : memref<10240x64xf32, #tpu.memory_space<vmem_shared>> -> memref<10240x64xf32, #tpu.memory_space<vmem_shared>>
      tpu.enqueue_indirect_dma source(%dma_start3A_108 : memref<10240x64xf32, #tpu.memory_space<vmem_shared>>) target(%arg13 : memref<128x64xf32, #tpu.memory_space<vmem>>) offsets(%dma_start3A_105 : memref<128xi32, #tpu.memory_space<vmem>>) semaphore(%arg16 : memref<!tpu.dma_semaphore, #tpu.memory_space<semaphore_mem>>)
      %dma_wait3A_109 = arith.constant 1 : i32
      %dma_wait3A_110 = arith.constant 0 : i32
      %dma_wait3A_111 = tpu.memref_slice %arg8[%dma_wait3A_109, %dma_wait3A_110] : memref<16x128xi32, #tpu.memory_space<vmem>> -> memref<1x128xi32, #tpu.memory_space<vmem>>
      %dma_wait3A_112 = tpu.memref_squeeze %dma_wait3A_111 : memref<1x128xi32, #tpu.memory_space<vmem>> -> memref<128xi32, #tpu.memory_space<vmem>>
      %dma_wait3A_113 = arith.constant 0 : i32
      %dma_wait3A_114 = arith.constant 0 : i32
      %dma_wait3A_115 = tpu.memref_slice %arg14[%dma_wait3A_113, %dma_wait3A_114] : memref<10240x64xf32, #tpu.memory_space<vmem_shared>> -> memref<10240x64xf32, #tpu.memory_space<vmem_shared>>
      tpu.wait_indirect_dma semaphore(%arg16 : memref<!tpu.dma_semaphore, #tpu.memory_space<semaphore_mem>>) src(%dma_wait3A_115 : memref<10240x64xf32, #tpu.memory_space<vmem_shared>>) dst(%arg11 : memref<128x64xf32, #tpu.memory_space<vmem>>)
      %dma_start3A_116 = arith.constant 1 : i32
      %dma_start3A_117 = arith.constant 0 : i32
      %dma_start3A_118 = tpu.memref_slice %arg9[%dma_start3A_116, %dma_start3A_117] : memref<16x128xi32, #tpu.memory_space<vmem>> -> memref<1x128xi32, #tpu.memory_space<vmem>>
      %dma_start3A_119 = tpu.memref_squeeze %dma_start3A_118 : memref<1x128xi32, #tpu.memory_space<vmem>> -> memref<128xi32, #tpu.memory_space<vmem>>
      %dma_start3A_120 = arith.constant 0 : i32
      %dma_start3A_121 = arith.constant 0 : i32
      %dma_start3A_122 = tpu.memref_slice %arg15[%dma_start3A_120, %dma_start3A_121] : memref<10240x64xf32, #tpu.memory_space<vmem_shared>> -> memref<10240x64xf32, #tpu.memory_space<vmem_shared>>
      tpu.enqueue_indirect_dma source(%arg11 : memref<128x64xf32, #tpu.memory_space<vmem>>) target(%dma_start3A_122 : memref<10240x64xf32, #tpu.memory_space<vmem_shared>>) offsets(%dma_start3A_119 : memref<128xi32, #tpu.memory_space<vmem>>) semaphore(%arg17 : memref<!tpu.dma_semaphore, #tpu.memory_space<semaphore_mem>>) {add = true}
      %dma_wait3A_123 = arith.constant 0 : i32
      %dma_wait3A_124 = arith.constant 0 : i32
      %dma_wait3A_125 = tpu.memref_slice %arg9[%dma_wait3A_123, %dma_wait3A_124] : memref<16x128xi32, #tpu.memory_space<vmem>> -> memref<1x128xi32, #tpu.memory_space<vmem>>
      %dma_wait3A_126 = tpu.memref_squeeze %dma_wait3A_125 : memref<1x128xi32, #tpu.memory_space<vmem>> -> memref<128xi32, #tpu.memory_space<vmem>>
      %dma_wait3A_127 = arith.constant 0 : i32
      %dma_wait3A_128 = arith.constant 0 : i32
      %dma_wait3A_129 = tpu.memref_slice %arg15[%dma_wait3A_127, %dma_wait3A_128] : memref<10240x64xf32, #tpu.memory_space<vmem_shared>> -> memref<10240x64xf32, #tpu.memory_space<vmem_shared>>
      tpu.wait_indirect_dma semaphore(%arg17 : memref<!tpu.dma_semaphore, #tpu.memory_space<semaphore_mem>>) src(%arg10 : memref<128x64xf32, #tpu.memory_space<vmem>>) dst(%dma_wait3A_129 : memref<10240x64xf32, #tpu.memory_space<vmem_shared>>)
      %dma_start3A_130 = arith.constant 4 : i32
      %dma_start3A_131 = arith.constant 0 : i32
      %dma_start3A_132 = tpu.memref_slice %arg8[%dma_start3A_130, %dma_start3A_131] : memref<16x128xi32, #tpu.memory_space<vmem>> -> memref<1x128xi32, #tpu.memory_space<vmem>>
      %dma_start3A_133 = tpu.memref_squeeze %dma_start3A_132 : memref<1x128xi32, #tpu.memory_space<vmem>> -> memref<128xi32, #tpu.memory_space<vmem>>
      %dma_start3A_134 = arith.constant 0 : i32
      %dma_start3A_135 = arith.constant 0 : i32
      %dma_start3A_136 = tpu.memref_slice %arg14[%dma_start3A_134, %dma_start3A_135] : memref<10240x64xf32, #tpu.memory_space<vmem_shared>> -> memref<10240x64xf32, #tpu.memory_space<vmem_shared>>
      tpu.enqueue_indirect_dma source(%dma_start3A_136 : memref<10240x64xf32, #tpu.memory_space<vmem_shared>>) target(%arg10 : memref<128x64xf32, #tpu.memory_space<vmem>>) offsets(%dma_start3A_133 : memref<128xi32, #tpu.memory_space<vmem>>) semaphore(%arg16 : memref<!tpu.dma_semaphore, #tpu.memory_space<semaphore_mem>>)
      %dma_wait3A_137 = arith.constant 2 : i32
      %dma_wait3A_138 = arith.constant 0 : i32
      %dma_wait3A_139 = tpu.memref_slice %arg8[%dma_wait3A_137, %dma_wait3A_138] : memref<16x128xi32, #tpu.memory_space<vmem>> -> memref<1x128xi32, #tpu.memory_space<vmem>>
      %dma_wait3A_140 = tpu.memref_squeeze %dma_wait3A_139 : memref<1x128xi32, #tpu.memory_space<vmem>> -> memref<128xi32, #tpu.memory_space<vmem>>
      %dma_wait3A_141 = arith.constant 0 : i32
      %dma_wait3A_142 = arith.constant 0 : i32
      %dma_wait3A_143 = tpu.memref_slice %arg14[%dma_wait3A_141, %dma_wait3A_142] : memref<10240x64xf32, #tpu.memory_space<vmem_shared>> -> memref<10240x64xf32, #tpu.memory_space<vmem_shared>>
      tpu.wait_indirect_dma semaphore(%arg16 : memref<!tpu.dma_semaphore, #tpu.memory_space<semaphore_mem>>) src(%dma_wait3A_143 : memref<10240x64xf32, #tpu.memory_space<vmem_shared>>) dst(%arg12 : memref<128x64xf32, #tpu.memory_space<vmem>>)
      %dma_start3A_144 = arith.constant 2 : i32
      %dma_start3A_145 = arith.constant 0 : i32
      %dma_start3A_146 = tpu.memref_slice %arg9[%dma_start3A_144, %dma_start3A_145] : memref<16x128xi32, #tpu.memory_space<vmem>> -> memref<1x128xi32, #tpu.memory_space<vmem>>
      %dma_start3A_147 = tpu.memref_squeeze %dma_start3A_146 : memref<1x128xi32, #tpu.memory_space<vmem>> -> memref<128xi32, #tpu.memory_space<vmem>>
      %dma_start3A_148 = arith.constant 0 : i32
      %dma_start3A_149 = arith.constant 0 : i32
      %dma_start3A_150 = tpu.memref_slice %arg15[%dma_start3A_148, %dma_start3A_149] : memref<10240x64xf32, #tpu.memory_space<vmem_shared>> -> memref<10240x64xf32, #tpu.memory_space<vmem_shared>>
      tpu.enqueue_indirect_dma source(%arg12 : memref<128x64xf32, #tpu.memory_space<vmem>>) target(%dma_start3A_150 : memref<10240x64xf32, #tpu.memory_space<vmem_shared>>) offsets(%dma_start3A_147 : memref<128xi32, #tpu.memory_space<vmem>>) semaphore(%arg17 : memref<!tpu.dma_semaphore, #tpu.memory_space<semaphore_mem>>) {add = true}
      %dma_wait3A_151 = arith.constant 1 : i32
      %dma_wait3A_152 = arith.constant 0 : i32
      %dma_wait3A_153 = tpu.memref_slice %arg9[%dma_wait3A_151, %dma_wait3A_152] : memref<16x128xi32, #tpu.memory_space<vmem>> -> memref<1x128xi32, #tpu.memory_space<vmem>>
      %dma_wait3A_154 = tpu.memref_squeeze %dma_wait3A_153 : memref<1x128xi32, #tpu.memory_space<vmem>> -> memref<128xi32, #tpu.memory_space<vmem>>
      %dma_wait3A_155 = arith.constant 0 : i32
      %dma_wait3A_156 = arith.constant 0 : i32
      %dma_wait3A_157 = tpu.memref_slice %arg15[%dma_wait3A_155, %dma_wait3A_156] : memref<10240x64xf32, #tpu.memory_space<vmem_shared>> -> memref<10240x64xf32, #tpu.memory_space<vmem_shared>>
      tpu.wait_indirect_dma semaphore(%arg17 : memref<!tpu.dma_semaphore, #tpu.memory_space<semaphore_mem>>) src(%arg11 : memref<128x64xf32, #tpu.memory_space<vmem>>) dst(%dma_wait3A_157 : memref<10240x64xf32, #tpu.memory_space<vmem_shared>>)
      %dma_start3A_158 = arith.constant 5 : i32
      %dma_start3A_159 = arith.constant 0 : i32
      %dma_start3A_160 = tpu.memref_slice %arg8[%dma_start3A_158, %dma_start3A_159] : memref<16x128xi32, #tpu.memory_space<vmem>> -> memref<1x128xi32, #tpu.memory_space<vmem>>
      %dma_start3A_161 = tpu.memref_squeeze %dma_start3A_160 : memref<1x128xi32, #tpu.memory_space<vmem>> -> memref<128xi32, #tpu.memory_space<vmem>>
      %dma_start3A_162 = arith.constant 0 : i32
      %dma_start3A_163 = arith.constant 0 : i32
      %dma_start3A_164 = tpu.memref_slice %arg14[%dma_start3A_162, %dma_start3A_163] : memref<10240x64xf32, #tpu.memory_space<vmem_shared>> -> memref<10240x64xf32, #tpu.memory_space<vmem_shared>>
      tpu.enqueue_indirect_dma source(%dma_start3A_164 : memref<10240x64xf32, #tpu.memory_space<vmem_shared>>) target(%arg11 : memref<128x64xf32, #tpu.memory_space<vmem>>) offsets(%dma_start3A_161 : memref<128xi32, #tpu.memory_space<vmem>>) semaphore(%arg16 : memref<!tpu.dma_semaphore, #tpu.memory_space<semaphore_mem>>)
      %dma_wait3A_165 = arith.constant 3 : i32
      %dma_wait3A_166 = arith.constant 0 : i32
      %dma_wait3A_167 = tpu.memref_slice %arg8[%dma_wait3A_165, %dma_wait3A_166] : memref<16x128xi32, #tpu.memory_space<vmem>> -> memref<1x128xi32, #tpu.memory_space<vmem>>
      %dma_wait3A_168 = tpu.memref_squeeze %dma_wait3A_167 : memref<1x128xi32, #tpu.memory_space<vmem>> -> memref<128xi32, #tpu.memory_space<vmem>>
      %dma_wait3A_169 = arith.constant 0 : i32
      %dma_wait3A_170 = arith.constant 0 : i32
      %dma_wait3A_171 = tpu.memref_slice %arg14[%dma_wait3A_169, %dma_wait3A_170] : memref<10240x64xf32, #tpu.memory_space<vmem_shared>> -> memref<10240x64xf32, #tpu.memory_space<vmem_shared>>
      tpu.wait_indirect_dma semaphore(%arg16 : memref<!tpu.dma_semaphore, #tpu.memory_space<semaphore_mem>>) src(%dma_wait3A_171 : memref<10240x64xf32, #tpu.memory_space<vmem_shared>>) dst(%arg13 : memref<128x64xf32, #tpu.memory_space<vmem>>)
      %dma_start3A_172 = arith.constant 3 : i32
      %dma_start3A_173 = arith.constant 0 : i32
      %dma_start3A_174 = tpu.memref_slice %arg9[%dma_start3A_172, %dma_start3A_173] : memref<16x128xi32, #tpu.memory_space<vmem>> -> memref<1x128xi32, #tpu.memory_space<vmem>>
      %dma_start3A_175 = tpu.memref_squeeze %dma_start3A_174 : memref<1x128xi32, #tpu.memory_space<vmem>> -> memref<128xi32, #tpu.memory_space<vmem>>
      %dma_start3A_176 = arith.constant 0 : i32
      %dma_start3A_177 = arith.constant 0 : i32
      %dma_start3A_178 = tpu.memref_slice %arg15[%dma_start3A_176, %dma_start3A_177] : memref<10240x64xf32, #tpu.memory_space<vmem_shared>> -> memref<10240x64xf32, #tpu.memory_space<vmem_shared>>
      tpu.enqueue_indirect_dma source(%arg13 : memref<128x64xf32, #tpu.memory_space<vmem>>) target(%dma_start3A_178 : memref<10240x64xf32, #tpu.memory_space<vmem_shared>>) offsets(%dma_start3A_175 : memref<128xi32, #tpu.memory_space<vmem>>) semaphore(%arg17 : memref<!tpu.dma_semaphore, #tpu.memory_space<semaphore_mem>>) {add = true}
      %dma_wait3A_179 = arith.constant 2 : i32
      %dma_wait3A_180 = arith.constant 0 : i32
      %dma_wait3A_181 = tpu.memref_slice %arg9[%dma_wait3A_179, %dma_wait3A_180] : memref<16x128xi32, #tpu.memory_space<vmem>> -> memref<1x128xi32, #tpu.memory_space<vmem>>
      %dma_wait3A_182 = tpu.memref_squeeze %dma_wait3A_181 : memref<1x128xi32, #tpu.memory_space<vmem>> -> memref<128xi32, #tpu.memory_space<vmem>>
      %dma_wait3A_183 = arith.constant 0 : i32
      %dma_wait3A_184 = arith.constant 0 : i32
      %dma_wait3A_185 = tpu.memref_slice %arg15[%dma_wait3A_183, %dma_wait3A_184] : memref<10240x64xf32, #tpu.memory_space<vmem_shared>> -> memref<10240x64xf32, #tpu.memory_space<vmem_shared>>
      tpu.wait_indirect_dma semaphore(%arg17 : memref<!tpu.dma_semaphore, #tpu.memory_space<semaphore_mem>>) src(%arg12 : memref<128x64xf32, #tpu.memory_space<vmem>>) dst(%dma_wait3A_185 : memref<10240x64xf32, #tpu.memory_space<vmem_shared>>)
      %dma_start3A_186 = arith.constant 6 : i32
      %dma_start3A_187 = arith.constant 0 : i32
      %dma_start3A_188 = tpu.memref_slice %arg8[%dma_start3A_186, %dma_start3A_187] : memref<16x128xi32, #tpu.memory_space<vmem>> -> memref<1x128xi32, #tpu.memory_space<vmem>>
      %dma_start3A_189 = tpu.memref_squeeze %dma_start3A_188 : memref<1x128xi32, #tpu.memory_space<vmem>> -> memref<128xi32, #tpu.memory_space<vmem>>
      %dma_start3A_190 = arith.constant 0 : i32
      %dma_start3A_191 = arith.constant 0 : i32
      %dma_start3A_192 = tpu.memref_slice %arg14[%dma_start3A_190, %dma_start3A_191] : memref<10240x64xf32, #tpu.memory_space<vmem_shared>> -> memref<10240x64xf32, #tpu.memory_space<vmem_shared>>
      tpu.enqueue_indirect_dma source(%dma_start3A_192 : memref<10240x64xf32, #tpu.memory_space<vmem_shared>>) target(%arg12 : memref<128x64xf32, #tpu.memory_space<vmem>>) offsets(%dma_start3A_189 : memref<128xi32, #tpu.memory_space<vmem>>) semaphore(%arg16 : memref<!tpu.dma_semaphore, #tpu.memory_space<semaphore_mem>>)
      %dma_wait3A_193 = arith.constant 4 : i32
      %dma_wait3A_194 = arith.constant 0 : i32
      %dma_wait3A_195 = tpu.memref_slice %arg8[%dma_wait3A_193, %dma_wait3A_194] : memref<16x128xi32, #tpu.memory_space<vmem>> -> memref<1x128xi32, #tpu.memory_space<vmem>>
      %dma_wait3A_196 = tpu.memref_squeeze %dma_wait3A_195 : memref<1x128xi32, #tpu.memory_space<vmem>> -> memref<128xi32, #tpu.memory_space<vmem>>
      %dma_wait3A_197 = arith.constant 0 : i32
      %dma_wait3A_198 = arith.constant 0 : i32
      %dma_wait3A_199 = tpu.memref_slice %arg14[%dma_wait3A_197, %dma_wait3A_198] : memref<10240x64xf32, #tpu.memory_space<vmem_shared>> -> memref<10240x64xf32, #tpu.memory_space<vmem_shared>>
      tpu.wait_indirect_dma semaphore(%arg16 : memref<!tpu.dma_semaphore, #tpu.memory_space<semaphore_mem>>) src(%dma_wait3A_199 : memref<10240x64xf32, #tpu.memory_space<vmem_shared>>) dst(%arg10 : memref<128x64xf32, #tpu.memory_space<vmem>>)
      %dma_start3A_200 = arith.constant 4 : i32
      %dma_start3A_201 = arith.constant 0 : i32
      %dma_start3A_202 = tpu.memref_slice %arg9[%dma_start3A_200, %dma_start3A_201] : memref<16x128xi32, #tpu.memory_space<vmem>> -> memref<1x128xi32, #tpu.memory_space<vmem>>
      %dma_start3A_203 = tpu.memref_squeeze %dma_start3A_202 : memref<1x128xi32, #tpu.memory_space<vmem>> -> memref<128xi32, #tpu.memory_space<vmem>>
      %dma_start3A_204 = arith.constant 0 : i32
      %dma_start3A_205 = arith.constant 0 : i32
      %dma_start3A_206 = tpu.memref_slice %arg15[%dma_start3A_204, %dma_start3A_205] : memref<10240x64xf32, #tpu.memory_space<vmem_shared>> -> memref<10240x64xf32, #tpu.memory_space<vmem_shared>>
      tpu.enqueue_indirect_dma source(%arg10 : memref<128x64xf32, #tpu.memory_space<vmem>>) target(%dma_start3A_206 : memref<10240x64xf32, #tpu.memory_space<vmem_shared>>) offsets(%dma_start3A_203 : memref<128xi32, #tpu.memory_space<vmem>>) semaphore(%arg17 : memref<!tpu.dma_semaphore, #tpu.memory_space<semaphore_mem>>) {add = true}
      %dma_wait3A_207 = arith.constant 3 : i32
      %dma_wait3A_208 = arith.constant 0 : i32
      %dma_wait3A_209 = tpu.memref_slice %arg9[%dma_wait3A_207, %dma_wait3A_208] : memref<16x128xi32, #tpu.memory_space<vmem>> -> memref<1x128xi32, #tpu.memory_space<vmem>>
      %dma_wait3A_210 = tpu.memref_squeeze %dma_wait3A_209 : memref<1x128xi32, #tpu.memory_space<vmem>> -> memref<128xi32, #tpu.memory_space<vmem>>
      %dma_wait3A_211 = arith.constant 0 : i32
      %dma_wait3A_212 = arith.constant 0 : i32
      %dma_wait3A_213 = tpu.memref_slice %arg15[%dma_wait3A_211, %dma_wait3A_212] : memref<10240x64xf32, #tpu.memory_space<vmem_shared>> -> memref<10240x64xf32, #tpu.memory_space<vmem_shared>>
      tpu.wait_indirect_dma semaphore(%arg17 : memref<!tpu.dma_semaphore, #tpu.memory_space<semaphore_mem>>) src(%arg13 : memref<128x64xf32, #tpu.memory_space<vmem>>) dst(%dma_wait3A_213 : memref<10240x64xf32, #tpu.memory_space<vmem_shared>>)
      %dma_start3A_214 = arith.constant 7 : i32
      %dma_start3A_215 = arith.constant 0 : i32
      %dma_start3A_216 = tpu.memref_slice %arg8[%dma_start3A_214, %dma_start3A_215] : memref<16x128xi32, #tpu.memory_space<vmem>> -> memref<1x128xi32, #tpu.memory_space<vmem>>
      %dma_start3A_217 = tpu.memref_squeeze %dma_start3A_216 : memref<1x128xi32, #tpu.memory_space<vmem>> -> memref<128xi32, #tpu.memory_space<vmem>>
      %dma_start3A_218 = arith.constant 0 : i32
      %dma_start3A_219 = arith.constant 0 : i32
      %dma_start3A_220 = tpu.memref_slice %arg14[%dma_start3A_218, %dma_start3A_219] : memref<10240x64xf32, #tpu.memory_space<vmem_shared>> -> memref<10240x64xf32, #tpu.memory_space<vmem_shared>>
      tpu.enqueue_indirect_dma source(%dma_start3A_220 : memref<10240x64xf32, #tpu.memory_space<vmem_shared>>) target(%arg13 : memref<128x64xf32, #tpu.memory_space<vmem>>) offsets(%dma_start3A_217 : memref<128xi32, #tpu.memory_space<vmem>>) semaphore(%arg16 : memref<!tpu.dma_semaphore, #tpu.memory_space<semaphore_mem>>)
      %dma_wait3A_221 = arith.constant 5 : i32
      %dma_wait3A_222 = arith.constant 0 : i32
      %dma_wait3A_223 = tpu.memref_slice %arg8[%dma_wait3A_221, %dma_wait3A_222] : memref<16x128xi32, #tpu.memory_space<vmem>> -> memref<1x128xi32, #tpu.memory_space<vmem>>
      %dma_wait3A_224 = tpu.memref_squeeze %dma_wait3A_223 : memref<1x128xi32, #tpu.memory_space<vmem>> -> memref<128xi32, #tpu.memory_space<vmem>>
      %dma_wait3A_225 = arith.constant 0 : i32
      %dma_wait3A_226 = arith.constant 0 : i32
      %dma_wait3A_227 = tpu.memref_slice %arg14[%dma_wait3A_225, %dma_wait3A_226] : memref<10240x64xf32, #tpu.memory_space<vmem_shared>> -> memref<10240x64xf32, #tpu.memory_space<vmem_shared>>
      tpu.wait_indirect_dma semaphore(%arg16 : memref<!tpu.dma_semaphore, #tpu.memory_space<semaphore_mem>>) src(%dma_wait3A_227 : memref<10240x64xf32, #tpu.memory_space<vmem_shared>>) dst(%arg11 : memref<128x64xf32, #tpu.memory_space<vmem>>)
      %dma_start3A_228 = arith.constant 5 : i32
      %dma_start3A_229 = arith.constant 0 : i32
      %dma_start3A_230 = tpu.memref_slice %arg9[%dma_start3A_228, %dma_start3A_229] : memref<16x128xi32, #tpu.memory_space<vmem>> -> memref<1x128xi32, #tpu.memory_space<vmem>>
      %dma_start3A_231 = tpu.memref_squeeze %dma_start3A_230 : memref<1x128xi32, #tpu.memory_space<vmem>> -> memref<128xi32, #tpu.memory_space<vmem>>
      %dma_start3A_232 = arith.constant 0 : i32
      %dma_start3A_233 = arith.constant 0 : i32
      %dma_start3A_234 = tpu.memref_slice %arg15[%dma_start3A_232, %dma_start3A_233] : memref<10240x64xf32, #tpu.memory_space<vmem_shared>> -> memref<10240x64xf32, #tpu.memory_space<vmem_shared>>
      tpu.enqueue_indirect_dma source(%arg11 : memref<128x64xf32, #tpu.memory_space<vmem>>) target(%dma_start3A_234 : memref<10240x64xf32, #tpu.memory_space<vmem_shared>>) offsets(%dma_start3A_231 : memref<128xi32, #tpu.memory_space<vmem>>) semaphore(%arg17 : memref<!tpu.dma_semaphore, #tpu.memory_space<semaphore_mem>>) {add = true}
      %dma_wait3A_235 = arith.constant 4 : i32
      %dma_wait3A_236 = arith.constant 0 : i32
      %dma_wait3A_237 = tpu.memref_slice %arg9[%dma_wait3A_235, %dma_wait3A_236] : memref<16x128xi32, #tpu.memory_space<vmem>> -> memref<1x128xi32, #tpu.memory_space<vmem>>
      %dma_wait3A_238 = tpu.memref_squeeze %dma_wait3A_237 : memref<1x128xi32, #tpu.memory_space<vmem>> -> memref<128xi32, #tpu.memory_space<vmem>>
      %dma_wait3A_239 = arith.constant 0 : i32
      %dma_wait3A_240 = arith.constant 0 : i32
      %dma_wait3A_241 = tpu.memref_slice %arg15[%dma_wait3A_239, %dma_wait3A_240] : memref<10240x64xf32, #tpu.memory_space<vmem_shared>> -> memref<10240x64xf32, #tpu.memory_space<vmem_shared>>
      tpu.wait_indirect_dma semaphore(%arg17 : memref<!tpu.dma_semaphore, #tpu.memory_space<semaphore_mem>>) src(%arg10 : memref<128x64xf32, #tpu.memory_space<vmem>>) dst(%dma_wait3A_241 : memref<10240x64xf32, #tpu.memory_space<vmem_shared>>)
      %dma_start3A_242 = arith.constant 8 : i32
      %dma_start3A_243 = arith.constant 0 : i32
      %dma_start3A_244 = tpu.memref_slice %arg8[%dma_start3A_242, %dma_start3A_243] : memref<16x128xi32, #tpu.memory_space<vmem>> -> memref<1x128xi32, #tpu.memory_space<vmem>>
      %dma_start3A_245 = tpu.memref_squeeze %dma_start3A_244 : memref<1x128xi32, #tpu.memory_space<vmem>> -> memref<128xi32, #tpu.memory_space<vmem>>
      %dma_start3A_246 = arith.constant 0 : i32
      %dma_start3A_247 = arith.constant 0 : i32
      %dma_start3A_248 = tpu.memref_slice %arg14[%dma_start3A_246, %dma_start3A_247] : memref<10240x64xf32, #tpu.memory_space<vmem_shared>> -> memref<10240x64xf32, #tpu.memory_space<vmem_shared>>
      tpu.enqueue_indirect_dma source(%dma_start3A_248 : memref<10240x64xf32, #tpu.memory_space<vmem_shared>>) target(%arg10 : memref<128x64xf32, #tpu.memory_space<vmem>>) offsets(%dma_start3A_245 : memref<128xi32, #tpu.memory_space<vmem>>) semaphore(%arg16 : memref<!tpu.dma_semaphore, #tpu.memory_space<semaphore_mem>>)
      %dma_wait3A_249 = arith.constant 6 : i32
      %dma_wait3A_250 = arith.constant 0 : i32
      %dma_wait3A_251 = tpu.memref_slice %arg8[%dma_wait3A_249, %dma_wait3A_250] : memref<16x128xi32, #tpu.memory_space<vmem>> -> memref<1x128xi32, #tpu.memory_space<vmem>>
      %dma_wait3A_252 = tpu.memref_squeeze %dma_wait3A_251 : memref<1x128xi32, #tpu.memory_space<vmem>> -> memref<128xi32, #tpu.memory_space<vmem>>
      %dma_wait3A_253 = arith.constant 0 : i32
      %dma_wait3A_254 = arith.constant 0 : i32
      %dma_wait3A_255 = tpu.memref_slice %arg14[%dma_wait3A_253, %dma_wait3A_254] : memref<10240x64xf32, #tpu.memory_space<vmem_shared>> -> memref<10240x64xf32, #tpu.memory_space<vmem_shared>>
      tpu.wait_indirect_dma semaphore(%arg16 : memref<!tpu.dma_semaphore, #tpu.memory_space<semaphore_mem>>) src(%dma_wait3A_255 : memref<10240x64xf32, #tpu.memory_space<vmem_shared>>) dst(%arg12 : memref<128x64xf32, #tpu.memory_space<vmem>>)
      %dma_start3A_256 = arith.constant 6 : i32
      %dma_start3A_257 = arith.constant 0 : i32
      %dma_start3A_258 = tpu.memref_slice %arg9[%dma_start3A_256, %dma_start3A_257] : memref<16x128xi32, #tpu.memory_space<vmem>> -> memref<1x128xi32, #tpu.memory_space<vmem>>
      %dma_start3A_259 = tpu.memref_squeeze %dma_start3A_258 : memref<1x128xi32, #tpu.memory_space<vmem>> -> memref<128xi32, #tpu.memory_space<vmem>>
      %dma_start3A_260 = arith.constant 0 : i32
      %dma_start3A_261 = arith.constant 0 : i32
      %dma_start3A_262 = tpu.memref_slice %arg15[%dma_start3A_260, %dma_start3A_261] : memref<10240x64xf32, #tpu.memory_space<vmem_shared>> -> memref<10240x64xf32, #tpu.memory_space<vmem_shared>>
      tpu.enqueue_indirect_dma source(%arg12 : memref<128x64xf32, #tpu.memory_space<vmem>>) target(%dma_start3A_262 : memref<10240x64xf32, #tpu.memory_space<vmem_shared>>) offsets(%dma_start3A_259 : memref<128xi32, #tpu.memory_space<vmem>>) semaphore(%arg17 : memref<!tpu.dma_semaphore, #tpu.memory_space<semaphore_mem>>) {add = true}
      %dma_wait3A_263 = arith.constant 5 : i32
      %dma_wait3A_264 = arith.constant 0 : i32
      %dma_wait3A_265 = tpu.memref_slice %arg9[%dma_wait3A_263, %dma_wait3A_264] : memref<16x128xi32, #tpu.memory_space<vmem>> -> memref<1x128xi32, #tpu.memory_space<vmem>>
      %dma_wait3A_266 = tpu.memref_squeeze %dma_wait3A_265 : memref<1x128xi32, #tpu.memory_space<vmem>> -> memref<128xi32, #tpu.memory_space<vmem>>
      %dma_wait3A_267 = arith.constant 0 : i32
      %dma_wait3A_268 = arith.constant 0 : i32
      %dma_wait3A_269 = tpu.memref_slice %arg15[%dma_wait3A_267, %dma_wait3A_268] : memref<10240x64xf32, #tpu.memory_space<vmem_shared>> -> memref<10240x64xf32, #tpu.memory_space<vmem_shared>>
      tpu.wait_indirect_dma semaphore(%arg17 : memref<!tpu.dma_semaphore, #tpu.memory_space<semaphore_mem>>) src(%arg11 : memref<128x64xf32, #tpu.memory_space<vmem>>) dst(%dma_wait3A_269 : memref<10240x64xf32, #tpu.memory_space<vmem_shared>>)
      %dma_start3A_270 = arith.constant 9 : i32
      %dma_start3A_271 = arith.constant 0 : i32
      %dma_start3A_272 = tpu.memref_slice %arg8[%dma_start3A_270, %dma_start3A_271] : memref<16x128xi32, #tpu.memory_space<vmem>> -> memref<1x128xi32, #tpu.memory_space<vmem>>
      %dma_start3A_273 = tpu.memref_squeeze %dma_start3A_272 : memref<1x128xi32, #tpu.memory_space<vmem>> -> memref<128xi32, #tpu.memory_space<vmem>>
      %dma_start3A_274 = arith.constant 0 : i32
      %dma_start3A_275 = arith.constant 0 : i32
      %dma_start3A_276 = tpu.memref_slice %arg14[%dma_start3A_274, %dma_start3A_275] : memref<10240x64xf32, #tpu.memory_space<vmem_shared>> -> memref<10240x64xf32, #tpu.memory_space<vmem_shared>>
      tpu.enqueue_indirect_dma source(%dma_start3A_276 : memref<10240x64xf32, #tpu.memory_space<vmem_shared>>) target(%arg11 : memref<128x64xf32, #tpu.memory_space<vmem>>) offsets(%dma_start3A_273 : memref<128xi32, #tpu.memory_space<vmem>>) semaphore(%arg16 : memref<!tpu.dma_semaphore, #tpu.memory_space<semaphore_mem>>)
      %dma_wait3A_277 = arith.constant 7 : i32
      %dma_wait3A_278 = arith.constant 0 : i32
      %dma_wait3A_279 = tpu.memref_slice %arg8[%dma_wait3A_277, %dma_wait3A_278] : memref<16x128xi32, #tpu.memory_space<vmem>> -> memref<1x128xi32, #tpu.memory_space<vmem>>
      %dma_wait3A_280 = tpu.memref_squeeze %dma_wait3A_279 : memref<1x128xi32, #tpu.memory_space<vmem>> -> memref<128xi32, #tpu.memory_space<vmem>>
      %dma_wait3A_281 = arith.constant 0 : i32
      %dma_wait3A_282 = arith.constant 0 : i32
      %dma_wait3A_283 = tpu.memref_slice %arg14[%dma_wait3A_281, %dma_wait3A_282] : memref<10240x64xf32, #tpu.memory_space<vmem_shared>> -> memref<10240x64xf32, #tpu.memory_space<vmem_shared>>
      tpu.wait_indirect_dma semaphore(%arg16 : memref<!tpu.dma_semaphore, #tpu.memory_space<semaphore_mem>>) src(%dma_wait3A_283 : memref<10240x64xf32, #tpu.memory_space<vmem_shared>>) dst(%arg13 : memref<128x64xf32, #tpu.memory_space<vmem>>)
      %dma_start3A_284 = arith.constant 7 : i32
      %dma_start3A_285 = arith.constant 0 : i32
      %dma_start3A_286 = tpu.memref_slice %arg9[%dma_start3A_284, %dma_start3A_285] : memref<16x128xi32, #tpu.memory_space<vmem>> -> memref<1x128xi32, #tpu.memory_space<vmem>>
      %dma_start3A_287 = tpu.memref_squeeze %dma_start3A_286 : memref<1x128xi32, #tpu.memory_space<vmem>> -> memref<128xi32, #tpu.memory_space<vmem>>
      %dma_start3A_288 = arith.constant 0 : i32
      %dma_start3A_289 = arith.constant 0 : i32
      %dma_start3A_290 = tpu.memref_slice %arg15[%dma_start3A_288, %dma_start3A_289] : memref<10240x64xf32, #tpu.memory_space<vmem_shared>> -> memref<10240x64xf32, #tpu.memory_space<vmem_shared>>
      tpu.enqueue_indirect_dma source(%arg13 : memref<128x64xf32, #tpu.memory_space<vmem>>) target(%dma_start3A_290 : memref<10240x64xf32, #tpu.memory_space<vmem_shared>>) offsets(%dma_start3A_287 : memref<128xi32, #tpu.memory_space<vmem>>) semaphore(%arg17 : memref<!tpu.dma_semaphore, #tpu.memory_space<semaphore_mem>>) {add = true}
      %dma_wait3A_291 = arith.constant 6 : i32
      %dma_wait3A_292 = arith.constant 0 : i32
      %dma_wait3A_293 = tpu.memref_slice %arg9[%dma_wait3A_291, %dma_wait3A_292] : memref<16x128xi32, #tpu.memory_space<vmem>> -> memref<1x128xi32, #tpu.memory_space<vmem>>
      %dma_wait3A_294 = tpu.memref_squeeze %dma_wait3A_293 : memref<1x128xi32, #tpu.memory_space<vmem>> -> memref<128xi32, #tpu.memory_space<vmem>>
      %dma_wait3A_295 = arith.constant 0 : i32
      %dma_wait3A_296 = arith.constant 0 : i32
      %dma_wait3A_297 = tpu.memref_slice %arg15[%dma_wait3A_295, %dma_wait3A_296] : memref<10240x64xf32, #tpu.memory_space<vmem_shared>> -> memref<10240x64xf32, #tpu.memory_space<vmem_shared>>
      tpu.wait_indirect_dma semaphore(%arg17 : memref<!tpu.dma_semaphore, #tpu.memory_space<semaphore_mem>>) src(%arg12 : memref<128x64xf32, #tpu.memory_space<vmem>>) dst(%dma_wait3A_297 : memref<10240x64xf32, #tpu.memory_space<vmem_shared>>)
      %dma_start3A_298 = arith.constant 10 : i32
      %dma_start3A_299 = arith.constant 0 : i32
      %dma_start3A_300 = tpu.memref_slice %arg8[%dma_start3A_298, %dma_start3A_299] : memref<16x128xi32, #tpu.memory_space<vmem>> -> memref<1x128xi32, #tpu.memory_space<vmem>>
      %dma_start3A_301 = tpu.memref_squeeze %dma_start3A_300 : memref<1x128xi32, #tpu.memory_space<vmem>> -> memref<128xi32, #tpu.memory_space<vmem>>
      %dma_start3A_302 = arith.constant 0 : i32
      %dma_start3A_303 = arith.constant 0 : i32
      %dma_start3A_304 = tpu.memref_slice %arg14[%dma_start3A_302, %dma_start3A_303] : memref<10240x64xf32, #tpu.memory_space<vmem_shared>> -> memref<10240x64xf32, #tpu.memory_space<vmem_shared>>
      tpu.enqueue_indirect_dma source(%dma_start3A_304 : memref<10240x64xf32, #tpu.memory_space<vmem_shared>>) target(%arg12 : memref<128x64xf32, #tpu.memory_space<vmem>>) offsets(%dma_start3A_301 : memref<128xi32, #tpu.memory_space<vmem>>) semaphore(%arg16 : memref<!tpu.dma_semaphore, #tpu.memory_space<semaphore_mem>>)
      %dma_wait3A_305 = arith.constant 8 : i32
      %dma_wait3A_306 = arith.constant 0 : i32
      %dma_wait3A_307 = tpu.memref_slice %arg8[%dma_wait3A_305, %dma_wait3A_306] : memref<16x128xi32, #tpu.memory_space<vmem>> -> memref<1x128xi32, #tpu.memory_space<vmem>>
      %dma_wait3A_308 = tpu.memref_squeeze %dma_wait3A_307 : memref<1x128xi32, #tpu.memory_space<vmem>> -> memref<128xi32, #tpu.memory_space<vmem>>
      %dma_wait3A_309 = arith.constant 0 : i32
      %dma_wait3A_310 = arith.constant 0 : i32
      %dma_wait3A_311 = tpu.memref_slice %arg14[%dma_wait3A_309, %dma_wait3A_310] : memref<10240x64xf32, #tpu.memory_space<vmem_shared>> -> memref<10240x64xf32, #tpu.memory_space<vmem_shared>>
      tpu.wait_indirect_dma semaphore(%arg16 : memref<!tpu.dma_semaphore, #tpu.memory_space<semaphore_mem>>) src(%dma_wait3A_311 : memref<10240x64xf32, #tpu.memory_space<vmem_shared>>) dst(%arg10 : memref<128x64xf32, #tpu.memory_space<vmem>>)
      %dma_start3A_312 = arith.constant 8 : i32
      %dma_start3A_313 = arith.constant 0 : i32
      %dma_start3A_314 = tpu.memref_slice %arg9[%dma_start3A_312, %dma_start3A_313] : memref<16x128xi32, #tpu.memory_space<vmem>> -> memref<1x128xi32, #tpu.memory_space<vmem>>
      %dma_start3A_315 = tpu.memref_squeeze %dma_start3A_314 : memref<1x128xi32, #tpu.memory_space<vmem>> -> memref<128xi32, #tpu.memory_space<vmem>>
      %dma_start3A_316 = arith.constant 0 : i32
      %dma_start3A_317 = arith.constant 0 : i32
      %dma_start3A_318 = tpu.memref_slice %arg15[%dma_start3A_316, %dma_start3A_317] : memref<10240x64xf32, #tpu.memory_space<vmem_shared>> -> memref<10240x64xf32, #tpu.memory_space<vmem_shared>>
      tpu.enqueue_indirect_dma source(%arg10 : memref<128x64xf32, #tpu.memory_space<vmem>>) target(%dma_start3A_318 : memref<10240x64xf32, #tpu.memory_space<vmem_shared>>) offsets(%dma_start3A_315 : memref<128xi32, #tpu.memory_space<vmem>>) semaphore(%arg17 : memref<!tpu.dma_semaphore, #tpu.memory_space<semaphore_mem>>) {add = true}
      %dma_wait3A_319 = arith.constant 7 : i32
      %dma_wait3A_320 = arith.constant 0 : i32
      %dma_wait3A_321 = tpu.memref_slice %arg9[%dma_wait3A_319, %dma_wait3A_320] : memref<16x128xi32, #tpu.memory_space<vmem>> -> memref<1x128xi32, #tpu.memory_space<vmem>>
      %dma_wait3A_322 = tpu.memref_squeeze %dma_wait3A_321 : memref<1x128xi32, #tpu.memory_space<vmem>> -> memref<128xi32, #tpu.memory_space<vmem>>
      %dma_wait3A_323 = arith.constant 0 : i32
      %dma_wait3A_324 = arith.constant 0 : i32
      %dma_wait3A_325 = tpu.memref_slice %arg15[%dma_wait3A_323, %dma_wait3A_324] : memref<10240x64xf32, #tpu.memory_space<vmem_shared>> -> memref<10240x64xf32, #tpu.memory_space<vmem_shared>>
      tpu.wait_indirect_dma semaphore(%arg17 : memref<!tpu.dma_semaphore, #tpu.memory_space<semaphore_mem>>) src(%arg13 : memref<128x64xf32, #tpu.memory_space<vmem>>) dst(%dma_wait3A_325 : memref<10240x64xf32, #tpu.memory_space<vmem_shared>>)
      %dma_start3A_326 = arith.constant 11 : i32
      %dma_start3A_327 = arith.constant 0 : i32
      %dma_start3A_328 = tpu.memref_slice %arg8[%dma_start3A_326, %dma_start3A_327] : memref<16x128xi32, #tpu.memory_space<vmem>> -> memref<1x128xi32, #tpu.memory_space<vmem>>
      %dma_start3A_329 = tpu.memref_squeeze %dma_start3A_328 : memref<1x128xi32, #tpu.memory_space<vmem>> -> memref<128xi32, #tpu.memory_space<vmem>>
      %dma_start3A_330 = arith.constant 0 : i32
      %dma_start3A_331 = arith.constant 0 : i32
      %dma_start3A_332 = tpu.memref_slice %arg14[%dma_start3A_330, %dma_start3A_331] : memref<10240x64xf32, #tpu.memory_space<vmem_shared>> -> memref<10240x64xf32, #tpu.memory_space<vmem_shared>>
      tpu.enqueue_indirect_dma source(%dma_start3A_332 : memref<10240x64xf32, #tpu.memory_space<vmem_shared>>) target(%arg13 : memref<128x64xf32, #tpu.memory_space<vmem>>) offsets(%dma_start3A_329 : memref<128xi32, #tpu.memory_space<vmem>>) semaphore(%arg16 : memref<!tpu.dma_semaphore, #tpu.memory_space<semaphore_mem>>)
      %dma_wait3A_333 = arith.constant 9 : i32
      %dma_wait3A_334 = arith.constant 0 : i32
      %dma_wait3A_335 = tpu.memref_slice %arg8[%dma_wait3A_333, %dma_wait3A_334] : memref<16x128xi32, #tpu.memory_space<vmem>> -> memref<1x128xi32, #tpu.memory_space<vmem>>
      %dma_wait3A_336 = tpu.memref_squeeze %dma_wait3A_335 : memref<1x128xi32, #tpu.memory_space<vmem>> -> memref<128xi32, #tpu.memory_space<vmem>>
      %dma_wait3A_337 = arith.constant 0 : i32
      %dma_wait3A_338 = arith.constant 0 : i32
      %dma_wait3A_339 = tpu.memref_slice %arg14[%dma_wait3A_337, %dma_wait3A_338] : memref<10240x64xf32, #tpu.memory_space<vmem_shared>> -> memref<10240x64xf32, #tpu.memory_space<vmem_shared>>
      tpu.wait_indirect_dma semaphore(%arg16 : memref<!tpu.dma_semaphore, #tpu.memory_space<semaphore_mem>>) src(%dma_wait3A_339 : memref<10240x64xf32, #tpu.memory_space<vmem_shared>>) dst(%arg11 : memref<128x64xf32, #tpu.memory_space<vmem>>)
      %dma_start3A_340 = arith.constant 9 : i32
      %dma_start3A_341 = arith.constant 0 : i32
      %dma_start3A_342 = tpu.memref_slice %arg9[%dma_start3A_340, %dma_start3A_341] : memref<16x128xi32, #tpu.memory_space<vmem>> -> memref<1x128xi32, #tpu.memory_space<vmem>>
      %dma_start3A_343 = tpu.memref_squeeze %dma_start3A_342 : memref<1x128xi32, #tpu.memory_space<vmem>> -> memref<128xi32, #tpu.memory_space<vmem>>
      %dma_start3A_344 = arith.constant 0 : i32
      %dma_start3A_345 = arith.constant 0 : i32
      %dma_start3A_346 = tpu.memref_slice %arg15[%dma_start3A_344, %dma_start3A_345] : memref<10240x64xf32, #tpu.memory_space<vmem_shared>> -> memref<10240x64xf32, #tpu.memory_space<vmem_shared>>
      tpu.enqueue_indirect_dma source(%arg11 : memref<128x64xf32, #tpu.memory_space<vmem>>) target(%dma_start3A_346 : memref<10240x64xf32, #tpu.memory_space<vmem_shared>>) offsets(%dma_start3A_343 : memref<128xi32, #tpu.memory_space<vmem>>) semaphore(%arg17 : memref<!tpu.dma_semaphore, #tpu.memory_space<semaphore_mem>>) {add = true}
      %dma_wait3A_347 = arith.constant 8 : i32
      %dma_wait3A_348 = arith.constant 0 : i32
      %dma_wait3A_349 = tpu.memref_slice %arg9[%dma_wait3A_347, %dma_wait3A_348] : memref<16x128xi32, #tpu.memory_space<vmem>> -> memref<1x128xi32, #tpu.memory_space<vmem>>
      %dma_wait3A_350 = tpu.memref_squeeze %dma_wait3A_349 : memref<1x128xi32, #tpu.memory_space<vmem>> -> memref<128xi32, #tpu.memory_space<vmem>>
      %dma_wait3A_351 = arith.constant 0 : i32
      %dma_wait3A_352 = arith.constant 0 : i32
      %dma_wait3A_353 = tpu.memref_slice %arg15[%dma_wait3A_351, %dma_wait3A_352] : memref<10240x64xf32, #tpu.memory_space<vmem_shared>> -> memref<10240x64xf32, #tpu.memory_space<vmem_shared>>
      tpu.wait_indirect_dma semaphore(%arg17 : memref<!tpu.dma_semaphore, #tpu.memory_space<semaphore_mem>>) src(%arg10 : memref<128x64xf32, #tpu.memory_space<vmem>>) dst(%dma_wait3A_353 : memref<10240x64xf32, #tpu.memory_space<vmem_shared>>)
      %dma_start3A_354 = arith.constant 12 : i32
      %dma_start3A_355 = arith.constant 0 : i32
      %dma_start3A_356 = tpu.memref_slice %arg8[%dma_start3A_354, %dma_start3A_355] : memref<16x128xi32, #tpu.memory_space<vmem>> -> memref<1x128xi32, #tpu.memory_space<vmem>>
      %dma_start3A_357 = tpu.memref_squeeze %dma_start3A_356 : memref<1x128xi32, #tpu.memory_space<vmem>> -> memref<128xi32, #tpu.memory_space<vmem>>
      %dma_start3A_358 = arith.constant 0 : i32
      %dma_start3A_359 = arith.constant 0 : i32
      %dma_start3A_360 = tpu.memref_slice %arg14[%dma_start3A_358, %dma_start3A_359] : memref<10240x64xf32, #tpu.memory_space<vmem_shared>> -> memref<10240x64xf32, #tpu.memory_space<vmem_shared>>
      tpu.enqueue_indirect_dma source(%dma_start3A_360 : memref<10240x64xf32, #tpu.memory_space<vmem_shared>>) target(%arg10 : memref<128x64xf32, #tpu.memory_space<vmem>>) offsets(%dma_start3A_357 : memref<128xi32, #tpu.memory_space<vmem>>) semaphore(%arg16 : memref<!tpu.dma_semaphore, #tpu.memory_space<semaphore_mem>>)
      %dma_wait3A_361 = arith.constant 10 : i32
      %dma_wait3A_362 = arith.constant 0 : i32
      %dma_wait3A_363 = tpu.memref_slice %arg8[%dma_wait3A_361, %dma_wait3A_362] : memref<16x128xi32, #tpu.memory_space<vmem>> -> memref<1x128xi32, #tpu.memory_space<vmem>>
      %dma_wait3A_364 = tpu.memref_squeeze %dma_wait3A_363 : memref<1x128xi32, #tpu.memory_space<vmem>> -> memref<128xi32, #tpu.memory_space<vmem>>
      %dma_wait3A_365 = arith.constant 0 : i32
      %dma_wait3A_366 = arith.constant 0 : i32
      %dma_wait3A_367 = tpu.memref_slice %arg14[%dma_wait3A_365, %dma_wait3A_366] : memref<10240x64xf32, #tpu.memory_space<vmem_shared>> -> memref<10240x64xf32, #tpu.memory_space<vmem_shared>>
      tpu.wait_indirect_dma semaphore(%arg16 : memref<!tpu.dma_semaphore, #tpu.memory_space<semaphore_mem>>) src(%dma_wait3A_367 : memref<10240x64xf32, #tpu.memory_space<vmem_shared>>) dst(%arg12 : memref<128x64xf32, #tpu.memory_space<vmem>>)
      %dma_start3A_368 = arith.constant 10 : i32
      %dma_start3A_369 = arith.constant 0 : i32
      %dma_start3A_370 = tpu.memref_slice %arg9[%dma_start3A_368, %dma_start3A_369] : memref<16x128xi32, #tpu.memory_space<vmem>> -> memref<1x128xi32, #tpu.memory_space<vmem>>
      %dma_start3A_371 = tpu.memref_squeeze %dma_start3A_370 : memref<1x128xi32, #tpu.memory_space<vmem>> -> memref<128xi32, #tpu.memory_space<vmem>>
      %dma_start3A_372 = arith.constant 0 : i32
      %dma_start3A_373 = arith.constant 0 : i32
      %dma_start3A_374 = tpu.memref_slice %arg15[%dma_start3A_372, %dma_start3A_373] : memref<10240x64xf32, #tpu.memory_space<vmem_shared>> -> memref<10240x64xf32, #tpu.memory_space<vmem_shared>>
      tpu.enqueue_indirect_dma source(%arg12 : memref<128x64xf32, #tpu.memory_space<vmem>>) target(%dma_start3A_374 : memref<10240x64xf32, #tpu.memory_space<vmem_shared>>) offsets(%dma_start3A_371 : memref<128xi32, #tpu.memory_space<vmem>>) semaphore(%arg17 : memref<!tpu.dma_semaphore, #tpu.memory_space<semaphore_mem>>) {add = true}
      %dma_wait3A_375 = arith.constant 9 : i32
      %dma_wait3A_376 = arith.constant 0 : i32
      %dma_wait3A_377 = tpu.memref_slice %arg9[%dma_wait3A_375, %dma_wait3A_376] : memref<16x128xi32, #tpu.memory_space<vmem>> -> memref<1x128xi32, #tpu.memory_space<vmem>>
      %dma_wait3A_378 = tpu.memref_squeeze %dma_wait3A_377 : memref<1x128xi32, #tpu.memory_space<vmem>> -> memref<128xi32, #tpu.memory_space<vmem>>
      %dma_wait3A_379 = arith.constant 0 : i32
      %dma_wait3A_380 = arith.constant 0 : i32
      %dma_wait3A_381 = tpu.memref_slice %arg15[%dma_wait3A_379, %dma_wait3A_380] : memref<10240x64xf32, #tpu.memory_space<vmem_shared>> -> memref<10240x64xf32, #tpu.memory_space<vmem_shared>>
      tpu.wait_indirect_dma semaphore(%arg17 : memref<!tpu.dma_semaphore, #tpu.memory_space<semaphore_mem>>) src(%arg11 : memref<128x64xf32, #tpu.memory_space<vmem>>) dst(%dma_wait3A_381 : memref<10240x64xf32, #tpu.memory_space<vmem_shared>>)
      %dma_start3A_382 = arith.constant 13 : i32
      %dma_start3A_383 = arith.constant 0 : i32
      %dma_start3A_384 = tpu.memref_slice %arg8[%dma_start3A_382, %dma_start3A_383] : memref<16x128xi32, #tpu.memory_space<vmem>> -> memref<1x128xi32, #tpu.memory_space<vmem>>
      %dma_start3A_385 = tpu.memref_squeeze %dma_start3A_384 : memref<1x128xi32, #tpu.memory_space<vmem>> -> memref<128xi32, #tpu.memory_space<vmem>>
      %dma_start3A_386 = arith.constant 0 : i32
      %dma_start3A_387 = arith.constant 0 : i32
      %dma_start3A_388 = tpu.memref_slice %arg14[%dma_start3A_386, %dma_start3A_387] : memref<10240x64xf32, #tpu.memory_space<vmem_shared>> -> memref<10240x64xf32, #tpu.memory_space<vmem_shared>>
      tpu.enqueue_indirect_dma source(%dma_start3A_388 : memref<10240x64xf32, #tpu.memory_space<vmem_shared>>) target(%arg11 : memref<128x64xf32, #tpu.memory_space<vmem>>) offsets(%dma_start3A_385 : memref<128xi32, #tpu.memory_space<vmem>>) semaphore(%arg16 : memref<!tpu.dma_semaphore, #tpu.memory_space<semaphore_mem>>)
      %dma_wait3A_389 = arith.constant 11 : i32
      %dma_wait3A_390 = arith.constant 0 : i32
      %dma_wait3A_391 = tpu.memref_slice %arg8[%dma_wait3A_389, %dma_wait3A_390] : memref<16x128xi32, #tpu.memory_space<vmem>> -> memref<1x128xi32, #tpu.memory_space<vmem>>
      %dma_wait3A_392 = tpu.memref_squeeze %dma_wait3A_391 : memref<1x128xi32, #tpu.memory_space<vmem>> -> memref<128xi32, #tpu.memory_space<vmem>>
      %dma_wait3A_393 = arith.constant 0 : i32
      %dma_wait3A_394 = arith.constant 0 : i32
      %dma_wait3A_395 = tpu.memref_slice %arg14[%dma_wait3A_393, %dma_wait3A_394] : memref<10240x64xf32, #tpu.memory_space<vmem_shared>> -> memref<10240x64xf32, #tpu.memory_space<vmem_shared>>
      tpu.wait_indirect_dma semaphore(%arg16 : memref<!tpu.dma_semaphore, #tpu.memory_space<semaphore_mem>>) src(%dma_wait3A_395 : memref<10240x64xf32, #tpu.memory_space<vmem_shared>>) dst(%arg13 : memref<128x64xf32, #tpu.memory_space<vmem>>)
      %dma_start3A_396 = arith.constant 11 : i32
      %dma_start3A_397 = arith.constant 0 : i32
      %dma_start3A_398 = tpu.memref_slice %arg9[%dma_start3A_396, %dma_start3A_397] : memref<16x128xi32, #tpu.memory_space<vmem>> -> memref<1x128xi32, #tpu.memory_space<vmem>>
      %dma_start3A_399 = tpu.memref_squeeze %dma_start3A_398 : memref<1x128xi32, #tpu.memory_space<vmem>> -> memref<128xi32, #tpu.memory_space<vmem>>
      %dma_start3A_400 = arith.constant 0 : i32
      %dma_start3A_401 = arith.constant 0 : i32
      %dma_start3A_402 = tpu.memref_slice %arg15[%dma_start3A_400, %dma_start3A_401] : memref<10240x64xf32, #tpu.memory_space<vmem_shared>> -> memref<10240x64xf32, #tpu.memory_space<vmem_shared>>
      tpu.enqueue_indirect_dma source(%arg13 : memref<128x64xf32, #tpu.memory_space<vmem>>) target(%dma_start3A_402 : memref<10240x64xf32, #tpu.memory_space<vmem_shared>>) offsets(%dma_start3A_399 : memref<128xi32, #tpu.memory_space<vmem>>) semaphore(%arg17 : memref<!tpu.dma_semaphore, #tpu.memory_space<semaphore_mem>>) {add = true}
      %dma_wait3A_403 = arith.constant 10 : i32
      %dma_wait3A_404 = arith.constant 0 : i32
      %dma_wait3A_405 = tpu.memref_slice %arg9[%dma_wait3A_403, %dma_wait3A_404] : memref<16x128xi32, #tpu.memory_space<vmem>> -> memref<1x128xi32, #tpu.memory_space<vmem>>
      %dma_wait3A_406 = tpu.memref_squeeze %dma_wait3A_405 : memref<1x128xi32, #tpu.memory_space<vmem>> -> memref<128xi32, #tpu.memory_space<vmem>>
      %dma_wait3A_407 = arith.constant 0 : i32
      %dma_wait3A_408 = arith.constant 0 : i32
      %dma_wait3A_409 = tpu.memref_slice %arg15[%dma_wait3A_407, %dma_wait3A_408] : memref<10240x64xf32, #tpu.memory_space<vmem_shared>> -> memref<10240x64xf32, #tpu.memory_space<vmem_shared>>
      tpu.wait_indirect_dma semaphore(%arg17 : memref<!tpu.dma_semaphore, #tpu.memory_space<semaphore_mem>>) src(%arg12 : memref<128x64xf32, #tpu.memory_space<vmem>>) dst(%dma_wait3A_409 : memref<10240x64xf32, #tpu.memory_space<vmem_shared>>)
      %dma_start3A_410 = arith.constant 14 : i32
      %dma_start3A_411 = arith.constant 0 : i32
      %dma_start3A_412 = tpu.memref_slice %arg8[%dma_start3A_410, %dma_start3A_411] : memref<16x128xi32, #tpu.memory_space<vmem>> -> memref<1x128xi32, #tpu.memory_space<vmem>>
      %dma_start3A_413 = tpu.memref_squeeze %dma_start3A_412 : memref<1x128xi32, #tpu.memory_space<vmem>> -> memref<128xi32, #tpu.memory_space<vmem>>
      %dma_start3A_414 = arith.constant 0 : i32
      %dma_start3A_415 = arith.constant 0 : i32
      %dma_start3A_416 = tpu.memref_slice %arg14[%dma_start3A_414, %dma_start3A_415] : memref<10240x64xf32, #tpu.memory_space<vmem_shared>> -> memref<10240x64xf32, #tpu.memory_space<vmem_shared>>
      tpu.enqueue_indirect_dma source(%dma_start3A_416 : memref<10240x64xf32, #tpu.memory_space<vmem_shared>>) target(%arg12 : memref<128x64xf32, #tpu.memory_space<vmem>>) offsets(%dma_start3A_413 : memref<128xi32, #tpu.memory_space<vmem>>) semaphore(%arg16 : memref<!tpu.dma_semaphore, #tpu.memory_space<semaphore_mem>>)
      %dma_wait3A_417 = arith.constant 12 : i32
      %dma_wait3A_418 = arith.constant 0 : i32
      %dma_wait3A_419 = tpu.memref_slice %arg8[%dma_wait3A_417, %dma_wait3A_418] : memref<16x128xi32, #tpu.memory_space<vmem>> -> memref<1x128xi32, #tpu.memory_space<vmem>>
      %dma_wait3A_420 = tpu.memref_squeeze %dma_wait3A_419 : memref<1x128xi32, #tpu.memory_space<vmem>> -> memref<128xi32, #tpu.memory_space<vmem>>
      %dma_wait3A_421 = arith.constant 0 : i32
      %dma_wait3A_422 = arith.constant 0 : i32
      %dma_wait3A_423 = tpu.memref_slice %arg14[%dma_wait3A_421, %dma_wait3A_422] : memref<10240x64xf32, #tpu.memory_space<vmem_shared>> -> memref<10240x64xf32, #tpu.memory_space<vmem_shared>>
      tpu.wait_indirect_dma semaphore(%arg16 : memref<!tpu.dma_semaphore, #tpu.memory_space<semaphore_mem>>) src(%dma_wait3A_423 : memref<10240x64xf32, #tpu.memory_space<vmem_shared>>) dst(%arg10 : memref<128x64xf32, #tpu.memory_space<vmem>>)
      %dma_start3A_424 = arith.constant 12 : i32
      %dma_start3A_425 = arith.constant 0 : i32
      %dma_start3A_426 = tpu.memref_slice %arg9[%dma_start3A_424, %dma_start3A_425] : memref<16x128xi32, #tpu.memory_space<vmem>> -> memref<1x128xi32, #tpu.memory_space<vmem>>
      %dma_start3A_427 = tpu.memref_squeeze %dma_start3A_426 : memref<1x128xi32, #tpu.memory_space<vmem>> -> memref<128xi32, #tpu.memory_space<vmem>>
      %dma_start3A_428 = arith.constant 0 : i32
      %dma_start3A_429 = arith.constant 0 : i32
      %dma_start3A_430 = tpu.memref_slice %arg15[%dma_start3A_428, %dma_start3A_429] : memref<10240x64xf32, #tpu.memory_space<vmem_shared>> -> memref<10240x64xf32, #tpu.memory_space<vmem_shared>>
      tpu.enqueue_indirect_dma source(%arg10 : memref<128x64xf32, #tpu.memory_space<vmem>>) target(%dma_start3A_430 : memref<10240x64xf32, #tpu.memory_space<vmem_shared>>) offsets(%dma_start3A_427 : memref<128xi32, #tpu.memory_space<vmem>>) semaphore(%arg17 : memref<!tpu.dma_semaphore, #tpu.memory_space<semaphore_mem>>) {add = true}
      %dma_wait3A_431 = arith.constant 11 : i32
      %dma_wait3A_432 = arith.constant 0 : i32
      %dma_wait3A_433 = tpu.memref_slice %arg9[%dma_wait3A_431, %dma_wait3A_432] : memref<16x128xi32, #tpu.memory_space<vmem>> -> memref<1x128xi32, #tpu.memory_space<vmem>>
      %dma_wait3A_434 = tpu.memref_squeeze %dma_wait3A_433 : memref<1x128xi32, #tpu.memory_space<vmem>> -> memref<128xi32, #tpu.memory_space<vmem>>
      %dma_wait3A_435 = arith.constant 0 : i32
      %dma_wait3A_436 = arith.constant 0 : i32
      %dma_wait3A_437 = tpu.memref_slice %arg15[%dma_wait3A_435, %dma_wait3A_436] : memref<10240x64xf32, #tpu.memory_space<vmem_shared>> -> memref<10240x64xf32, #tpu.memory_space<vmem_shared>>
      tpu.wait_indirect_dma semaphore(%arg17 : memref<!tpu.dma_semaphore, #tpu.memory_space<semaphore_mem>>) src(%arg13 : memref<128x64xf32, #tpu.memory_space<vmem>>) dst(%dma_wait3A_437 : memref<10240x64xf32, #tpu.memory_space<vmem_shared>>)
      %dma_start3A_438 = arith.constant 15 : i32
      %dma_start3A_439 = arith.constant 0 : i32
      %dma_start3A_440 = tpu.memref_slice %arg8[%dma_start3A_438, %dma_start3A_439] : memref<16x128xi32, #tpu.memory_space<vmem>> -> memref<1x128xi32, #tpu.memory_space<vmem>>
      %dma_start3A_441 = tpu.memref_squeeze %dma_start3A_440 : memref<1x128xi32, #tpu.memory_space<vmem>> -> memref<128xi32, #tpu.memory_space<vmem>>
      %dma_start3A_442 = arith.constant 0 : i32
      %dma_start3A_443 = arith.constant 0 : i32
      %dma_start3A_444 = tpu.memref_slice %arg14[%dma_start3A_442, %dma_start3A_443] : memref<10240x64xf32, #tpu.memory_space<vmem_shared>> -> memref<10240x64xf32, #tpu.memory_space<vmem_shared>>
      tpu.enqueue_indirect_dma source(%dma_start3A_444 : memref<10240x64xf32, #tpu.memory_space<vmem_shared>>) target(%arg13 : memref<128x64xf32, #tpu.memory_space<vmem>>) offsets(%dma_start3A_441 : memref<128xi32, #tpu.memory_space<vmem>>) semaphore(%arg16 : memref<!tpu.dma_semaphore, #tpu.memory_space<semaphore_mem>>)
      %dma_wait3A_445 = arith.constant 13 : i32
      %dma_wait3A_446 = arith.constant 0 : i32
      %dma_wait3A_447 = tpu.memref_slice %arg8[%dma_wait3A_445, %dma_wait3A_446] : memref<16x128xi32, #tpu.memory_space<vmem>> -> memref<1x128xi32, #tpu.memory_space<vmem>>
      %dma_wait3A_448 = tpu.memref_squeeze %dma_wait3A_447 : memref<1x128xi32, #tpu.memory_space<vmem>> -> memref<128xi32, #tpu.memory_space<vmem>>
      %dma_wait3A_449 = arith.constant 0 : i32
      %dma_wait3A_450 = arith.constant 0 : i32
      %dma_wait3A_451 = tpu.memref_slice %arg14[%dma_wait3A_449, %dma_wait3A_450] : memref<10240x64xf32, #tpu.memory_space<vmem_shared>> -> memref<10240x64xf32, #tpu.memory_space<vmem_shared>>
      tpu.wait_indirect_dma semaphore(%arg16 : memref<!tpu.dma_semaphore, #tpu.memory_space<semaphore_mem>>) src(%dma_wait3A_451 : memref<10240x64xf32, #tpu.memory_space<vmem_shared>>) dst(%arg11 : memref<128x64xf32, #tpu.memory_space<vmem>>)
      %dma_start3A_452 = arith.constant 13 : i32
      %dma_start3A_453 = arith.constant 0 : i32
      %dma_start3A_454 = tpu.memref_slice %arg9[%dma_start3A_452, %dma_start3A_453] : memref<16x128xi32, #tpu.memory_space<vmem>> -> memref<1x128xi32, #tpu.memory_space<vmem>>
      %dma_start3A_455 = tpu.memref_squeeze %dma_start3A_454 : memref<1x128xi32, #tpu.memory_space<vmem>> -> memref<128xi32, #tpu.memory_space<vmem>>
      %dma_start3A_456 = arith.constant 0 : i32
      %dma_start3A_457 = arith.constant 0 : i32
      %dma_start3A_458 = tpu.memref_slice %arg15[%dma_start3A_456, %dma_start3A_457] : memref<10240x64xf32, #tpu.memory_space<vmem_shared>> -> memref<10240x64xf32, #tpu.memory_space<vmem_shared>>
      tpu.enqueue_indirect_dma source(%arg11 : memref<128x64xf32, #tpu.memory_space<vmem>>) target(%dma_start3A_458 : memref<10240x64xf32, #tpu.memory_space<vmem_shared>>) offsets(%dma_start3A_455 : memref<128xi32, #tpu.memory_space<vmem>>) semaphore(%arg17 : memref<!tpu.dma_semaphore, #tpu.memory_space<semaphore_mem>>) {add = true}
      %dma_wait3A_459 = arith.constant 12 : i32
      %dma_wait3A_460 = arith.constant 0 : i32
      %dma_wait3A_461 = tpu.memref_slice %arg9[%dma_wait3A_459, %dma_wait3A_460] : memref<16x128xi32, #tpu.memory_space<vmem>> -> memref<1x128xi32, #tpu.memory_space<vmem>>
      %dma_wait3A_462 = tpu.memref_squeeze %dma_wait3A_461 : memref<1x128xi32, #tpu.memory_space<vmem>> -> memref<128xi32, #tpu.memory_space<vmem>>
      %dma_wait3A_463 = arith.constant 0 : i32
      %dma_wait3A_464 = arith.constant 0 : i32
      %dma_wait3A_465 = tpu.memref_slice %arg15[%dma_wait3A_463, %dma_wait3A_464] : memref<10240x64xf32, #tpu.memory_space<vmem_shared>> -> memref<10240x64xf32, #tpu.memory_space<vmem_shared>>
      tpu.wait_indirect_dma semaphore(%arg17 : memref<!tpu.dma_semaphore, #tpu.memory_space<semaphore_mem>>) src(%arg10 : memref<128x64xf32, #tpu.memory_space<vmem>>) dst(%dma_wait3A_465 : memref<10240x64xf32, #tpu.memory_space<vmem_shared>>)
      %dma_wait3A_466 = arith.constant 14 : i32
      %dma_wait3A_467 = arith.constant 0 : i32
      %dma_wait3A_468 = tpu.memref_slice %arg8[%dma_wait3A_466, %dma_wait3A_467] : memref<16x128xi32, #tpu.memory_space<vmem>> -> memref<1x128xi32, #tpu.memory_space<vmem>>
      %dma_wait3A_469 = tpu.memref_squeeze %dma_wait3A_468 : memref<1x128xi32, #tpu.memory_space<vmem>> -> memref<128xi32, #tpu.memory_space<vmem>>
      %dma_wait3A_470 = arith.constant 0 : i32
      %dma_wait3A_471 = arith.constant 0 : i32
      %dma_wait3A_472 = tpu.memref_slice %arg14[%dma_wait3A_470, %dma_wait3A_471] : memref<10240x64xf32, #tpu.memory_space<vmem_shared>> -> memref<10240x64xf32, #tpu.memory_space<vmem_shared>>
      tpu.wait_indirect_dma semaphore(%arg16 : memref<!tpu.dma_semaphore, #tpu.memory_space<semaphore_mem>>) src(%dma_wait3A_472 : memref<10240x64xf32, #tpu.memory_space<vmem_shared>>) dst(%arg12 : memref<128x64xf32, #tpu.memory_space<vmem>>)
      %dma_start3A_473 = arith.constant 14 : i32
      %dma_start3A_474 = arith.constant 0 : i32
      %dma_start3A_475 = tpu.memref_slice %arg9[%dma_start3A_473, %dma_start3A_474] : memref<16x128xi32, #tpu.memory_space<vmem>> -> memref<1x128xi32, #tpu.memory_space<vmem>>
      %dma_start3A_476 = tpu.memref_squeeze %dma_start3A_475 : memref<1x128xi32, #tpu.memory_space<vmem>> -> memref<128xi32, #tpu.memory_space<vmem>>
      %dma_start3A_477 = arith.constant 0 : i32
      %dma_start3A_478 = arith.constant 0 : i32
      %dma_start3A_479 = tpu.memref_slice %arg15[%dma_start3A_477, %dma_start3A_478] : memref<10240x64xf32, #tpu.memory_space<vmem_shared>> -> memref<10240x64xf32, #tpu.memory_space<vmem_shared>>
      tpu.enqueue_indirect_dma source(%arg12 : memref<128x64xf32, #tpu.memory_space<vmem>>) target(%dma_start3A_479 : memref<10240x64xf32, #tpu.memory_space<vmem_shared>>) offsets(%dma_start3A_476 : memref<128xi32, #tpu.memory_space<vmem>>) semaphore(%arg17 : memref<!tpu.dma_semaphore, #tpu.memory_space<semaphore_mem>>) {add = true}
      %dma_wait3A_480 = arith.constant 13 : i32
      %dma_wait3A_481 = arith.constant 0 : i32
      %dma_wait3A_482 = tpu.memref_slice %arg9[%dma_wait3A_480, %dma_wait3A_481] : memref<16x128xi32, #tpu.memory_space<vmem>> -> memref<1x128xi32, #tpu.memory_space<vmem>>
      %dma_wait3A_483 = tpu.memref_squeeze %dma_wait3A_482 : memref<1x128xi32, #tpu.memory_space<vmem>> -> memref<128xi32, #tpu.memory_space<vmem>>
      %dma_wait3A_484 = arith.constant 0 : i32
      %dma_wait3A_485 = arith.constant 0 : i32
      %dma_wait3A_486 = tpu.memref_slice %arg15[%dma_wait3A_484, %dma_wait3A_485] : memref<10240x64xf32, #tpu.memory_space<vmem_shared>> -> memref<10240x64xf32, #tpu.memory_space<vmem_shared>>
      tpu.wait_indirect_dma semaphore(%arg17 : memref<!tpu.dma_semaphore, #tpu.memory_space<semaphore_mem>>) src(%arg11 : memref<128x64xf32, #tpu.memory_space<vmem>>) dst(%dma_wait3A_486 : memref<10240x64xf32, #tpu.memory_space<vmem_shared>>)
      %dma_wait3A_487 = arith.constant 15 : i32
      %dma_wait3A_488 = arith.constant 0 : i32
      %dma_wait3A_489 = tpu.memref_slice %arg8[%dma_wait3A_487, %dma_wait3A_488] : memref<16x128xi32, #tpu.memory_space<vmem>> -> memref<1x128xi32, #tpu.memory_space<vmem>>
      %dma_wait3A_490 = tpu.memref_squeeze %dma_wait3A_489 : memref<1x128xi32, #tpu.memory_space<vmem>> -> memref<128xi32, #tpu.memory_space<vmem>>
      %dma_wait3A_491 = arith.constant 0 : i32
      %dma_wait3A_492 = arith.constant 0 : i32
      %dma_wait3A_493 = tpu.memref_slice %arg14[%dma_wait3A_491, %dma_wait3A_492] : memref<10240x64xf32, #tpu.memory_space<vmem_shared>> -> memref<10240x64xf32, #tpu.memory_space<vmem_shared>>
      tpu.wait_indirect_dma semaphore(%arg16 : memref<!tpu.dma_semaphore, #tpu.memory_space<semaphore_mem>>) src(%dma_wait3A_493 : memref<10240x64xf32, #tpu.memory_space<vmem_shared>>) dst(%arg13 : memref<128x64xf32, #tpu.memory_space<vmem>>)
      %dma_start3A_494 = arith.constant 15 : i32
      %dma_start3A_495 = arith.constant 0 : i32
      %dma_start3A_496 = tpu.memref_slice %arg9[%dma_start3A_494, %dma_start3A_495] : memref<16x128xi32, #tpu.memory_space<vmem>> -> memref<1x128xi32, #tpu.memory_space<vmem>>
      %dma_start3A_497 = tpu.memref_squeeze %dma_start3A_496 : memref<1x128xi32, #tpu.memory_space<vmem>> -> memref<128xi32, #tpu.memory_space<vmem>>
      %dma_start3A_498 = arith.constant 0 : i32
      %dma_start3A_499 = arith.constant 0 : i32
      %dma_start3A_500 = tpu.memref_slice %arg15[%dma_start3A_498, %dma_start3A_499] : memref<10240x64xf32, #tpu.memory_space<vmem_shared>> -> memref<10240x64xf32, #tpu.memory_space<vmem_shared>>
      tpu.enqueue_indirect_dma source(%arg13 : memref<128x64xf32, #tpu.memory_space<vmem>>) target(%dma_start3A_500 : memref<10240x64xf32, #tpu.memory_space<vmem_shared>>) offsets(%dma_start3A_497 : memref<128xi32, #tpu.memory_space<vmem>>) semaphore(%arg17 : memref<!tpu.dma_semaphore, #tpu.memory_space<semaphore_mem>>) {add = true}
      %dma_wait3A_501 = arith.constant 14 : i32
      %dma_wait3A_502 = arith.constant 0 : i32
      %dma_wait3A_503 = tpu.memref_slice %arg9[%dma_wait3A_501, %dma_wait3A_502] : memref<16x128xi32, #tpu.memory_space<vmem>> -> memref<1x128xi32, #tpu.memory_space<vmem>>
      %dma_wait3A_504 = tpu.memref_squeeze %dma_wait3A_503 : memref<1x128xi32, #tpu.memory_space<vmem>> -> memref<128xi32, #tpu.memory_space<vmem>>
      %dma_wait3A_505 = arith.constant 0 : i32
      %dma_wait3A_506 = arith.constant 0 : i32
      %dma_wait3A_507 = tpu.memref_slice %arg15[%dma_wait3A_505, %dma_wait3A_506] : memref<10240x64xf32, #tpu.memory_space<vmem_shared>> -> memref<10240x64xf32, #tpu.memory_space<vmem_shared>>
      tpu.wait_indirect_dma semaphore(%arg17 : memref<!tpu.dma_semaphore, #tpu.memory_space<semaphore_mem>>) src(%arg12 : memref<128x64xf32, #tpu.memory_space<vmem>>) dst(%dma_wait3A_507 : memref<10240x64xf32, #tpu.memory_space<vmem_shared>>)
      %dma_wait3A_508 = arith.constant 15 : i32
      %dma_wait3A_509 = arith.constant 0 : i32
      %dma_wait3A_510 = tpu.memref_slice %arg9[%dma_wait3A_508, %dma_wait3A_509] : memref<16x128xi32, #tpu.memory_space<vmem>> -> memref<1x128xi32, #tpu.memory_space<vmem>>
      %dma_wait3A_511 = tpu.memref_squeeze %dma_wait3A_510 : memref<1x128xi32, #tpu.memory_space<vmem>> -> memref<128xi32, #tpu.memory_space<vmem>>
      %dma_wait3A_512 = arith.constant 0 : i32
      %dma_wait3A_513 = arith.constant 0 : i32
      %dma_wait3A_514 = tpu.memref_slice %arg15[%dma_wait3A_512, %dma_wait3A_513] : memref<10240x64xf32, #tpu.memory_space<vmem_shared>> -> memref<10240x64xf32, #tpu.memory_space<vmem_shared>>
      tpu.wait_indirect_dma semaphore(%arg17 : memref<!tpu.dma_semaphore, #tpu.memory_space<semaphore_mem>>) src(%arg13 : memref<128x64xf32, #tpu.memory_space<vmem>>) dst(%dma_wait3A_514 : memref<10240x64xf32, #tpu.memory_space<vmem_shared>>)
    }
    %scan3A_21 = arith.constant 5 : i32
    %barrier3A_22 = arith.constant 0 : index
    tpu.barrier barrier_id(%barrier3A_22)
    %mul3A_23 = arith.constant 640 : i32
    %mul3A_24 = arith.muli %arg1, %mul3A_23 : i32
    %mul3A_25 = arith.constant 640 : i32
    %mul3A_26 = arith.muli %arg1, %mul3A_25 : i32
    "tpu.region"() ({
      %run_scoped3A = tpu.sem_alloc : memref<!tpu.dma_semaphore, #tpu.memory_space<semaphore_mem>>
      %dma_start3A = arith.constant 0 : i32
      %dma_start3A_60 = arith.constant 0 : i32
      %dma_start3A_61 = tpu.memref_slice %arg6[%arg0, %dma_start3A, %dma_start3A_60] : memref<2x10240x64xf32, #tpu.memory_space<hbm>> -> memref<1x10240x64xf32, #tpu.memory_space<hbm>>
      %dma_start3A_62 = tpu.memref_squeeze %dma_start3A_61 : memref<1x10240x64xf32, #tpu.memory_space<hbm>> -> memref<10240x64xf32, #tpu.memory_space<hbm>>
      %dma_start3A_63 = arith.constant 0 : i32
      %dma_start3A_64 = tpu.memref_slice %dma_start3A_62[%mul3A_26, %dma_start3A_63] : memref<10240x64xf32, #tpu.memory_space<hbm>> -> memref<640x64xf32, #tpu.memory_space<hbm>>
      %dma_start3A_65 = arith.constant 0 : i32
      %dma_start3A_66 = tpu.memref_slice %arg15[%mul3A_24, %dma_start3A_65] : memref<10240x64xf32, #tpu.memory_space<vmem_shared>> -> memref<640x64xf32, #tpu.memory_space<vmem_shared>>
      tpu.enqueue_dma source(%dma_start3A_66 : memref<640x64xf32, #tpu.memory_space<vmem_shared>>) target(%dma_start3A_64 : memref<640x64xf32, #tpu.memory_space<hbm>>) target_semaphore(%run_scoped3A : memref<!tpu.dma_semaphore, #tpu.memory_space<semaphore_mem>>)
      %dma_wait3A = arith.constant 0 : i32
      %dma_wait3A_67 = arith.constant 0 : i32
      %dma_wait3A_68 = tpu.memref_slice %arg6[%arg0, %dma_wait3A, %dma_wait3A_67] : memref<2x10240x64xf32, #tpu.memory_space<hbm>> -> memref<1x10240x64xf32, #tpu.memory_space<hbm>>
      %dma_wait3A_69 = tpu.memref_squeeze %dma_wait3A_68 : memref<1x10240x64xf32, #tpu.memory_space<hbm>> -> memref<10240x64xf32, #tpu.memory_space<hbm>>
      %dma_wait3A_70 = arith.constant 0 : i32
      %dma_wait3A_71 = tpu.memref_slice %dma_wait3A_69[%mul3A_26, %dma_wait3A_70] : memref<10240x64xf32, #tpu.memory_space<hbm>> -> memref<640x64xf32, #tpu.memory_space<hbm>>
      %dma_wait3A_72 = arith.constant 0 : i32
      %dma_wait3A_73 = tpu.memref_slice %arg15[%mul3A_24, %dma_wait3A_72] : memref<10240x64xf32, #tpu.memory_space<vmem_shared>> -> memref<640x64xf32, #tpu.memory_space<vmem_shared>>
      tpu.wait_dma2 semaphore(%run_scoped3A : memref<!tpu.dma_semaphore, #tpu.memory_space<semaphore_mem>>) src(%dma_wait3A_73 : memref<640x64xf32, #tpu.memory_space<vmem_shared>>) dst(%dma_wait3A_71 : memref<640x64xf32, #tpu.memory_space<hbm>>)
      tpu.yield
    }) : () -> ()
    %barrier3A_27 = arith.constant 0 : index
    tpu.barrier barrier_id(%barrier3A_27)
    %lt3A_28 = arith.constant 15 : i32
    %lt3A_29 = arith.cmpi slt, %arg1, %lt3A_28 : i32
    %convert_element_type3A_30 = arith.extui %lt3A_29 : i1 to i32
    %cond3A_31 = arith.constant 0 : i32
    %cond3A_32 = arith.cmpi ne, %convert_element_type3A_30, %cond3A_31 : i32
    scf.if %cond3A_32 {
      %mul3A_60 = arith.constant 640 : i32
      %mul3A_61 = arith.muli %arg1, %mul3A_60 : i32
      %mul3A_62 = arith.constant 640 : i32
      %mul3A_63 = arith.muli %arg1, %mul3A_62 : i32
      "tpu.region"() ({
        %run_scoped3A = tpu.sem_alloc : memref<!tpu.dma_semaphore, #tpu.memory_space<semaphore_mem>>
        %dma_start3A = arith.constant 0 : i32
        %dma_start3A_64 = tpu.memref_slice %arg14[%mul3A_63, %dma_start3A] : memref<10240x64xf32, #tpu.memory_space<vmem_shared>> -> memref<640x64xf32, #tpu.memory_space<vmem_shared>>
        %dma_start3A_65 = arith.constant 0 : i32
        %dma_start3A_66 = tpu.memref_slice %arg3[%mul3A_61, %dma_start3A_65] : memref<10000x64xf32, #tpu.memory_space<hbm>> -> memref<640x64xf32, #tpu.memory_space<hbm>>
        tpu.enqueue_dma source(%dma_start3A_66 : memref<640x64xf32, #tpu.memory_space<hbm>>) target(%dma_start3A_64 : memref<640x64xf32, #tpu.memory_space<vmem_shared>>) target_semaphore(%run_scoped3A : memref<!tpu.dma_semaphore, #tpu.memory_space<semaphore_mem>>)
        %dma_wait3A = arith.constant 0 : i32
        %dma_wait3A_67 = tpu.memref_slice %arg14[%mul3A_63, %dma_wait3A] : memref<10240x64xf32, #tpu.memory_space<vmem_shared>> -> memref<640x64xf32, #tpu.memory_space<vmem_shared>>
        %dma_wait3A_68 = arith.constant 0 : i32
        %dma_wait3A_69 = tpu.memref_slice %arg3[%mul3A_61, %dma_wait3A_68] : memref<10000x64xf32, #tpu.memory_space<hbm>> -> memref<640x64xf32, #tpu.memory_space<hbm>>
        tpu.wait_dma2 semaphore(%run_scoped3A : memref<!tpu.dma_semaphore, #tpu.memory_space<semaphore_mem>>) src(%dma_wait3A_69 : memref<640x64xf32, #tpu.memory_space<hbm>>) dst(%dma_wait3A_67 : memref<640x64xf32, #tpu.memory_space<vmem_shared>>)
        tpu.yield
      }) : () -> ()
    } else {
    }
    %eq3A_33 = arith.constant 15 : i32
    %eq3A_34 = arith.cmpi eq, %arg1, %eq3A_33 : i32
    %convert_element_type3A_35 = arith.extui %eq3A_34 : i1 to i32
    %cond3A_36 = arith.constant 0 : i32
    %cond3A_37 = arith.cmpi ne, %convert_element_type3A_35, %cond3A_36 : i32
    scf.if %cond3A_37 {
      "tpu.region"() ({
        %run_scoped3A = tpu.sem_alloc : memref<!tpu.dma_semaphore, #tpu.memory_space<semaphore_mem>>
        %dma_start3A = arith.constant 9600 : i32
        %dma_start3A_60 = arith.constant 0 : i32
        %dma_start3A_61 = tpu.memref_slice %arg14[%dma_start3A, %dma_start3A_60] : memref<10240x64xf32, #tpu.memory_space<vmem_shared>> -> memref<400x64xf32, #tpu.memory_space<vmem_shared>>
        %dma_start3A_62 = arith.constant 9600 : i32
        %dma_start3A_63 = arith.constant 0 : i32
        %dma_start3A_64 = tpu.memref_slice %arg3[%dma_start3A_62, %dma_start3A_63] : memref<10000x64xf32, #tpu.memory_space<hbm>> -> memref<400x64xf32, #tpu.memory_space<hbm>>
        tpu.enqueue_dma source(%dma_start3A_64 : memref<400x64xf32, #tpu.memory_space<hbm>>) target(%dma_start3A_61 : memref<400x64xf32, #tpu.memory_space<vmem_shared>>) target_semaphore(%run_scoped3A : memref<!tpu.dma_semaphore, #tpu.memory_space<semaphore_mem>>)
        %dma_wait3A = arith.constant 9600 : i32
        %dma_wait3A_65 = arith.constant 0 : i32
        %dma_wait3A_66 = tpu.memref_slice %arg14[%dma_wait3A, %dma_wait3A_65] : memref<10240x64xf32, #tpu.memory_space<vmem_shared>> -> memref<400x64xf32, #tpu.memory_space<vmem_shared>>
        %dma_wait3A_67 = arith.constant 9600 : i32
        %dma_wait3A_68 = arith.constant 0 : i32
        %dma_wait3A_69 = tpu.memref_slice %arg3[%dma_wait3A_67, %dma_wait3A_68] : memref<10000x64xf32, #tpu.memory_space<hbm>> -> memref<400x64xf32, #tpu.memory_space<hbm>>
        tpu.wait_dma2 semaphore(%run_scoped3A : memref<!tpu.dma_semaphore, #tpu.memory_space<semaphore_mem>>) src(%dma_wait3A_69 : memref<400x64xf32, #tpu.memory_space<hbm>>) dst(%dma_wait3A_66 : memref<400x64xf32, #tpu.memory_space<vmem_shared>>)
        tpu.yield
      }) : () -> ()
    } else {
    }
    %scan3A_38 = arith.constant 0 : i32
    %scan3A_39 = arith.constant 128 : i32
    %scan3A_40 = arith.addi %scan3A_38, %scan3A_39 : i32
    %scan3A_41 = arith.constant 1 : i32
    scf.for %scan3A_60 = %scan3A_38 to %scan3A_40 step %scan3A_41  : i32 {
      %mul3A_61 = arith.constant 1 : i32
      %mul3A_62 = arith.muli %scan3A_60, %mul3A_61 : i32
      %add3A_63 = arith.constant 0 : i32
      %add3A_64 = arith.addi %add3A_63, %mul3A_62 : i32
      %scan3A_65 = arith.constant 0 : i32
      %scan3A_66 = arith.constant 4 : i32
      %scan3A_67 = arith.addi %scan3A_65, %scan3A_66 : i32
      %scan3A_68 = arith.constant 1 : i32
      scf.for %scan3A_70 = %scan3A_65 to %scan3A_67 step %scan3A_68  : i32 {
        %mul3A_71 = arith.constant 1 : i32
        %mul3A_72 = arith.muli %scan3A_70, %mul3A_71 : i32
        %add3A_73 = arith.constant 0 : i32
        %add3A_74 = arith.addi %add3A_73, %mul3A_72 : i32
        %mul3A_75 = arith.constant 16 : i32
        %mul3A_76 = arith.muli %add3A_74, %mul3A_75 : i32
        %swap3A = arith.index_cast %add3A_64 : i32 to index
        %swap3A_77 = arith.index_cast %mul3A_76 : i32 to index
        %swap3A_78 = tpu.vector_load %arg10[%swap3A, %swap3A_77] {strides = array<i32>} : memref<128x64xf32, #tpu.memory_space<vmem>>, vector<1x16xf32>,
        %swap3A_79 = vector.shape_cast %swap3A_78 : vector<1x16xf32> to vector<16xf32>
        %swap3A_80 = vector.shape_cast %broadcast_in_dim3A_1 : vector<16xf32> to vector<1x16xf32>
        tpu.vector_store %arg10[%swap3A, %swap3A_77], %swap3A_80 {strides = array<i32>} : memref<128x64xf32, #tpu.memory_space<vmem>>, vector<1x16xf32>,
      }
      %scan3A_69 = arith.constant 4 : i32
    }
    %scan3A_42 = arith.constant 128 : i32
    %scan3A_43 = arith.constant 0 : i32
    %scan3A_44 = arith.constant 5 : i32
    %scan3A_45 = arith.addi %scan3A_43, %scan3A_44 : i32
    %scan3A_46 = arith.constant 1 : i32
    scf.for %scan3A_60 = %scan3A_43 to %scan3A_45 step %scan3A_46  : i32 {
      %mul3A_61 = arith.constant 1 : i32
      %mul3A_62 = arith.muli %scan3A_60, %mul3A_61 : i32
      %add3A_63 = arith.constant 0 : i32
      %add3A_64 = arith.addi %add3A_63, %mul3A_62 : i32
      %mul3A_65 = arith.constant 5 : i32
      %mul3A_66 = arith.muli %arg1, %mul3A_65 : i32
      %add3A_67 = arith.addi %mul3A_66, %add3A_64 : i32
      %mul3A_68 = arith.constant 128 : i32
      %mul3A_69 = arith.muli %add3A_67, %mul3A_68 : i32
      "tpu.region"() ({
        %run_scoped3A = tpu.sem_alloc : memref<!tpu.dma_semaphore, #tpu.memory_space<semaphore_mem>>
        %dma_start3A = arith.constant 0 : i32
        %dma_start3A_70 = tpu.memref_slice %arg15[%mul3A_69, %dma_start3A] : memref<10240x64xf32, #tpu.memory_space<vmem_shared>> -> memref<128x64xf32, #tpu.memory_space<vmem_shared>>
        %dma_start3A_71 = arith.constant 0 : i32
        %dma_start3A_72 = tpu.memref_slice %arg15[%mul3A_69, %dma_start3A_71] : memref<10240x64xf32, #tpu.memory_space<vmem_shared>> -> memref<128x64xf32, #tpu.memory_space<vmem_shared>>
        tpu.enqueue_dma source(%arg10 : memref<128x64xf32, #tpu.memory_space<vmem>>) target(%dma_start3A_72 : memref<128x64xf32, #tpu.memory_space<vmem_shared>>) target_semaphore(%run_scoped3A : memref<!tpu.dma_semaphore, #tpu.memory_space<semaphore_mem>>)
        %dma_wait3A = arith.constant 0 : i32
        %dma_wait3A_73 = tpu.memref_slice %arg15[%mul3A_69, %dma_wait3A] : memref<10240x64xf32, #tpu.memory_space<vmem_shared>> -> memref<128x64xf32, #tpu.memory_space<vmem_shared>>
        %dma_wait3A_74 = arith.constant 0 : i32
        %dma_wait3A_75 = tpu.memref_slice %arg15[%mul3A_69, %dma_wait3A_74] : memref<10240x64xf32, #tpu.memory_space<vmem_shared>> -> memref<128x64xf32, #tpu.memory_space<vmem_shared>>
        tpu.wait_dma2 semaphore(%run_scoped3A : memref<!tpu.dma_semaphore, #tpu.memory_space<semaphore_mem>>) src(%arg10 : memref<128x64xf32, #tpu.memory_space<vmem>>) dst(%dma_wait3A_75 : memref<128x64xf32, #tpu.memory_space<vmem_shared>>)
        tpu.yield
      }) : () -> ()
    }
    %scan3A_47 = arith.constant 5 : i32
    %barrier3A_48 = arith.constant 0 : index
    tpu.barrier barrier_id(%barrier3A_48)
    %scan3A_49 = arith.constant 0 : i32
    %scan3A_50 = arith.constant 5 : i32
    %scan3A_51 = arith.addi %scan3A_49, %scan3A_50 : i32
    %scan3A_52 = arith.constant 1 : i32
    scf.for %scan3A_60 = %scan3A_49 to %scan3A_51 step %scan3A_52  : i32 {
      %mul3A_61 = arith.constant 1 : i32
      %mul3A_62 = arith.muli %scan3A_60, %mul3A_61 : i32
      %add3A_63 = arith.constant 0 : i32
      %add3A_64 = arith.addi %add3A_63, %mul3A_62 : i32
      %mul3A_65 = arith.constant 16 : i32
      %mul3A_66 = arith.muli %add3A_64, %mul3A_65 : i32
      "tpu.region"() ({
        %run_scoped3A = tpu.sem_alloc : memref<!tpu.dma_semaphore, #tpu.memory_space<semaphore_mem>>
        %dma_start3A_515 = arith.constant 0 : i32
        %dma_start3A_516 = arith.constant 0 : i32
        %dma_start3A_517 = tpu.memref_slice %arg4[%add3A, %dma_start3A_515, %dma_start3A_516] : memref<32x80x128xi32, #tpu.memory_space<hbm>> -> memref<1x80x128xi32, #tpu.memory_space<hbm>>
        %dma_start3A_518 = tpu.memref_squeeze %dma_start3A_517 : memref<1x80x128xi32, #tpu.memory_space<hbm>> -> memref<80x128xi32, #tpu.memory_space<hbm>>
        %dma_start3A_519 = arith.constant 0 : i32
        %dma_start3A_520 = tpu.memref_slice %dma_start3A_518[%mul3A_66, %dma_start3A_519] : memref<80x128xi32, #tpu.memory_space<hbm>> -> memref<16x128xi32, #tpu.memory_space<hbm>>
        %dma_start3A_521 = arith.constant 0 : i32
        %dma_start3A_522 = arith.constant 0 : i32
        %dma_start3A_523 = tpu.memref_slice %arg4[%add3A, %dma_start3A_521, %dma_start3A_522] : memref<32x80x128xi32, #tpu.memory_space<hbm>> -> memref<1x80x128xi32, #tpu.memory_space<hbm>>
        %dma_start3A_524 = tpu.memref_squeeze %dma_start3A_523 : memref<1x80x128xi32, #tpu.memory_space<hbm>> -> memref<80x128xi32, #tpu.memory_space<hbm>>
        %dma_start3A_525 = arith.constant 0 : i32
        %dma_start3A_526 = tpu.memref_slice %dma_start3A_524[%mul3A_66, %dma_start3A_525] : memref<80x128xi32, #tpu.memory_space<hbm>> -> memref<16x128xi32, #tpu.memory_space<hbm>>
        tpu.enqueue_dma source(%dma_start3A_526 : memref<16x128xi32, #tpu.memory_space<hbm>>) target(%arg8 : memref<16x128xi32, #tpu.memory_space<vmem>>) target_semaphore(%run_scoped3A : memref<!tpu.dma_semaphore, #tpu.memory_space<semaphore_mem>>)
        %dma_wait3A_527 = arith.constant 0 : i32
        %dma_wait3A_528 = arith.constant 0 : i32
        %dma_wait3A_529 = tpu.memref_slice %arg4[%add3A, %dma_wait3A_527, %dma_wait3A_528] : memref<32x80x128xi32, #tpu.memory_space<hbm>> -> memref<1x80x128xi32, #tpu.memory_space<hbm>>
        %dma_wait3A_530 = tpu.memref_squeeze %dma_wait3A_529 : memref<1x80x128xi32, #tpu.memory_space<hbm>> -> memref<80x128xi32, #tpu.memory_space<hbm>>
        %dma_wait3A_531 = arith.constant 0 : i32
        %dma_wait3A_532 = tpu.memref_slice %dma_wait3A_530[%mul3A_66, %dma_wait3A_531] : memref<80x128xi32, #tpu.memory_space<hbm>> -> memref<16x128xi32, #tpu.memory_space<hbm>>
        %dma_wait3A_533 = arith.constant 0 : i32
        %dma_wait3A_534 = arith.constant 0 : i32
        %dma_wait3A_535 = tpu.memref_slice %arg4[%add3A, %dma_wait3A_533, %dma_wait3A_534] : memref<32x80x128xi32, #tpu.memory_space<hbm>> -> memref<1x80x128xi32, #tpu.memory_space<hbm>>
        %dma_wait3A_536 = tpu.memref_squeeze %dma_wait3A_535 : memref<1x80x128xi32, #tpu.memory_space<hbm>> -> memref<80x128xi32, #tpu.memory_space<hbm>>
        %dma_wait3A_537 = arith.constant 0 : i32
        %dma_wait3A_538 = tpu.memref_slice %dma_wait3A_536[%mul3A_66, %dma_wait3A_537] : memref<80x128xi32, #tpu.memory_space<hbm>> -> memref<16x128xi32, #tpu.memory_space<hbm>>
        tpu.wait_dma2 semaphore(%run_scoped3A : memref<!tpu.dma_semaphore, #tpu.memory_space<semaphore_mem>>) src(%dma_wait3A_538 : memref<16x128xi32, #tpu.memory_space<hbm>>) dst(%arg8 : memref<16x128xi32, #tpu.memory_space<vmem>>)
        tpu.yield
      }) : () -> ()
      %mul3A_67 = arith.constant 16 : i32
      %mul3A_68 = arith.muli %add3A_64, %mul3A_67 : i32
      "tpu.region"() ({
        %run_scoped3A = tpu.sem_alloc : memref<!tpu.dma_semaphore, #tpu.memory_space<semaphore_mem>>
        %dma_start3A_515 = arith.constant 0 : i32
        %dma_start3A_516 = arith.constant 0 : i32
        %dma_start3A_517 = tpu.memref_slice %arg5[%add3A, %dma_start3A_515, %dma_start3A_516] : memref<32x80x128xi32, #tpu.memory_space<hbm>> -> memref<1x80x128xi32, #tpu.memory_space<hbm>>
        %dma_start3A_518 = tpu.memref_squeeze %dma_start3A_517 : memref<1x80x128xi32, #tpu.memory_space<hbm>> -> memref<80x128xi32, #tpu.memory_space<hbm>>
        %dma_start3A_519 = arith.constant 0 : i32
        %dma_start3A_520 = tpu.memref_slice %dma_start3A_518[%mul3A_68, %dma_start3A_519] : memref<80x128xi32, #tpu.memory_space<hbm>> -> memref<16x128xi32, #tpu.memory_space<hbm>>
        %dma_start3A_521 = arith.constant 0 : i32
        %dma_start3A_522 = arith.constant 0 : i32
        %dma_start3A_523 = tpu.memref_slice %arg5[%add3A, %dma_start3A_521, %dma_start3A_522] : memref<32x80x128xi32, #tpu.memory_space<hbm>> -> memref<1x80x128xi32, #tpu.memory_space<hbm>>
        %dma_start3A_524 = tpu.memref_squeeze %dma_start3A_523 : memref<1x80x128xi32, #tpu.memory_space<hbm>> -> memref<80x128xi32, #tpu.memory_space<hbm>>
        %dma_start3A_525 = arith.constant 0 : i32
        %dma_start3A_526 = tpu.memref_slice %dma_start3A_524[%mul3A_68, %dma_start3A_525] : memref<80x128xi32, #tpu.memory_space<hbm>> -> memref<16x128xi32, #tpu.memory_space<hbm>>
        tpu.enqueue_dma source(%dma_start3A_526 : memref<16x128xi32, #tpu.memory_space<hbm>>) target(%arg9 : memref<16x128xi32, #tpu.memory_space<vmem>>) target_semaphore(%run_scoped3A : memref<!tpu.dma_semaphore, #tpu.memory_space<semaphore_mem>>)
        %dma_wait3A_527 = arith.constant 0 : i32
        %dma_wait3A_528 = arith.constant 0 : i32
        %dma_wait3A_529 = tpu.memref_slice %arg5[%add3A, %dma_wait3A_527, %dma_wait3A_528] : memref<32x80x128xi32, #tpu.memory_space<hbm>> -> memref<1x80x128xi32, #tpu.memory_space<hbm>>
        %dma_wait3A_530 = tpu.memref_squeeze %dma_wait3A_529 : memref<1x80x128xi32, #tpu.memory_space<hbm>> -> memref<80x128xi32, #tpu.memory_space<hbm>>
        %dma_wait3A_531 = arith.constant 0 : i32
        %dma_wait3A_532 = tpu.memref_slice %dma_wait3A_530[%mul3A_68, %dma_wait3A_531] : memref<80x128xi32, #tpu.memory_space<hbm>> -> memref<16x128xi32, #tpu.memory_space<hbm>>
        %dma_wait3A_533 = arith.constant 0 : i32
        %dma_wait3A_534 = arith.constant 0 : i32
        %dma_wait3A_535 = tpu.memref_slice %arg5[%add3A, %dma_wait3A_533, %dma_wait3A_534] : memref<32x80x128xi32, #tpu.memory_space<hbm>> -> memref<1x80x128xi32, #tpu.memory_space<hbm>>
        %dma_wait3A_536 = tpu.memref_squeeze %dma_wait3A_535 : memref<1x80x128xi32, #tpu.memory_space<hbm>> -> memref<80x128xi32, #tpu.memory_space<hbm>>
        %dma_wait3A_537 = arith.constant 0 : i32
        %dma_wait3A_538 = tpu.memref_slice %dma_wait3A_536[%mul3A_68, %dma_wait3A_537] : memref<80x128xi32, #tpu.memory_space<hbm>> -> memref<16x128xi32, #tpu.memory_space<hbm>>
        tpu.wait_dma2 semaphore(%run_scoped3A : memref<!tpu.dma_semaphore, #tpu.memory_space<semaphore_mem>>) src(%dma_wait3A_538 : memref<16x128xi32, #tpu.memory_space<hbm>>) dst(%arg9 : memref<16x128xi32, #tpu.memory_space<vmem>>)
        tpu.yield
      }) : () -> ()
      %dma_start3A = arith.constant 0 : i32
      %dma_start3A_69 = arith.constant 0 : i32
      %dma_start3A_70 = tpu.memref_slice %arg8[%dma_start3A, %dma_start3A_69] : memref<16x128xi32, #tpu.memory_space<vmem>> -> memref<1x128xi32, #tpu.memory_space<vmem>>
      %dma_start3A_71 = tpu.memref_squeeze %dma_start3A_70 : memref<1x128xi32, #tpu.memory_space<vmem>> -> memref<128xi32, #tpu.memory_space<vmem>>
      %dma_start3A_72 = arith.constant 0 : i32
      %dma_start3A_73 = arith.constant 0 : i32
      %dma_start3A_74 = tpu.memref_slice %arg14[%dma_start3A_72, %dma_start3A_73] : memref<10240x64xf32, #tpu.memory_space<vmem_shared>> -> memref<10240x64xf32, #tpu.memory_space<vmem_shared>>
      tpu.enqueue_indirect_dma source(%dma_start3A_74 : memref<10240x64xf32, #tpu.memory_space<vmem_shared>>) target(%arg10 : memref<128x64xf32, #tpu.memory_space<vmem>>) offsets(%dma_start3A_71 : memref<128xi32, #tpu.memory_space<vmem>>) semaphore(%arg16 : memref<!tpu.dma_semaphore, #tpu.memory_space<semaphore_mem>>)
      %dma_start3A_75 = arith.constant 1 : i32
      %dma_start3A_76 = arith.constant 0 : i32
      %dma_start3A_77 = tpu.memref_slice %arg8[%dma_start3A_75, %dma_start3A_76] : memref<16x128xi32, #tpu.memory_space<vmem>> -> memref<1x128xi32, #tpu.memory_space<vmem>>
      %dma_start3A_78 = tpu.memref_squeeze %dma_start3A_77 : memref<1x128xi32, #tpu.memory_space<vmem>> -> memref<128xi32, #tpu.memory_space<vmem>>
      %dma_start3A_79 = arith.constant 0 : i32
      %dma_start3A_80 = arith.constant 0 : i32
      %dma_start3A_81 = tpu.memref_slice %arg14[%dma_start3A_79, %dma_start3A_80] : memref<10240x64xf32, #tpu.memory_space<vmem_shared>> -> memref<10240x64xf32, #tpu.memory_space<vmem_shared>>
      tpu.enqueue_indirect_dma source(%dma_start3A_81 : memref<10240x64xf32, #tpu.memory_space<vmem_shared>>) target(%arg11 : memref<128x64xf32, #tpu.memory_space<vmem>>) offsets(%dma_start3A_78 : memref<128xi32, #tpu.memory_space<vmem>>) semaphore(%arg16 : memref<!tpu.dma_semaphore, #tpu.memory_space<semaphore_mem>>)
      %dma_start3A_82 = arith.constant 2 : i32
      %dma_start3A_83 = arith.constant 0 : i32
      %dma_start3A_84 = tpu.memref_slice %arg8[%dma_start3A_82, %dma_start3A_83] : memref<16x128xi32, #tpu.memory_space<vmem>> -> memref<1x128xi32, #tpu.memory_space<vmem>>
      %dma_start3A_85 = tpu.memref_squeeze %dma_start3A_84 : memref<1x128xi32, #tpu.memory_space<vmem>> -> memref<128xi32, #tpu.memory_space<vmem>>
      %dma_start3A_86 = arith.constant 0 : i32
      %dma_start3A_87 = arith.constant 0 : i32
      %dma_start3A_88 = tpu.memref_slice %arg14[%dma_start3A_86, %dma_start3A_87] : memref<10240x64xf32, #tpu.memory_space<vmem_shared>> -> memref<10240x64xf32, #tpu.memory_space<vmem_shared>>
      tpu.enqueue_indirect_dma source(%dma_start3A_88 : memref<10240x64xf32, #tpu.memory_space<vmem_shared>>) target(%arg12 : memref<128x64xf32, #tpu.memory_space<vmem>>) offsets(%dma_start3A_85 : memref<128xi32, #tpu.memory_space<vmem>>) semaphore(%arg16 : memref<!tpu.dma_semaphore, #tpu.memory_space<semaphore_mem>>)
      %dma_wait3A = arith.constant 0 : i32
      %dma_wait3A_89 = arith.constant 0 : i32
      %dma_wait3A_90 = tpu.memref_slice %arg8[%dma_wait3A, %dma_wait3A_89] : memref<16x128xi32, #tpu.memory_space<vmem>> -> memref<1x128xi32, #tpu.memory_space<vmem>>
      %dma_wait3A_91 = tpu.memref_squeeze %dma_wait3A_90 : memref<1x128xi32, #tpu.memory_space<vmem>> -> memref<128xi32, #tpu.memory_space<vmem>>
      %dma_wait3A_92 = arith.constant 0 : i32
      %dma_wait3A_93 = arith.constant 0 : i32
      %dma_wait3A_94 = tpu.memref_slice %arg14[%dma_wait3A_92, %dma_wait3A_93] : memref<10240x64xf32, #tpu.memory_space<vmem_shared>> -> memref<10240x64xf32, #tpu.memory_space<vmem_shared>>
      tpu.wait_indirect_dma semaphore(%arg16 : memref<!tpu.dma_semaphore, #tpu.memory_space<semaphore_mem>>) src(%dma_wait3A_94 : memref<10240x64xf32, #tpu.memory_space<vmem_shared>>) dst(%arg10 : memref<128x64xf32, #tpu.memory_space<vmem>>)
      %dma_start3A_95 = arith.constant 0 : i32
      %dma_start3A_96 = arith.constant 0 : i32
      %dma_start3A_97 = tpu.memref_slice %arg9[%dma_start3A_95, %dma_start3A_96] : memref<16x128xi32, #tpu.memory_space<vmem>> -> memref<1x128xi32, #tpu.memory_space<vmem>>
      %dma_start3A_98 = tpu.memref_squeeze %dma_start3A_97 : memref<1x128xi32, #tpu.memory_space<vmem>> -> memref<128xi32, #tpu.memory_space<vmem>>
      %dma_start3A_99 = arith.constant 0 : i32
      %dma_start3A_100 = arith.constant 0 : i32
      %dma_start3A_101 = tpu.memref_slice %arg15[%dma_start3A_99, %dma_start3A_100] : memref<10240x64xf32, #tpu.memory_space<vmem_shared>> -> memref<10240x64xf32, #tpu.memory_space<vmem_shared>>
      tpu.enqueue_indirect_dma source(%arg10 : memref<128x64xf32, #tpu.memory_space<vmem>>) target(%dma_start3A_101 : memref<10240x64xf32, #tpu.memory_space<vmem_shared>>) offsets(%dma_start3A_98 : memref<128xi32, #tpu.memory_space<vmem>>) semaphore(%arg17 : memref<!tpu.dma_semaphore, #tpu.memory_space<semaphore_mem>>) {add = true}
      %dma_start3A_102 = arith.constant 3 : i32
      %dma_start3A_103 = arith.constant 0 : i32
      %dma_start3A_104 = tpu.memref_slice %arg8[%dma_start3A_102, %dma_start3A_103] : memref<16x128xi32, #tpu.memory_space<vmem>> -> memref<1x128xi32, #tpu.memory_space<vmem>>
      %dma_start3A_105 = tpu.memref_squeeze %dma_start3A_104 : memref<1x128xi32, #tpu.memory_space<vmem>> -> memref<128xi32, #tpu.memory_space<vmem>>
      %dma_start3A_106 = arith.constant 0 : i32
      %dma_start3A_107 = arith.constant 0 : i32
      %dma_start3A_108 = tpu.memref_slice %arg14[%dma_start3A_106, %dma_start3A_107] : memref<10240x64xf32, #tpu.memory_space<vmem_shared>> -> memref<10240x64xf32, #tpu.memory_space<vmem_shared>>
      tpu.enqueue_indirect_dma source(%dma_start3A_108 : memref<10240x64xf32, #tpu.memory_space<vmem_shared>>) target(%arg13 : memref<128x64xf32, #tpu.memory_space<vmem>>) offsets(%dma_start3A_105 : memref<128xi32, #tpu.memory_space<vmem>>) semaphore(%arg16 : memref<!tpu.dma_semaphore, #tpu.memory_space<semaphore_mem>>)
      %dma_wait3A_109 = arith.constant 1 : i32
      %dma_wait3A_110 = arith.constant 0 : i32
      %dma_wait3A_111 = tpu.memref_slice %arg8[%dma_wait3A_109, %dma_wait3A_110] : memref<16x128xi32, #tpu.memory_space<vmem>> -> memref<1x128xi32, #tpu.memory_space<vmem>>
      %dma_wait3A_112 = tpu.memref_squeeze %dma_wait3A_111 : memref<1x128xi32, #tpu.memory_space<vmem>> -> memref<128xi32, #tpu.memory_space<vmem>>
      %dma_wait3A_113 = arith.constant 0 : i32
      %dma_wait3A_114 = arith.constant 0 : i32
      %dma_wait3A_115 = tpu.memref_slice %arg14[%dma_wait3A_113, %dma_wait3A_114] : memref<10240x64xf32, #tpu.memory_space<vmem_shared>> -> memref<10240x64xf32, #tpu.memory_space<vmem_shared>>
      tpu.wait_indirect_dma semaphore(%arg16 : memref<!tpu.dma_semaphore, #tpu.memory_space<semaphore_mem>>) src(%dma_wait3A_115 : memref<10240x64xf32, #tpu.memory_space<vmem_shared>>) dst(%arg11 : memref<128x64xf32, #tpu.memory_space<vmem>>)
      %dma_start3A_116 = arith.constant 1 : i32
      %dma_start3A_117 = arith.constant 0 : i32
      %dma_start3A_118 = tpu.memref_slice %arg9[%dma_start3A_116, %dma_start3A_117] : memref<16x128xi32, #tpu.memory_space<vmem>> -> memref<1x128xi32, #tpu.memory_space<vmem>>
      %dma_start3A_119 = tpu.memref_squeeze %dma_start3A_118 : memref<1x128xi32, #tpu.memory_space<vmem>> -> memref<128xi32, #tpu.memory_space<vmem>>
      %dma_start3A_120 = arith.constant 0 : i32
      %dma_start3A_121 = arith.constant 0 : i32
      %dma_start3A_122 = tpu.memref_slice %arg15[%dma_start3A_120, %dma_start3A_121] : memref<10240x64xf32, #tpu.memory_space<vmem_shared>> -> memref<10240x64xf32, #tpu.memory_space<vmem_shared>>
      tpu.enqueue_indirect_dma source(%arg11 : memref<128x64xf32, #tpu.memory_space<vmem>>) target(%dma_start3A_122 : memref<10240x64xf32, #tpu.memory_space<vmem_shared>>) offsets(%dma_start3A_119 : memref<128xi32, #tpu.memory_space<vmem>>) semaphore(%arg17 : memref<!tpu.dma_semaphore, #tpu.memory_space<semaphore_mem>>) {add = true}
      %dma_wait3A_123 = arith.constant 0 : i32
      %dma_wait3A_124 = arith.constant 0 : i32
      %dma_wait3A_125 = tpu.memref_slice %arg9[%dma_wait3A_123, %dma_wait3A_124] : memref<16x128xi32, #tpu.memory_space<vmem>> -> memref<1x128xi32, #tpu.memory_space<vmem>>
      %dma_wait3A_126 = tpu.memref_squeeze %dma_wait3A_125 : memref<1x128xi32, #tpu.memory_space<vmem>> -> memref<128xi32, #tpu.memory_space<vmem>>
      %dma_wait3A_127 = arith.constant 0 : i32
      %dma_wait3A_128 = arith.constant 0 : i32
      %dma_wait3A_129 = tpu.memref_slice %arg15[%dma_wait3A_127, %dma_wait3A_128] : memref<10240x64xf32, #tpu.memory_space<vmem_shared>> -> memref<10240x64xf32, #tpu.memory_space<vmem_shared>>
      tpu.wait_indirect_dma semaphore(%arg17 : memref<!tpu.dma_semaphore, #tpu.memory_space<semaphore_mem>>) src(%arg10 : memref<128x64xf32, #tpu.memory_space<vmem>>) dst(%dma_wait3A_129 : memref<10240x64xf32, #tpu.memory_space<vmem_shared>>)
      %dma_start3A_130 = arith.constant 4 : i32
      %dma_start3A_131 = arith.constant 0 : i32
      %dma_start3A_132 = tpu.memref_slice %arg8[%dma_start3A_130, %dma_start3A_131] : memref<16x128xi32, #tpu.memory_space<vmem>> -> memref<1x128xi32, #tpu.memory_space<vmem>>
      %dma_start3A_133 = tpu.memref_squeeze %dma_start3A_132 : memref<1x128xi32, #tpu.memory_space<vmem>> -> memref<128xi32, #tpu.memory_space<vmem>>
      %dma_start3A_134 = arith.constant 0 : i32
      %dma_start3A_135 = arith.constant 0 : i32
      %dma_start3A_136 = tpu.memref_slice %arg14[%dma_start3A_134, %dma_start3A_135] : memref<10240x64xf32, #tpu.memory_space<vmem_shared>> -> memref<10240x64xf32, #tpu.memory_space<vmem_shared>>
      tpu.enqueue_indirect_dma source(%dma_start3A_136 : memref<10240x64xf32, #tpu.memory_space<vmem_shared>>) target(%arg10 : memref<128x64xf32, #tpu.memory_space<vmem>>) offsets(%dma_start3A_133 : memref<128xi32, #tpu.memory_space<vmem>>) semaphore(%arg16 : memref<!tpu.dma_semaphore, #tpu.memory_space<semaphore_mem>>)
      %dma_wait3A_137 = arith.constant 2 : i32
      %dma_wait3A_138 = arith.constant 0 : i32
      %dma_wait3A_139 = tpu.memref_slice %arg8[%dma_wait3A_137, %dma_wait3A_138] : memref<16x128xi32, #tpu.memory_space<vmem>> -> memref<1x128xi32, #tpu.memory_space<vmem>>
      %dma_wait3A_140 = tpu.memref_squeeze %dma_wait3A_139 : memref<1x128xi32, #tpu.memory_space<vmem>> -> memref<128xi32, #tpu.memory_space<vmem>>
      %dma_wait3A_141 = arith.constant 0 : i32
      %dma_wait3A_142 = arith.constant 0 : i32
      %dma_wait3A_143 = tpu.memref_slice %arg14[%dma_wait3A_141, %dma_wait3A_142] : memref<10240x64xf32, #tpu.memory_space<vmem_shared>> -> memref<10240x64xf32, #tpu.memory_space<vmem_shared>>
      tpu.wait_indirect_dma semaphore(%arg16 : memref<!tpu.dma_semaphore, #tpu.memory_space<semaphore_mem>>) src(%dma_wait3A_143 : memref<10240x64xf32, #tpu.memory_space<vmem_shared>>) dst(%arg12 : memref<128x64xf32, #tpu.memory_space<vmem>>)
      %dma_start3A_144 = arith.constant 2 : i32
      %dma_start3A_145 = arith.constant 0 : i32
      %dma_start3A_146 = tpu.memref_slice %arg9[%dma_start3A_144, %dma_start3A_145] : memref<16x128xi32, #tpu.memory_space<vmem>> -> memref<1x128xi32, #tpu.memory_space<vmem>>
      %dma_start3A_147 = tpu.memref_squeeze %dma_start3A_146 : memref<1x128xi32, #tpu.memory_space<vmem>> -> memref<128xi32, #tpu.memory_space<vmem>>
      %dma_start3A_148 = arith.constant 0 : i32
      %dma_start3A_149 = arith.constant 0 : i32
      %dma_start3A_150 = tpu.memref_slice %arg15[%dma_start3A_148, %dma_start3A_149] : memref<10240x64xf32, #tpu.memory_space<vmem_shared>> -> memref<10240x64xf32, #tpu.memory_space<vmem_shared>>
      tpu.enqueue_indirect_dma source(%arg12 : memref<128x64xf32, #tpu.memory_space<vmem>>) target(%dma_start3A_150 : memref<10240x64xf32, #tpu.memory_space<vmem_shared>>) offsets(%dma_start3A_147 : memref<128xi32, #tpu.memory_space<vmem>>) semaphore(%arg17 : memref<!tpu.dma_semaphore, #tpu.memory_space<semaphore_mem>>) {add = true}
      %dma_wait3A_151 = arith.constant 1 : i32
      %dma_wait3A_152 = arith.constant 0 : i32
      %dma_wait3A_153 = tpu.memref_slice %arg9[%dma_wait3A_151, %dma_wait3A_152] : memref<16x128xi32, #tpu.memory_space<vmem>> -> memref<1x128xi32, #tpu.memory_space<vmem>>
      %dma_wait3A_154 = tpu.memref_squeeze %dma_wait3A_153 : memref<1x128xi32, #tpu.memory_space<vmem>> -> memref<128xi32, #tpu.memory_space<vmem>>
      %dma_wait3A_155 = arith.constant 0 : i32
      %dma_wait3A_156 = arith.constant 0 : i32
      %dma_wait3A_157 = tpu.memref_slice %arg15[%dma_wait3A_155, %dma_wait3A_156] : memref<10240x64xf32, #tpu.memory_space<vmem_shared>> -> memref<10240x64xf32, #tpu.memory_space<vmem_shared>>
      tpu.wait_indirect_dma semaphore(%arg17 : memref<!tpu.dma_semaphore, #tpu.memory_space<semaphore_mem>>) src(%arg11 : memref<128x64xf32, #tpu.memory_space<vmem>>) dst(%dma_wait3A_157 : memref<10240x64xf32, #tpu.memory_space<vmem_shared>>)
      %dma_start3A_158 = arith.constant 5 : i32
      %dma_start3A_159 = arith.constant 0 : i32
      %dma_start3A_160 = tpu.memref_slice %arg8[%dma_start3A_158, %dma_start3A_159] : memref<16x128xi32, #tpu.memory_space<vmem>> -> memref<1x128xi32, #tpu.memory_space<vmem>>
      %dma_start3A_161 = tpu.memref_squeeze %dma_start3A_160 : memref<1x128xi32, #tpu.memory_space<vmem>> -> memref<128xi32, #tpu.memory_space<vmem>>
      %dma_start3A_162 = arith.constant 0 : i32
      %dma_start3A_163 = arith.constant 0 : i32
      %dma_start3A_164 = tpu.memref_slice %arg14[%dma_start3A_162, %dma_start3A_163] : memref<10240x64xf32, #tpu.memory_space<vmem_shared>> -> memref<10240x64xf32, #tpu.memory_space<vmem_shared>>
      tpu.enqueue_indirect_dma source(%dma_start3A_164 : memref<10240x64xf32, #tpu.memory_space<vmem_shared>>) target(%arg11 : memref<128x64xf32, #tpu.memory_space<vmem>>) offsets(%dma_start3A_161 : memref<128xi32, #tpu.memory_space<vmem>>) semaphore(%arg16 : memref<!tpu.dma_semaphore, #tpu.memory_space<semaphore_mem>>)
      %dma_wait3A_165 = arith.constant 3 : i32
      %dma_wait3A_166 = arith.constant 0 : i32
      %dma_wait3A_167 = tpu.memref_slice %arg8[%dma_wait3A_165, %dma_wait3A_166] : memref<16x128xi32, #tpu.memory_space<vmem>> -> memref<1x128xi32, #tpu.memory_space<vmem>>
      %dma_wait3A_168 = tpu.memref_squeeze %dma_wait3A_167 : memref<1x128xi32, #tpu.memory_space<vmem>> -> memref<128xi32, #tpu.memory_space<vmem>>
      %dma_wait3A_169 = arith.constant 0 : i32
      %dma_wait3A_170 = arith.constant 0 : i32
      %dma_wait3A_171 = tpu.memref_slice %arg14[%dma_wait3A_169, %dma_wait3A_170] : memref<10240x64xf32, #tpu.memory_space<vmem_shared>> -> memref<10240x64xf32, #tpu.memory_space<vmem_shared>>
      tpu.wait_indirect_dma semaphore(%arg16 : memref<!tpu.dma_semaphore, #tpu.memory_space<semaphore_mem>>) src(%dma_wait3A_171 : memref<10240x64xf32, #tpu.memory_space<vmem_shared>>) dst(%arg13 : memref<128x64xf32, #tpu.memory_space<vmem>>)
      %dma_start3A_172 = arith.constant 3 : i32
      %dma_start3A_173 = arith.constant 0 : i32
      %dma_start3A_174 = tpu.memref_slice %arg9[%dma_start3A_172, %dma_start3A_173] : memref<16x128xi32, #tpu.memory_space<vmem>> -> memref<1x128xi32, #tpu.memory_space<vmem>>
      %dma_start3A_175 = tpu.memref_squeeze %dma_start3A_174 : memref<1x128xi32, #tpu.memory_space<vmem>> -> memref<128xi32, #tpu.memory_space<vmem>>
      %dma_start3A_176 = arith.constant 0 : i32
      %dma_start3A_177 = arith.constant 0 : i32
      %dma_start3A_178 = tpu.memref_slice %arg15[%dma_start3A_176, %dma_start3A_177] : memref<10240x64xf32, #tpu.memory_space<vmem_shared>> -> memref<10240x64xf32, #tpu.memory_space<vmem_shared>>
      tpu.enqueue_indirect_dma source(%arg13 : memref<128x64xf32, #tpu.memory_space<vmem>>) target(%dma_start3A_178 : memref<10240x64xf32, #tpu.memory_space<vmem_shared>>) offsets(%dma_start3A_175 : memref<128xi32, #tpu.memory_space<vmem>>) semaphore(%arg17 : memref<!tpu.dma_semaphore, #tpu.memory_space<semaphore_mem>>) {add = true}
      %dma_wait3A_179 = arith.constant 2 : i32
      %dma_wait3A_180 = arith.constant 0 : i32
      %dma_wait3A_181 = tpu.memref_slice %arg9[%dma_wait3A_179, %dma_wait3A_180] : memref<16x128xi32, #tpu.memory_space<vmem>> -> memref<1x128xi32, #tpu.memory_space<vmem>>
      %dma_wait3A_182 = tpu.memref_squeeze %dma_wait3A_181 : memref<1x128xi32, #tpu.memory_space<vmem>> -> memref<128xi32, #tpu.memory_space<vmem>>
      %dma_wait3A_183 = arith.constant 0 : i32
      %dma_wait3A_184 = arith.constant 0 : i32
      %dma_wait3A_185 = tpu.memref_slice %arg15[%dma_wait3A_183, %dma_wait3A_184] : memref<10240x64xf32, #tpu.memory_space<vmem_shared>> -> memref<10240x64xf32, #tpu.memory_space<vmem_shared>>
      tpu.wait_indirect_dma semaphore(%arg17 : memref<!tpu.dma_semaphore, #tpu.memory_space<semaphore_mem>>) src(%arg12 : memref<128x64xf32, #tpu.memory_space<vmem>>) dst(%dma_wait3A_185 : memref<10240x64xf32, #tpu.memory_space<vmem_shared>>)
      %dma_start3A_186 = arith.constant 6 : i32
      %dma_start3A_187 = arith.constant 0 : i32
      %dma_start3A_188 = tpu.memref_slice %arg8[%dma_start3A_186, %dma_start3A_187] : memref<16x128xi32, #tpu.memory_space<vmem>> -> memref<1x128xi32, #tpu.memory_space<vmem>>
      %dma_start3A_189 = tpu.memref_squeeze %dma_start3A_188 : memref<1x128xi32, #tpu.memory_space<vmem>> -> memref<128xi32, #tpu.memory_space<vmem>>
      %dma_start3A_190 = arith.constant 0 : i32
      %dma_start3A_191 = arith.constant 0 : i32
      %dma_start3A_192 = tpu.memref_slice %arg14[%dma_start3A_190, %dma_start3A_191] : memref<10240x64xf32, #tpu.memory_space<vmem_shared>> -> memref<10240x64xf32, #tpu.memory_space<vmem_shared>>
      tpu.enqueue_indirect_dma source(%dma_start3A_192 : memref<10240x64xf32, #tpu.memory_space<vmem_shared>>) target(%arg12 : memref<128x64xf32, #tpu.memory_space<vmem>>) offsets(%dma_start3A_189 : memref<128xi32, #tpu.memory_space<vmem>>) semaphore(%arg16 : memref<!tpu.dma_semaphore, #tpu.memory_space<semaphore_mem>>)
      %dma_wait3A_193 = arith.constant 4 : i32
      %dma_wait3A_194 = arith.constant 0 : i32
      %dma_wait3A_195 = tpu.memref_slice %arg8[%dma_wait3A_193, %dma_wait3A_194] : memref<16x128xi32, #tpu.memory_space<vmem>> -> memref<1x128xi32, #tpu.memory_space<vmem>>
      %dma_wait3A_196 = tpu.memref_squeeze %dma_wait3A_195 : memref<1x128xi32, #tpu.memory_space<vmem>> -> memref<128xi32, #tpu.memory_space<vmem>>
      %dma_wait3A_197 = arith.constant 0 : i32
      %dma_wait3A_198 = arith.constant 0 : i32
      %dma_wait3A_199 = tpu.memref_slice %arg14[%dma_wait3A_197, %dma_wait3A_198] : memref<10240x64xf32, #tpu.memory_space<vmem_shared>> -> memref<10240x64xf32, #tpu.memory_space<vmem_shared>>
      tpu.wait_indirect_dma semaphore(%arg16 : memref<!tpu.dma_semaphore, #tpu.memory_space<semaphore_mem>>) src(%dma_wait3A_199 : memref<10240x64xf32, #tpu.memory_space<vmem_shared>>) dst(%arg10 : memref<128x64xf32, #tpu.memory_space<vmem>>)
      %dma_start3A_200 = arith.constant 4 : i32
      %dma_start3A_201 = arith.constant 0 : i32
      %dma_start3A_202 = tpu.memref_slice %arg9[%dma_start3A_200, %dma_start3A_201] : memref<16x128xi32, #tpu.memory_space<vmem>> -> memref<1x128xi32, #tpu.memory_space<vmem>>
      %dma_start3A_203 = tpu.memref_squeeze %dma_start3A_202 : memref<1x128xi32, #tpu.memory_space<vmem>> -> memref<128xi32, #tpu.memory_space<vmem>>
      %dma_start3A_204 = arith.constant 0 : i32
      %dma_start3A_205 = arith.constant 0 : i32
      %dma_start3A_206 = tpu.memref_slice %arg15[%dma_start3A_204, %dma_start3A_205] : memref<10240x64xf32, #tpu.memory_space<vmem_shared>> -> memref<10240x64xf32, #tpu.memory_space<vmem_shared>>
      tpu.enqueue_indirect_dma source(%arg10 : memref<128x64xf32, #tpu.memory_space<vmem>>) target(%dma_start3A_206 : memref<10240x64xf32, #tpu.memory_space<vmem_shared>>) offsets(%dma_start3A_203 : memref<128xi32, #tpu.memory_space<vmem>>) semaphore(%arg17 : memref<!tpu.dma_semaphore, #tpu.memory_space<semaphore_mem>>) {add = true}
      %dma_wait3A_207 = arith.constant 3 : i32
      %dma_wait3A_208 = arith.constant 0 : i32
      %dma_wait3A_209 = tpu.memref_slice %arg9[%dma_wait3A_207, %dma_wait3A_208] : memref<16x128xi32, #tpu.memory_space<vmem>> -> memref<1x128xi32, #tpu.memory_space<vmem>>
      %dma_wait3A_210 = tpu.memref_squeeze %dma_wait3A_209 : memref<1x128xi32, #tpu.memory_space<vmem>> -> memref<128xi32, #tpu.memory_space<vmem>>
      %dma_wait3A_211 = arith.constant 0 : i32
      %dma_wait3A_212 = arith.constant 0 : i32
      %dma_wait3A_213 = tpu.memref_slice %arg15[%dma_wait3A_211, %dma_wait3A_212] : memref<10240x64xf32, #tpu.memory_space<vmem_shared>> -> memref<10240x64xf32, #tpu.memory_space<vmem_shared>>
      tpu.wait_indirect_dma semaphore(%arg17 : memref<!tpu.dma_semaphore, #tpu.memory_space<semaphore_mem>>) src(%arg13 : memref<128x64xf32, #tpu.memory_space<vmem>>) dst(%dma_wait3A_213 : memref<10240x64xf32, #tpu.memory_space<vmem_shared>>)
      %dma_start3A_214 = arith.constant 7 : i32
      %dma_start3A_215 = arith.constant 0 : i32
      %dma_start3A_216 = tpu.memref_slice %arg8[%dma_start3A_214, %dma_start3A_215] : memref<16x128xi32, #tpu.memory_space<vmem>> -> memref<1x128xi32, #tpu.memory_space<vmem>>
      %dma_start3A_217 = tpu.memref_squeeze %dma_start3A_216 : memref<1x128xi32, #tpu.memory_space<vmem>> -> memref<128xi32, #tpu.memory_space<vmem>>
      %dma_start3A_218 = arith.constant 0 : i32
      %dma_start3A_219 = arith.constant 0 : i32
      %dma_start3A_220 = tpu.memref_slice %arg14[%dma_start3A_218, %dma_start3A_219] : memref<10240x64xf32, #tpu.memory_space<vmem_shared>> -> memref<10240x64xf32, #tpu.memory_space<vmem_shared>>
      tpu.enqueue_indirect_dma source(%dma_start3A_220 : memref<10240x64xf32, #tpu.memory_space<vmem_shared>>) target(%arg13 : memref<128x64xf32, #tpu.memory_space<vmem>>) offsets(%dma_start3A_217 : memref<128xi32, #tpu.memory_space<vmem>>) semaphore(%arg16 : memref<!tpu.dma_semaphore, #tpu.memory_space<semaphore_mem>>)
      %dma_wait3A_221 = arith.constant 5 : i32
      %dma_wait3A_222 = arith.constant 0 : i32
      %dma_wait3A_223 = tpu.memref_slice %arg8[%dma_wait3A_221, %dma_wait3A_222] : memref<16x128xi32, #tpu.memory_space<vmem>> -> memref<1x128xi32, #tpu.memory_space<vmem>>
      %dma_wait3A_224 = tpu.memref_squeeze %dma_wait3A_223 : memref<1x128xi32, #tpu.memory_space<vmem>> -> memref<128xi32, #tpu.memory_space<vmem>>
      %dma_wait3A_225 = arith.constant 0 : i32
      %dma_wait3A_226 = arith.constant 0 : i32
      %dma_wait3A_227 = tpu.memref_slice %arg14[%dma_wait3A_225, %dma_wait3A_226] : memref<10240x64xf32, #tpu.memory_space<vmem_shared>> -> memref<10240x64xf32, #tpu.memory_space<vmem_shared>>
      tpu.wait_indirect_dma semaphore(%arg16 : memref<!tpu.dma_semaphore, #tpu.memory_space<semaphore_mem>>) src(%dma_wait3A_227 : memref<10240x64xf32, #tpu.memory_space<vmem_shared>>) dst(%arg11 : memref<128x64xf32, #tpu.memory_space<vmem>>)
      %dma_start3A_228 = arith.constant 5 : i32
      %dma_start3A_229 = arith.constant 0 : i32
      %dma_start3A_230 = tpu.memref_slice %arg9[%dma_start3A_228, %dma_start3A_229] : memref<16x128xi32, #tpu.memory_space<vmem>> -> memref<1x128xi32, #tpu.memory_space<vmem>>
      %dma_start3A_231 = tpu.memref_squeeze %dma_start3A_230 : memref<1x128xi32, #tpu.memory_space<vmem>> -> memref<128xi32, #tpu.memory_space<vmem>>
      %dma_start3A_232 = arith.constant 0 : i32
      %dma_start3A_233 = arith.constant 0 : i32
      %dma_start3A_234 = tpu.memref_slice %arg15[%dma_start3A_232, %dma_start3A_233] : memref<10240x64xf32, #tpu.memory_space<vmem_shared>> -> memref<10240x64xf32, #tpu.memory_space<vmem_shared>>
      tpu.enqueue_indirect_dma source(%arg11 : memref<128x64xf32, #tpu.memory_space<vmem>>) target(%dma_start3A_234 : memref<10240x64xf32, #tpu.memory_space<vmem_shared>>) offsets(%dma_start3A_231 : memref<128xi32, #tpu.memory_space<vmem>>) semaphore(%arg17 : memref<!tpu.dma_semaphore, #tpu.memory_space<semaphore_mem>>) {add = true}
      %dma_wait3A_235 = arith.constant 4 : i32
      %dma_wait3A_236 = arith.constant 0 : i32
      %dma_wait3A_237 = tpu.memref_slice %arg9[%dma_wait3A_235, %dma_wait3A_236] : memref<16x128xi32, #tpu.memory_space<vmem>> -> memref<1x128xi32, #tpu.memory_space<vmem>>
      %dma_wait3A_238 = tpu.memref_squeeze %dma_wait3A_237 : memref<1x128xi32, #tpu.memory_space<vmem>> -> memref<128xi32, #tpu.memory_space<vmem>>
      %dma_wait3A_239 = arith.constant 0 : i32
      %dma_wait3A_240 = arith.constant 0 : i32
      %dma_wait3A_241 = tpu.memref_slice %arg15[%dma_wait3A_239, %dma_wait3A_240] : memref<10240x64xf32, #tpu.memory_space<vmem_shared>> -> memref<10240x64xf32, #tpu.memory_space<vmem_shared>>
      tpu.wait_indirect_dma semaphore(%arg17 : memref<!tpu.dma_semaphore, #tpu.memory_space<semaphore_mem>>) src(%arg10 : memref<128x64xf32, #tpu.memory_space<vmem>>) dst(%dma_wait3A_241 : memref<10240x64xf32, #tpu.memory_space<vmem_shared>>)
      %dma_start3A_242 = arith.constant 8 : i32
      %dma_start3A_243 = arith.constant 0 : i32
      %dma_start3A_244 = tpu.memref_slice %arg8[%dma_start3A_242, %dma_start3A_243] : memref<16x128xi32, #tpu.memory_space<vmem>> -> memref<1x128xi32, #tpu.memory_space<vmem>>
      %dma_start3A_245 = tpu.memref_squeeze %dma_start3A_244 : memref<1x128xi32, #tpu.memory_space<vmem>> -> memref<128xi32, #tpu.memory_space<vmem>>
      %dma_start3A_246 = arith.constant 0 : i32
      %dma_start3A_247 = arith.constant 0 : i32
      %dma_start3A_248 = tpu.memref_slice %arg14[%dma_start3A_246, %dma_start3A_247] : memref<10240x64xf32, #tpu.memory_space<vmem_shared>> -> memref<10240x64xf32, #tpu.memory_space<vmem_shared>>
      tpu.enqueue_indirect_dma source(%dma_start3A_248 : memref<10240x64xf32, #tpu.memory_space<vmem_shared>>) target(%arg10 : memref<128x64xf32, #tpu.memory_space<vmem>>) offsets(%dma_start3A_245 : memref<128xi32, #tpu.memory_space<vmem>>) semaphore(%arg16 : memref<!tpu.dma_semaphore, #tpu.memory_space<semaphore_mem>>)
      %dma_wait3A_249 = arith.constant 6 : i32
      %dma_wait3A_250 = arith.constant 0 : i32
      %dma_wait3A_251 = tpu.memref_slice %arg8[%dma_wait3A_249, %dma_wait3A_250] : memref<16x128xi32, #tpu.memory_space<vmem>> -> memref<1x128xi32, #tpu.memory_space<vmem>>
      %dma_wait3A_252 = tpu.memref_squeeze %dma_wait3A_251 : memref<1x128xi32, #tpu.memory_space<vmem>> -> memref<128xi32, #tpu.memory_space<vmem>>
      %dma_wait3A_253 = arith.constant 0 : i32
      %dma_wait3A_254 = arith.constant 0 : i32
      %dma_wait3A_255 = tpu.memref_slice %arg14[%dma_wait3A_253, %dma_wait3A_254] : memref<10240x64xf32, #tpu.memory_space<vmem_shared>> -> memref<10240x64xf32, #tpu.memory_space<vmem_shared>>
      tpu.wait_indirect_dma semaphore(%arg16 : memref<!tpu.dma_semaphore, #tpu.memory_space<semaphore_mem>>) src(%dma_wait3A_255 : memref<10240x64xf32, #tpu.memory_space<vmem_shared>>) dst(%arg12 : memref<128x64xf32, #tpu.memory_space<vmem>>)
      %dma_start3A_256 = arith.constant 6 : i32
      %dma_start3A_257 = arith.constant 0 : i32
      %dma_start3A_258 = tpu.memref_slice %arg9[%dma_start3A_256, %dma_start3A_257] : memref<16x128xi32, #tpu.memory_space<vmem>> -> memref<1x128xi32, #tpu.memory_space<vmem>>
      %dma_start3A_259 = tpu.memref_squeeze %dma_start3A_258 : memref<1x128xi32, #tpu.memory_space<vmem>> -> memref<128xi32, #tpu.memory_space<vmem>>
      %dma_start3A_260 = arith.constant 0 : i32
      %dma_start3A_261 = arith.constant 0 : i32
      %dma_start3A_262 = tpu.memref_slice %arg15[%dma_start3A_260, %dma_start3A_261] : memref<10240x64xf32, #tpu.memory_space<vmem_shared>> -> memref<10240x64xf32, #tpu.memory_space<vmem_shared>>
      tpu.enqueue_indirect_dma source(%arg12 : memref<128x64xf32, #tpu.memory_space<vmem>>) target(%dma_start3A_262 : memref<10240x64xf32, #tpu.memory_space<vmem_shared>>) offsets(%dma_start3A_259 : memref<128xi32, #tpu.memory_space<vmem>>) semaphore(%arg17 : memref<!tpu.dma_semaphore, #tpu.memory_space<semaphore_mem>>) {add = true}
      %dma_wait3A_263 = arith.constant 5 : i32
      %dma_wait3A_264 = arith.constant 0 : i32
      %dma_wait3A_265 = tpu.memref_slice %arg9[%dma_wait3A_263, %dma_wait3A_264] : memref<16x128xi32, #tpu.memory_space<vmem>> -> memref<1x128xi32, #tpu.memory_space<vmem>>
      %dma_wait3A_266 = tpu.memref_squeeze %dma_wait3A_265 : memref<1x128xi32, #tpu.memory_space<vmem>> -> memref<128xi32, #tpu.memory_space<vmem>>
      %dma_wait3A_267 = arith.constant 0 : i32
      %dma_wait3A_268 = arith.constant 0 : i32
      %dma_wait3A_269 = tpu.memref_slice %arg15[%dma_wait3A_267, %dma_wait3A_268] : memref<10240x64xf32, #tpu.memory_space<vmem_shared>> -> memref<10240x64xf32, #tpu.memory_space<vmem_shared>>
      tpu.wait_indirect_dma semaphore(%arg17 : memref<!tpu.dma_semaphore, #tpu.memory_space<semaphore_mem>>) src(%arg11 : memref<128x64xf32, #tpu.memory_space<vmem>>) dst(%dma_wait3A_269 : memref<10240x64xf32, #tpu.memory_space<vmem_shared>>)
      %dma_start3A_270 = arith.constant 9 : i32
      %dma_start3A_271 = arith.constant 0 : i32
      %dma_start3A_272 = tpu.memref_slice %arg8[%dma_start3A_270, %dma_start3A_271] : memref<16x128xi32, #tpu.memory_space<vmem>> -> memref<1x128xi32, #tpu.memory_space<vmem>>
      %dma_start3A_273 = tpu.memref_squeeze %dma_start3A_272 : memref<1x128xi32, #tpu.memory_space<vmem>> -> memref<128xi32, #tpu.memory_space<vmem>>
      %dma_start3A_274 = arith.constant 0 : i32
      %dma_start3A_275 = arith.constant 0 : i32
      %dma_start3A_276 = tpu.memref_slice %arg14[%dma_start3A_274, %dma_start3A_275] : memref<10240x64xf32, #tpu.memory_space<vmem_shared>> -> memref<10240x64xf32, #tpu.memory_space<vmem_shared>>
      tpu.enqueue_indirect_dma source(%dma_start3A_276 : memref<10240x64xf32, #tpu.memory_space<vmem_shared>>) target(%arg11 : memref<128x64xf32, #tpu.memory_space<vmem>>) offsets(%dma_start3A_273 : memref<128xi32, #tpu.memory_space<vmem>>) semaphore(%arg16 : memref<!tpu.dma_semaphore, #tpu.memory_space<semaphore_mem>>)
      %dma_wait3A_277 = arith.constant 7 : i32
      %dma_wait3A_278 = arith.constant 0 : i32
      %dma_wait3A_279 = tpu.memref_slice %arg8[%dma_wait3A_277, %dma_wait3A_278] : memref<16x128xi32, #tpu.memory_space<vmem>> -> memref<1x128xi32, #tpu.memory_space<vmem>>
      %dma_wait3A_280 = tpu.memref_squeeze %dma_wait3A_279 : memref<1x128xi32, #tpu.memory_space<vmem>> -> memref<128xi32, #tpu.memory_space<vmem>>
      %dma_wait3A_281 = arith.constant 0 : i32
      %dma_wait3A_282 = arith.constant 0 : i32
      %dma_wait3A_283 = tpu.memref_slice %arg14[%dma_wait3A_281, %dma_wait3A_282] : memref<10240x64xf32, #tpu.memory_space<vmem_shared>> -> memref<10240x64xf32, #tpu.memory_space<vmem_shared>>
      tpu.wait_indirect_dma semaphore(%arg16 : memref<!tpu.dma_semaphore, #tpu.memory_space<semaphore_mem>>) src(%dma_wait3A_283 : memref<10240x64xf32, #tpu.memory_space<vmem_shared>>) dst(%arg13 : memref<128x64xf32, #tpu.memory_space<vmem>>)
      %dma_start3A_284 = arith.constant 7 : i32
      %dma_start3A_285 = arith.constant 0 : i32
      %dma_start3A_286 = tpu.memref_slice %arg9[%dma_start3A_284, %dma_start3A_285] : memref<16x128xi32, #tpu.memory_space<vmem>> -> memref<1x128xi32, #tpu.memory_space<vmem>>
      %dma_start3A_287 = tpu.memref_squeeze %dma_start3A_286 : memref<1x128xi32, #tpu.memory_space<vmem>> -> memref<128xi32, #tpu.memory_space<vmem>>
      %dma_start3A_288 = arith.constant 0 : i32
      %dma_start3A_289 = arith.constant 0 : i32
      %dma_start3A_290 = tpu.memref_slice %arg15[%dma_start3A_288, %dma_start3A_289] : memref<10240x64xf32, #tpu.memory_space<vmem_shared>> -> memref<10240x64xf32, #tpu.memory_space<vmem_shared>>
      tpu.enqueue_indirect_dma source(%arg13 : memref<128x64xf32, #tpu.memory_space<vmem>>) target(%dma_start3A_290 : memref<10240x64xf32, #tpu.memory_space<vmem_shared>>) offsets(%dma_start3A_287 : memref<128xi32, #tpu.memory_space<vmem>>) semaphore(%arg17 : memref<!tpu.dma_semaphore, #tpu.memory_space<semaphore_mem>>) {add = true}
      %dma_wait3A_291 = arith.constant 6 : i32
      %dma_wait3A_292 = arith.constant 0 : i32
      %dma_wait3A_293 = tpu.memref_slice %arg9[%dma_wait3A_291, %dma_wait3A_292] : memref<16x128xi32, #tpu.memory_space<vmem>> -> memref<1x128xi32, #tpu.memory_space<vmem>>
      %dma_wait3A_294 = tpu.memref_squeeze %dma_wait3A_293 : memref<1x128xi32, #tpu.memory_space<vmem>> -> memref<128xi32, #tpu.memory_space<vmem>>
      %dma_wait3A_295 = arith.constant 0 : i32
      %dma_wait3A_296 = arith.constant 0 : i32
      %dma_wait3A_297 = tpu.memref_slice %arg15[%dma_wait3A_295, %dma_wait3A_296] : memref<10240x64xf32, #tpu.memory_space<vmem_shared>> -> memref<10240x64xf32, #tpu.memory_space<vmem_shared>>
      tpu.wait_indirect_dma semaphore(%arg17 : memref<!tpu.dma_semaphore, #tpu.memory_space<semaphore_mem>>) src(%arg12 : memref<128x64xf32, #tpu.memory_space<vmem>>) dst(%dma_wait3A_297 : memref<10240x64xf32, #tpu.memory_space<vmem_shared>>)
      %dma_start3A_298 = arith.constant 10 : i32
      %dma_start3A_299 = arith.constant 0 : i32
      %dma_start3A_300 = tpu.memref_slice %arg8[%dma_start3A_298, %dma_start3A_299] : memref<16x128xi32, #tpu.memory_space<vmem>> -> memref<1x128xi32, #tpu.memory_space<vmem>>
      %dma_start3A_301 = tpu.memref_squeeze %dma_start3A_300 : memref<1x128xi32, #tpu.memory_space<vmem>> -> memref<128xi32, #tpu.memory_space<vmem>>
      %dma_start3A_302 = arith.constant 0 : i32
      %dma_start3A_303 = arith.constant 0 : i32
      %dma_start3A_304 = tpu.memref_slice %arg14[%dma_start3A_302, %dma_start3A_303] : memref<10240x64xf32, #tpu.memory_space<vmem_shared>> -> memref<10240x64xf32, #tpu.memory_space<vmem_shared>>
      tpu.enqueue_indirect_dma source(%dma_start3A_304 : memref<10240x64xf32, #tpu.memory_space<vmem_shared>>) target(%arg12 : memref<128x64xf32, #tpu.memory_space<vmem>>) offsets(%dma_start3A_301 : memref<128xi32, #tpu.memory_space<vmem>>) semaphore(%arg16 : memref<!tpu.dma_semaphore, #tpu.memory_space<semaphore_mem>>)
      %dma_wait3A_305 = arith.constant 8 : i32
      %dma_wait3A_306 = arith.constant 0 : i32
      %dma_wait3A_307 = tpu.memref_slice %arg8[%dma_wait3A_305, %dma_wait3A_306] : memref<16x128xi32, #tpu.memory_space<vmem>> -> memref<1x128xi32, #tpu.memory_space<vmem>>
      %dma_wait3A_308 = tpu.memref_squeeze %dma_wait3A_307 : memref<1x128xi32, #tpu.memory_space<vmem>> -> memref<128xi32, #tpu.memory_space<vmem>>
      %dma_wait3A_309 = arith.constant 0 : i32
      %dma_wait3A_310 = arith.constant 0 : i32
      %dma_wait3A_311 = tpu.memref_slice %arg14[%dma_wait3A_309, %dma_wait3A_310] : memref<10240x64xf32, #tpu.memory_space<vmem_shared>> -> memref<10240x64xf32, #tpu.memory_space<vmem_shared>>
      tpu.wait_indirect_dma semaphore(%arg16 : memref<!tpu.dma_semaphore, #tpu.memory_space<semaphore_mem>>) src(%dma_wait3A_311 : memref<10240x64xf32, #tpu.memory_space<vmem_shared>>) dst(%arg10 : memref<128x64xf32, #tpu.memory_space<vmem>>)
      %dma_start3A_312 = arith.constant 8 : i32
      %dma_start3A_313 = arith.constant 0 : i32
      %dma_start3A_314 = tpu.memref_slice %arg9[%dma_start3A_312, %dma_start3A_313] : memref<16x128xi32, #tpu.memory_space<vmem>> -> memref<1x128xi32, #tpu.memory_space<vmem>>
      %dma_start3A_315 = tpu.memref_squeeze %dma_start3A_314 : memref<1x128xi32, #tpu.memory_space<vmem>> -> memref<128xi32, #tpu.memory_space<vmem>>
      %dma_start3A_316 = arith.constant 0 : i32
      %dma_start3A_317 = arith.constant 0 : i32
      %dma_start3A_318 = tpu.memref_slice %arg15[%dma_start3A_316, %dma_start3A_317] : memref<10240x64xf32, #tpu.memory_space<vmem_shared>> -> memref<10240x64xf32, #tpu.memory_space<vmem_shared>>
      tpu.enqueue_indirect_dma source(%arg10 : memref<128x64xf32, #tpu.memory_space<vmem>>) target(%dma_start3A_318 : memref<10240x64xf32, #tpu.memory_space<vmem_shared>>) offsets(%dma_start3A_315 : memref<128xi32, #tpu.memory_space<vmem>>) semaphore(%arg17 : memref<!tpu.dma_semaphore, #tpu.memory_space<semaphore_mem>>) {add = true}
      %dma_wait3A_319 = arith.constant 7 : i32
      %dma_wait3A_320 = arith.constant 0 : i32
      %dma_wait3A_321 = tpu.memref_slice %arg9[%dma_wait3A_319, %dma_wait3A_320] : memref<16x128xi32, #tpu.memory_space<vmem>> -> memref<1x128xi32, #tpu.memory_space<vmem>>
      %dma_wait3A_322 = tpu.memref_squeeze %dma_wait3A_321 : memref<1x128xi32, #tpu.memory_space<vmem>> -> memref<128xi32, #tpu.memory_space<vmem>>
      %dma_wait3A_323 = arith.constant 0 : i32
      %dma_wait3A_324 = arith.constant 0 : i32
      %dma_wait3A_325 = tpu.memref_slice %arg15[%dma_wait3A_323, %dma_wait3A_324] : memref<10240x64xf32, #tpu.memory_space<vmem_shared>> -> memref<10240x64xf32, #tpu.memory_space<vmem_shared>>
      tpu.wait_indirect_dma semaphore(%arg17 : memref<!tpu.dma_semaphore, #tpu.memory_space<semaphore_mem>>) src(%arg13 : memref<128x64xf32, #tpu.memory_space<vmem>>) dst(%dma_wait3A_325 : memref<10240x64xf32, #tpu.memory_space<vmem_shared>>)
      %dma_start3A_326 = arith.constant 11 : i32
      %dma_start3A_327 = arith.constant 0 : i32
      %dma_start3A_328 = tpu.memref_slice %arg8[%dma_start3A_326, %dma_start3A_327] : memref<16x128xi32, #tpu.memory_space<vmem>> -> memref<1x128xi32, #tpu.memory_space<vmem>>
      %dma_start3A_329 = tpu.memref_squeeze %dma_start3A_328 : memref<1x128xi32, #tpu.memory_space<vmem>> -> memref<128xi32, #tpu.memory_space<vmem>>
      %dma_start3A_330 = arith.constant 0 : i32
      %dma_start3A_331 = arith.constant 0 : i32
      %dma_start3A_332 = tpu.memref_slice %arg14[%dma_start3A_330, %dma_start3A_331] : memref<10240x64xf32, #tpu.memory_space<vmem_shared>> -> memref<10240x64xf32, #tpu.memory_space<vmem_shared>>
      tpu.enqueue_indirect_dma source(%dma_start3A_332 : memref<10240x64xf32, #tpu.memory_space<vmem_shared>>) target(%arg13 : memref<128x64xf32, #tpu.memory_space<vmem>>) offsets(%dma_start3A_329 : memref<128xi32, #tpu.memory_space<vmem>>) semaphore(%arg16 : memref<!tpu.dma_semaphore, #tpu.memory_space<semaphore_mem>>)
      %dma_wait3A_333 = arith.constant 9 : i32
      %dma_wait3A_334 = arith.constant 0 : i32
      %dma_wait3A_335 = tpu.memref_slice %arg8[%dma_wait3A_333, %dma_wait3A_334] : memref<16x128xi32, #tpu.memory_space<vmem>> -> memref<1x128xi32, #tpu.memory_space<vmem>>
      %dma_wait3A_336 = tpu.memref_squeeze %dma_wait3A_335 : memref<1x128xi32, #tpu.memory_space<vmem>> -> memref<128xi32, #tpu.memory_space<vmem>>
      %dma_wait3A_337 = arith.constant 0 : i32
      %dma_wait3A_338 = arith.constant 0 : i32
      %dma_wait3A_339 = tpu.memref_slice %arg14[%dma_wait3A_337, %dma_wait3A_338] : memref<10240x64xf32, #tpu.memory_space<vmem_shared>> -> memref<10240x64xf32, #tpu.memory_space<vmem_shared>>
      tpu.wait_indirect_dma semaphore(%arg16 : memref<!tpu.dma_semaphore, #tpu.memory_space<semaphore_mem>>) src(%dma_wait3A_339 : memref<10240x64xf32, #tpu.memory_space<vmem_shared>>) dst(%arg11 : memref<128x64xf32, #tpu.memory_space<vmem>>)
      %dma_start3A_340 = arith.constant 9 : i32
      %dma_start3A_341 = arith.constant 0 : i32
      %dma_start3A_342 = tpu.memref_slice %arg9[%dma_start3A_340, %dma_start3A_341] : memref<16x128xi32, #tpu.memory_space<vmem>> -> memref<1x128xi32, #tpu.memory_space<vmem>>
      %dma_start3A_343 = tpu.memref_squeeze %dma_start3A_342 : memref<1x128xi32, #tpu.memory_space<vmem>> -> memref<128xi32, #tpu.memory_space<vmem>>
      %dma_start3A_344 = arith.constant 0 : i32
      %dma_start3A_345 = arith.constant 0 : i32
      %dma_start3A_346 = tpu.memref_slice %arg15[%dma_start3A_344, %dma_start3A_345] : memref<10240x64xf32, #tpu.memory_space<vmem_shared>> -> memref<10240x64xf32, #tpu.memory_space<vmem_shared>>
      tpu.enqueue_indirect_dma source(%arg11 : memref<128x64xf32, #tpu.memory_space<vmem>>) target(%dma_start3A_346 : memref<10240x64xf32, #tpu.memory_space<vmem_shared>>) offsets(%dma_start3A_343 : memref<128xi32, #tpu.memory_space<vmem>>) semaphore(%arg17 : memref<!tpu.dma_semaphore, #tpu.memory_space<semaphore_mem>>) {add = true}
      %dma_wait3A_347 = arith.constant 8 : i32
      %dma_wait3A_348 = arith.constant 0 : i32
      %dma_wait3A_349 = tpu.memref_slice %arg9[%dma_wait3A_347, %dma_wait3A_348] : memref<16x128xi32, #tpu.memory_space<vmem>> -> memref<1x128xi32, #tpu.memory_space<vmem>>
      %dma_wait3A_350 = tpu.memref_squeeze %dma_wait3A_349 : memref<1x128xi32, #tpu.memory_space<vmem>> -> memref<128xi32, #tpu.memory_space<vmem>>
      %dma_wait3A_351 = arith.constant 0 : i32
      %dma_wait3A_352 = arith.constant 0 : i32
      %dma_wait3A_353 = tpu.memref_slice %arg15[%dma_wait3A_351, %dma_wait3A_352] : memref<10240x64xf32, #tpu.memory_space<vmem_shared>> -> memref<10240x64xf32, #tpu.memory_space<vmem_shared>>
      tpu.wait_indirect_dma semaphore(%arg17 : memref<!tpu.dma_semaphore, #tpu.memory_space<semaphore_mem>>) src(%arg10 : memref<128x64xf32, #tpu.memory_space<vmem>>) dst(%dma_wait3A_353 : memref<10240x64xf32, #tpu.memory_space<vmem_shared>>)
      %dma_start3A_354 = arith.constant 12 : i32
      %dma_start3A_355 = arith.constant 0 : i32
      %dma_start3A_356 = tpu.memref_slice %arg8[%dma_start3A_354, %dma_start3A_355] : memref<16x128xi32, #tpu.memory_space<vmem>> -> memref<1x128xi32, #tpu.memory_space<vmem>>
      %dma_start3A_357 = tpu.memref_squeeze %dma_start3A_356 : memref<1x128xi32, #tpu.memory_space<vmem>> -> memref<128xi32, #tpu.memory_space<vmem>>
      %dma_start3A_358 = arith.constant 0 : i32
      %dma_start3A_359 = arith.constant 0 : i32
      %dma_start3A_360 = tpu.memref_slice %arg14[%dma_start3A_358, %dma_start3A_359] : memref<10240x64xf32, #tpu.memory_space<vmem_shared>> -> memref<10240x64xf32, #tpu.memory_space<vmem_shared>>
      tpu.enqueue_indirect_dma source(%dma_start3A_360 : memref<10240x64xf32, #tpu.memory_space<vmem_shared>>) target(%arg10 : memref<128x64xf32, #tpu.memory_space<vmem>>) offsets(%dma_start3A_357 : memref<128xi32, #tpu.memory_space<vmem>>) semaphore(%arg16 : memref<!tpu.dma_semaphore, #tpu.memory_space<semaphore_mem>>)
      %dma_wait3A_361 = arith.constant 10 : i32
      %dma_wait3A_362 = arith.constant 0 : i32
      %dma_wait3A_363 = tpu.memref_slice %arg8[%dma_wait3A_361, %dma_wait3A_362] : memref<16x128xi32, #tpu.memory_space<vmem>> -> memref<1x128xi32, #tpu.memory_space<vmem>>
      %dma_wait3A_364 = tpu.memref_squeeze %dma_wait3A_363 : memref<1x128xi32, #tpu.memory_space<vmem>> -> memref<128xi32, #tpu.memory_space<vmem>>
      %dma_wait3A_365 = arith.constant 0 : i32
      %dma_wait3A_366 = arith.constant 0 : i32
      %dma_wait3A_367 = tpu.memref_slice %arg14[%dma_wait3A_365, %dma_wait3A_366] : memref<10240x64xf32, #tpu.memory_space<vmem_shared>> -> memref<10240x64xf32, #tpu.memory_space<vmem_shared>>
      tpu.wait_indirect_dma semaphore(%arg16 : memref<!tpu.dma_semaphore, #tpu.memory_space<semaphore_mem>>) src(%dma_wait3A_367 : memref<10240x64xf32, #tpu.memory_space<vmem_shared>>) dst(%arg12 : memref<128x64xf32, #tpu.memory_space<vmem>>)
      %dma_start3A_368 = arith.constant 10 : i32
      %dma_start3A_369 = arith.constant 0 : i32
      %dma_start3A_370 = tpu.memref_slice %arg9[%dma_start3A_368, %dma_start3A_369] : memref<16x128xi32, #tpu.memory_space<vmem>> -> memref<1x128xi32, #tpu.memory_space<vmem>>
      %dma_start3A_371 = tpu.memref_squeeze %dma_start3A_370 : memref<1x128xi32, #tpu.memory_space<vmem>> -> memref<128xi32, #tpu.memory_space<vmem>>
      %dma_start3A_372 = arith.constant 0 : i32
      %dma_start3A_373 = arith.constant 0 : i32
      %dma_start3A_374 = tpu.memref_slice %arg15[%dma_start3A_372, %dma_start3A_373] : memref<10240x64xf32, #tpu.memory_space<vmem_shared>> -> memref<10240x64xf32, #tpu.memory_space<vmem_shared>>
      tpu.enqueue_indirect_dma source(%arg12 : memref<128x64xf32, #tpu.memory_space<vmem>>) target(%dma_start3A_374 : memref<10240x64xf32, #tpu.memory_space<vmem_shared>>) offsets(%dma_start3A_371 : memref<128xi32, #tpu.memory_space<vmem>>) semaphore(%arg17 : memref<!tpu.dma_semaphore, #tpu.memory_space<semaphore_mem>>) {add = true}
      %dma_wait3A_375 = arith.constant 9 : i32
      %dma_wait3A_376 = arith.constant 0 : i32
      %dma_wait3A_377 = tpu.memref_slice %arg9[%dma_wait3A_375, %dma_wait3A_376] : memref<16x128xi32, #tpu.memory_space<vmem>> -> memref<1x128xi32, #tpu.memory_space<vmem>>
      %dma_wait3A_378 = tpu.memref_squeeze %dma_wait3A_377 : memref<1x128xi32, #tpu.memory_space<vmem>> -> memref<128xi32, #tpu.memory_space<vmem>>
      %dma_wait3A_379 = arith.constant 0 : i32
      %dma_wait3A_380 = arith.constant 0 : i32
      %dma_wait3A_381 = tpu.memref_slice %arg15[%dma_wait3A_379, %dma_wait3A_380] : memref<10240x64xf32, #tpu.memory_space<vmem_shared>> -> memref<10240x64xf32, #tpu.memory_space<vmem_shared>>
      tpu.wait_indirect_dma semaphore(%arg17 : memref<!tpu.dma_semaphore, #tpu.memory_space<semaphore_mem>>) src(%arg11 : memref<128x64xf32, #tpu.memory_space<vmem>>) dst(%dma_wait3A_381 : memref<10240x64xf32, #tpu.memory_space<vmem_shared>>)
      %dma_start3A_382 = arith.constant 13 : i32
      %dma_start3A_383 = arith.constant 0 : i32
      %dma_start3A_384 = tpu.memref_slice %arg8[%dma_start3A_382, %dma_start3A_383] : memref<16x128xi32, #tpu.memory_space<vmem>> -> memref<1x128xi32, #tpu.memory_space<vmem>>
      %dma_start3A_385 = tpu.memref_squeeze %dma_start3A_384 : memref<1x128xi32, #tpu.memory_space<vmem>> -> memref<128xi32, #tpu.memory_space<vmem>>
      %dma_start3A_386 = arith.constant 0 : i32
      %dma_start3A_387 = arith.constant 0 : i32
      %dma_start3A_388 = tpu.memref_slice %arg14[%dma_start3A_386, %dma_start3A_387] : memref<10240x64xf32, #tpu.memory_space<vmem_shared>> -> memref<10240x64xf32, #tpu.memory_space<vmem_shared>>
      tpu.enqueue_indirect_dma source(%dma_start3A_388 : memref<10240x64xf32, #tpu.memory_space<vmem_shared>>) target(%arg11 : memref<128x64xf32, #tpu.memory_space<vmem>>) offsets(%dma_start3A_385 : memref<128xi32, #tpu.memory_space<vmem>>) semaphore(%arg16 : memref<!tpu.dma_semaphore, #tpu.memory_space<semaphore_mem>>)
      %dma_wait3A_389 = arith.constant 11 : i32
      %dma_wait3A_390 = arith.constant 0 : i32
      %dma_wait3A_391 = tpu.memref_slice %arg8[%dma_wait3A_389, %dma_wait3A_390] : memref<16x128xi32, #tpu.memory_space<vmem>> -> memref<1x128xi32, #tpu.memory_space<vmem>>
      %dma_wait3A_392 = tpu.memref_squeeze %dma_wait3A_391 : memref<1x128xi32, #tpu.memory_space<vmem>> -> memref<128xi32, #tpu.memory_space<vmem>>
      %dma_wait3A_393 = arith.constant 0 : i32
      %dma_wait3A_394 = arith.constant 0 : i32
      %dma_wait3A_395 = tpu.memref_slice %arg14[%dma_wait3A_393, %dma_wait3A_394] : memref<10240x64xf32, #tpu.memory_space<vmem_shared>> -> memref<10240x64xf32, #tpu.memory_space<vmem_shared>>
      tpu.wait_indirect_dma semaphore(%arg16 : memref<!tpu.dma_semaphore, #tpu.memory_space<semaphore_mem>>) src(%dma_wait3A_395 : memref<10240x64xf32, #tpu.memory_space<vmem_shared>>) dst(%arg13 : memref<128x64xf32, #tpu.memory_space<vmem>>)
      %dma_start3A_396 = arith.constant 11 : i32
      %dma_start3A_397 = arith.constant 0 : i32
      %dma_start3A_398 = tpu.memref_slice %arg9[%dma_start3A_396, %dma_start3A_397] : memref<16x128xi32, #tpu.memory_space<vmem>> -> memref<1x128xi32, #tpu.memory_space<vmem>>
      %dma_start3A_399 = tpu.memref_squeeze %dma_start3A_398 : memref<1x128xi32, #tpu.memory_space<vmem>> -> memref<128xi32, #tpu.memory_space<vmem>>
      %dma_start3A_400 = arith.constant 0 : i32
      %dma_start3A_401 = arith.constant 0 : i32
      %dma_start3A_402 = tpu.memref_slice %arg15[%dma_start3A_400, %dma_start3A_401] : memref<10240x64xf32, #tpu.memory_space<vmem_shared>> -> memref<10240x64xf32, #tpu.memory_space<vmem_shared>>
      tpu.enqueue_indirect_dma source(%arg13 : memref<128x64xf32, #tpu.memory_space<vmem>>) target(%dma_start3A_402 : memref<10240x64xf32, #tpu.memory_space<vmem_shared>>) offsets(%dma_start3A_399 : memref<128xi32, #tpu.memory_space<vmem>>) semaphore(%arg17 : memref<!tpu.dma_semaphore, #tpu.memory_space<semaphore_mem>>) {add = true}
      %dma_wait3A_403 = arith.constant 10 : i32
      %dma_wait3A_404 = arith.constant 0 : i32
      %dma_wait3A_405 = tpu.memref_slice %arg9[%dma_wait3A_403, %dma_wait3A_404] : memref<16x128xi32, #tpu.memory_space<vmem>> -> memref<1x128xi32, #tpu.memory_space<vmem>>
      %dma_wait3A_406 = tpu.memref_squeeze %dma_wait3A_405 : memref<1x128xi32, #tpu.memory_space<vmem>> -> memref<128xi32, #tpu.memory_space<vmem>>
      %dma_wait3A_407 = arith.constant 0 : i32
      %dma_wait3A_408 = arith.constant 0 : i32
      %dma_wait3A_409 = tpu.memref_slice %arg15[%dma_wait3A_407, %dma_wait3A_408] : memref<10240x64xf32, #tpu.memory_space<vmem_shared>> -> memref<10240x64xf32, #tpu.memory_space<vmem_shared>>
      tpu.wait_indirect_dma semaphore(%arg17 : memref<!tpu.dma_semaphore, #tpu.memory_space<semaphore_mem>>) src(%arg12 : memref<128x64xf32, #tpu.memory_space<vmem>>) dst(%dma_wait3A_409 : memref<10240x64xf32, #tpu.memory_space<vmem_shared>>)
      %dma_start3A_410 = arith.constant 14 : i32
      %dma_start3A_411 = arith.constant 0 : i32
      %dma_start3A_412 = tpu.memref_slice %arg8[%dma_start3A_410, %dma_start3A_411] : memref<16x128xi32, #tpu.memory_space<vmem>> -> memref<1x128xi32, #tpu.memory_space<vmem>>
      %dma_start3A_413 = tpu.memref_squeeze %dma_start3A_412 : memref<1x128xi32, #tpu.memory_space<vmem>> -> memref<128xi32, #tpu.memory_space<vmem>>
      %dma_start3A_414 = arith.constant 0 : i32
      %dma_start3A_415 = arith.constant 0 : i32
      %dma_start3A_416 = tpu.memref_slice %arg14[%dma_start3A_414, %dma_start3A_415] : memref<10240x64xf32, #tpu.memory_space<vmem_shared>> -> memref<10240x64xf32, #tpu.memory_space<vmem_shared>>
      tpu.enqueue_indirect_dma source(%dma_start3A_416 : memref<10240x64xf32, #tpu.memory_space<vmem_shared>>) target(%arg12 : memref<128x64xf32, #tpu.memory_space<vmem>>) offsets(%dma_start3A_413 : memref<128xi32, #tpu.memory_space<vmem>>) semaphore(%arg16 : memref<!tpu.dma_semaphore, #tpu.memory_space<semaphore_mem>>)
      %dma_wait3A_417 = arith.constant 12 : i32
      %dma_wait3A_418 = arith.constant 0 : i32
      %dma_wait3A_419 = tpu.memref_slice %arg8[%dma_wait3A_417, %dma_wait3A_418] : memref<16x128xi32, #tpu.memory_space<vmem>> -> memref<1x128xi32, #tpu.memory_space<vmem>>
      %dma_wait3A_420 = tpu.memref_squeeze %dma_wait3A_419 : memref<1x128xi32, #tpu.memory_space<vmem>> -> memref<128xi32, #tpu.memory_space<vmem>>
      %dma_wait3A_421 = arith.constant 0 : i32
      %dma_wait3A_422 = arith.constant 0 : i32
      %dma_wait3A_423 = tpu.memref_slice %arg14[%dma_wait3A_421, %dma_wait3A_422] : memref<10240x64xf32, #tpu.memory_space<vmem_shared>> -> memref<10240x64xf32, #tpu.memory_space<vmem_shared>>
      tpu.wait_indirect_dma semaphore(%arg16 : memref<!tpu.dma_semaphore, #tpu.memory_space<semaphore_mem>>) src(%dma_wait3A_423 : memref<10240x64xf32, #tpu.memory_space<vmem_shared>>) dst(%arg10 : memref<128x64xf32, #tpu.memory_space<vmem>>)
      %dma_start3A_424 = arith.constant 12 : i32
      %dma_start3A_425 = arith.constant 0 : i32
      %dma_start3A_426 = tpu.memref_slice %arg9[%dma_start3A_424, %dma_start3A_425] : memref<16x128xi32, #tpu.memory_space<vmem>> -> memref<1x128xi32, #tpu.memory_space<vmem>>
      %dma_start3A_427 = tpu.memref_squeeze %dma_start3A_426 : memref<1x128xi32, #tpu.memory_space<vmem>> -> memref<128xi32, #tpu.memory_space<vmem>>
      %dma_start3A_428 = arith.constant 0 : i32
      %dma_start3A_429 = arith.constant 0 : i32
      %dma_start3A_430 = tpu.memref_slice %arg15[%dma_start3A_428, %dma_start3A_429] : memref<10240x64xf32, #tpu.memory_space<vmem_shared>> -> memref<10240x64xf32, #tpu.memory_space<vmem_shared>>
      tpu.enqueue_indirect_dma source(%arg10 : memref<128x64xf32, #tpu.memory_space<vmem>>) target(%dma_start3A_430 : memref<10240x64xf32, #tpu.memory_space<vmem_shared>>) offsets(%dma_start3A_427 : memref<128xi32, #tpu.memory_space<vmem>>) semaphore(%arg17 : memref<!tpu.dma_semaphore, #tpu.memory_space<semaphore_mem>>) {add = true}
      %dma_wait3A_431 = arith.constant 11 : i32
      %dma_wait3A_432 = arith.constant 0 : i32
      %dma_wait3A_433 = tpu.memref_slice %arg9[%dma_wait3A_431, %dma_wait3A_432] : memref<16x128xi32, #tpu.memory_space<vmem>> -> memref<1x128xi32, #tpu.memory_space<vmem>>
      %dma_wait3A_434 = tpu.memref_squeeze %dma_wait3A_433 : memref<1x128xi32, #tpu.memory_space<vmem>> -> memref<128xi32, #tpu.memory_space<vmem>>
      %dma_wait3A_435 = arith.constant 0 : i32
      %dma_wait3A_436 = arith.constant 0 : i32
      %dma_wait3A_437 = tpu.memref_slice %arg15[%dma_wait3A_435, %dma_wait3A_436] : memref<10240x64xf32, #tpu.memory_space<vmem_shared>> -> memref<10240x64xf32, #tpu.memory_space<vmem_shared>>
      tpu.wait_indirect_dma semaphore(%arg17 : memref<!tpu.dma_semaphore, #tpu.memory_space<semaphore_mem>>) src(%arg13 : memref<128x64xf32, #tpu.memory_space<vmem>>) dst(%dma_wait3A_437 : memref<10240x64xf32, #tpu.memory_space<vmem_shared>>)
      %dma_start3A_438 = arith.constant 15 : i32
      %dma_start3A_439 = arith.constant 0 : i32
      %dma_start3A_440 = tpu.memref_slice %arg8[%dma_start3A_438, %dma_start3A_439] : memref<16x128xi32, #tpu.memory_space<vmem>> -> memref<1x128xi32, #tpu.memory_space<vmem>>
      %dma_start3A_441 = tpu.memref_squeeze %dma_start3A_440 : memref<1x128xi32, #tpu.memory_space<vmem>> -> memref<128xi32, #tpu.memory_space<vmem>>
      %dma_start3A_442 = arith.constant 0 : i32
      %dma_start3A_443 = arith.constant 0 : i32
      %dma_start3A_444 = tpu.memref_slice %arg14[%dma_start3A_442, %dma_start3A_443] : memref<10240x64xf32, #tpu.memory_space<vmem_shared>> -> memref<10240x64xf32, #tpu.memory_space<vmem_shared>>
      tpu.enqueue_indirect_dma source(%dma_start3A_444 : memref<10240x64xf32, #tpu.memory_space<vmem_shared>>) target(%arg13 : memref<128x64xf32, #tpu.memory_space<vmem>>) offsets(%dma_start3A_441 : memref<128xi32, #tpu.memory_space<vmem>>) semaphore(%arg16 : memref<!tpu.dma_semaphore, #tpu.memory_space<semaphore_mem>>)
      %dma_wait3A_445 = arith.constant 13 : i32
      %dma_wait3A_446 = arith.constant 0 : i32
      %dma_wait3A_447 = tpu.memref_slice %arg8[%dma_wait3A_445, %dma_wait3A_446] : memref<16x128xi32, #tpu.memory_space<vmem>> -> memref<1x128xi32, #tpu.memory_space<vmem>>
      %dma_wait3A_448 = tpu.memref_squeeze %dma_wait3A_447 : memref<1x128xi32, #tpu.memory_space<vmem>> -> memref<128xi32, #tpu.memory_space<vmem>>
      %dma_wait3A_449 = arith.constant 0 : i32
      %dma_wait3A_450 = arith.constant 0 : i32
      %dma_wait3A_451 = tpu.memref_slice %arg14[%dma_wait3A_449, %dma_wait3A_450] : memref<10240x64xf32, #tpu.memory_space<vmem_shared>> -> memref<10240x64xf32, #tpu.memory_space<vmem_shared>>
      tpu.wait_indirect_dma semaphore(%arg16 : memref<!tpu.dma_semaphore, #tpu.memory_space<semaphore_mem>>) src(%dma_wait3A_451 : memref<10240x64xf32, #tpu.memory_space<vmem_shared>>) dst(%arg11 : memref<128x64xf32, #tpu.memory_space<vmem>>)
      %dma_start3A_452 = arith.constant 13 : i32
      %dma_start3A_453 = arith.constant 0 : i32
      %dma_start3A_454 = tpu.memref_slice %arg9[%dma_start3A_452, %dma_start3A_453] : memref<16x128xi32, #tpu.memory_space<vmem>> -> memref<1x128xi32, #tpu.memory_space<vmem>>
      %dma_start3A_455 = tpu.memref_squeeze %dma_start3A_454 : memref<1x128xi32, #tpu.memory_space<vmem>> -> memref<128xi32, #tpu.memory_space<vmem>>
      %dma_start3A_456 = arith.constant 0 : i32
      %dma_start3A_457 = arith.constant 0 : i32
      %dma_start3A_458 = tpu.memref_slice %arg15[%dma_start3A_456, %dma_start3A_457] : memref<10240x64xf32, #tpu.memory_space<vmem_shared>> -> memref<10240x64xf32, #tpu.memory_space<vmem_shared>>
      tpu.enqueue_indirect_dma source(%arg11 : memref<128x64xf32, #tpu.memory_space<vmem>>) target(%dma_start3A_458 : memref<10240x64xf32, #tpu.memory_space<vmem_shared>>) offsets(%dma_start3A_455 : memref<128xi32, #tpu.memory_space<vmem>>) semaphore(%arg17 : memref<!tpu.dma_semaphore, #tpu.memory_space<semaphore_mem>>) {add = true}
      %dma_wait3A_459 = arith.constant 12 : i32
      %dma_wait3A_460 = arith.constant 0 : i32
      %dma_wait3A_461 = tpu.memref_slice %arg9[%dma_wait3A_459, %dma_wait3A_460] : memref<16x128xi32, #tpu.memory_space<vmem>> -> memref<1x128xi32, #tpu.memory_space<vmem>>
      %dma_wait3A_462 = tpu.memref_squeeze %dma_wait3A_461 : memref<1x128xi32, #tpu.memory_space<vmem>> -> memref<128xi32, #tpu.memory_space<vmem>>
      %dma_wait3A_463 = arith.constant 0 : i32
      %dma_wait3A_464 = arith.constant 0 : i32
      %dma_wait3A_465 = tpu.memref_slice %arg15[%dma_wait3A_463, %dma_wait3A_464] : memref<10240x64xf32, #tpu.memory_space<vmem_shared>> -> memref<10240x64xf32, #tpu.memory_space<vmem_shared>>
      tpu.wait_indirect_dma semaphore(%arg17 : memref<!tpu.dma_semaphore, #tpu.memory_space<semaphore_mem>>) src(%arg10 : memref<128x64xf32, #tpu.memory_space<vmem>>) dst(%dma_wait3A_465 : memref<10240x64xf32, #tpu.memory_space<vmem_shared>>)
      %dma_wait3A_466 = arith.constant 14 : i32
      %dma_wait3A_467 = arith.constant 0 : i32
      %dma_wait3A_468 = tpu.memref_slice %arg8[%dma_wait3A_466, %dma_wait3A_467] : memref<16x128xi32, #tpu.memory_space<vmem>> -> memref<1x128xi32, #tpu.memory_space<vmem>>
      %dma_wait3A_469 = tpu.memref_squeeze %dma_wait3A_468 : memref<1x128xi32, #tpu.memory_space<vmem>> -> memref<128xi32, #tpu.memory_space<vmem>>
      %dma_wait3A_470 = arith.constant 0 : i32
      %dma_wait3A_471 = arith.constant 0 : i32
      %dma_wait3A_472 = tpu.memref_slice %arg14[%dma_wait3A_470, %dma_wait3A_471] : memref<10240x64xf32, #tpu.memory_space<vmem_shared>> -> memref<10240x64xf32, #tpu.memory_space<vmem_shared>>
      tpu.wait_indirect_dma semaphore(%arg16 : memref<!tpu.dma_semaphore, #tpu.memory_space<semaphore_mem>>) src(%dma_wait3A_472 : memref<10240x64xf32, #tpu.memory_space<vmem_shared>>) dst(%arg12 : memref<128x64xf32, #tpu.memory_space<vmem>>)
      %dma_start3A_473 = arith.constant 14 : i32
      %dma_start3A_474 = arith.constant 0 : i32
      %dma_start3A_475 = tpu.memref_slice %arg9[%dma_start3A_473, %dma_start3A_474] : memref<16x128xi32, #tpu.memory_space<vmem>> -> memref<1x128xi32, #tpu.memory_space<vmem>>
      %dma_start3A_476 = tpu.memref_squeeze %dma_start3A_475 : memref<1x128xi32, #tpu.memory_space<vmem>> -> memref<128xi32, #tpu.memory_space<vmem>>
      %dma_start3A_477 = arith.constant 0 : i32
      %dma_start3A_478 = arith.constant 0 : i32
      %dma_start3A_479 = tpu.memref_slice %arg15[%dma_start3A_477, %dma_start3A_478] : memref<10240x64xf32, #tpu.memory_space<vmem_shared>> -> memref<10240x64xf32, #tpu.memory_space<vmem_shared>>
      tpu.enqueue_indirect_dma source(%arg12 : memref<128x64xf32, #tpu.memory_space<vmem>>) target(%dma_start3A_479 : memref<10240x64xf32, #tpu.memory_space<vmem_shared>>) offsets(%dma_start3A_476 : memref<128xi32, #tpu.memory_space<vmem>>) semaphore(%arg17 : memref<!tpu.dma_semaphore, #tpu.memory_space<semaphore_mem>>) {add = true}
      %dma_wait3A_480 = arith.constant 13 : i32
      %dma_wait3A_481 = arith.constant 0 : i32
      %dma_wait3A_482 = tpu.memref_slice %arg9[%dma_wait3A_480, %dma_wait3A_481] : memref<16x128xi32, #tpu.memory_space<vmem>> -> memref<1x128xi32, #tpu.memory_space<vmem>>
      %dma_wait3A_483 = tpu.memref_squeeze %dma_wait3A_482 : memref<1x128xi32, #tpu.memory_space<vmem>> -> memref<128xi32, #tpu.memory_space<vmem>>
      %dma_wait3A_484 = arith.constant 0 : i32
      %dma_wait3A_485 = arith.constant 0 : i32
      %dma_wait3A_486 = tpu.memref_slice %arg15[%dma_wait3A_484, %dma_wait3A_485] : memref<10240x64xf32, #tpu.memory_space<vmem_shared>> -> memref<10240x64xf32, #tpu.memory_space<vmem_shared>>
      tpu.wait_indirect_dma semaphore(%arg17 : memref<!tpu.dma_semaphore, #tpu.memory_space<semaphore_mem>>) src(%arg11 : memref<128x64xf32, #tpu.memory_space<vmem>>) dst(%dma_wait3A_486 : memref<10240x64xf32, #tpu.memory_space<vmem_shared>>)
      %dma_wait3A_487 = arith.constant 15 : i32
      %dma_wait3A_488 = arith.constant 0 : i32
      %dma_wait3A_489 = tpu.memref_slice %arg8[%dma_wait3A_487, %dma_wait3A_488] : memref<16x128xi32, #tpu.memory_space<vmem>> -> memref<1x128xi32, #tpu.memory_space<vmem>>
      %dma_wait3A_490 = tpu.memref_squeeze %dma_wait3A_489 : memref<1x128xi32, #tpu.memory_space<vmem>> -> memref<128xi32, #tpu.memory_space<vmem>>
      %dma_wait3A_491 = arith.constant 0 : i32
      %dma_wait3A_492 = arith.constant 0 : i32
      %dma_wait3A_493 = tpu.memref_slice %arg14[%dma_wait3A_491, %dma_wait3A_492] : memref<10240x64xf32, #tpu.memory_space<vmem_shared>> -> memref<10240x64xf32, #tpu.memory_space<vmem_shared>>
      tpu.wait_indirect_dma semaphore(%arg16 : memref<!tpu.dma_semaphore, #tpu.memory_space<semaphore_mem>>) src(%dma_wait3A_493 : memref<10240x64xf32, #tpu.memory_space<vmem_shared>>) dst(%arg13 : memref<128x64xf32, #tpu.memory_space<vmem>>)
      %dma_start3A_494 = arith.constant 15 : i32
      %dma_start3A_495 = arith.constant 0 : i32
      %dma_start3A_496 = tpu.memref_slice %arg9[%dma_start3A_494, %dma_start3A_495] : memref<16x128xi32, #tpu.memory_space<vmem>> -> memref<1x128xi32, #tpu.memory_space<vmem>>
      %dma_start3A_497 = tpu.memref_squeeze %dma_start3A_496 : memref<1x128xi32, #tpu.memory_space<vmem>> -> memref<128xi32, #tpu.memory_space<vmem>>
      %dma_start3A_498 = arith.constant 0 : i32
      %dma_start3A_499 = arith.constant 0 : i32
      %dma_start3A_500 = tpu.memref_slice %arg15[%dma_start3A_498, %dma_start3A_499] : memref<10240x64xf32, #tpu.memory_space<vmem_shared>> -> memref<10240x64xf32, #tpu.memory_space<vmem_shared>>
      tpu.enqueue_indirect_dma source(%arg13 : memref<128x64xf32, #tpu.memory_space<vmem>>) target(%dma_start3A_500 : memref<10240x64xf32, #tpu.memory_space<vmem_shared>>) offsets(%dma_start3A_497 : memref<128xi32, #tpu.memory_space<vmem>>) semaphore(%arg17 : memref<!tpu.dma_semaphore, #tpu.memory_space<semaphore_mem>>) {add = true}
      %dma_wait3A_501 = arith.constant 14 : i32
      %dma_wait3A_502 = arith.constant 0 : i32
      %dma_wait3A_503 = tpu.memref_slice %arg9[%dma_wait3A_501, %dma_wait3A_502] : memref<16x128xi32, #tpu.memory_space<vmem>> -> memref<1x128xi32, #tpu.memory_space<vmem>>
      %dma_wait3A_504 = tpu.memref_squeeze %dma_wait3A_503 : memref<1x128xi32, #tpu.memory_space<vmem>> -> memref<128xi32, #tpu.memory_space<vmem>>
      %dma_wait3A_505 = arith.constant 0 : i32
      %dma_wait3A_506 = arith.constant 0 : i32
      %dma_wait3A_507 = tpu.memref_slice %arg15[%dma_wait3A_505, %dma_wait3A_506] : memref<10240x64xf32, #tpu.memory_space<vmem_shared>> -> memref<10240x64xf32, #tpu.memory_space<vmem_shared>>
      tpu.wait_indirect_dma semaphore(%arg17 : memref<!tpu.dma_semaphore, #tpu.memory_space<semaphore_mem>>) src(%arg12 : memref<128x64xf32, #tpu.memory_space<vmem>>) dst(%dma_wait3A_507 : memref<10240x64xf32, #tpu.memory_space<vmem_shared>>)
      %dma_wait3A_508 = arith.constant 15 : i32
      %dma_wait3A_509 = arith.constant 0 : i32
      %dma_wait3A_510 = tpu.memref_slice %arg9[%dma_wait3A_508, %dma_wait3A_509] : memref<16x128xi32, #tpu.memory_space<vmem>> -> memref<1x128xi32, #tpu.memory_space<vmem>>
      %dma_wait3A_511 = tpu.memref_squeeze %dma_wait3A_510 : memref<1x128xi32, #tpu.memory_space<vmem>> -> memref<128xi32, #tpu.memory_space<vmem>>
      %dma_wait3A_512 = arith.constant 0 : i32
      %dma_wait3A_513 = arith.constant 0 : i32
      %dma_wait3A_514 = tpu.memref_slice %arg15[%dma_wait3A_512, %dma_wait3A_513] : memref<10240x64xf32, #tpu.memory_space<vmem_shared>> -> memref<10240x64xf32, #tpu.memory_space<vmem_shared>>
      tpu.wait_indirect_dma semaphore(%arg17 : memref<!tpu.dma_semaphore, #tpu.memory_space<semaphore_mem>>) src(%arg13 : memref<128x64xf32, #tpu.memory_space<vmem>>) dst(%dma_wait3A_514 : memref<10240x64xf32, #tpu.memory_space<vmem_shared>>)
    }
    %scan3A_53 = arith.constant 5 : i32
    %barrier3A_54 = arith.constant 0 : index
    tpu.barrier barrier_id(%barrier3A_54)
    %mul3A_55 = arith.constant 640 : i32
    %mul3A_56 = arith.muli %arg1, %mul3A_55 : i32
    %mul3A_57 = arith.constant 640 : i32
    %mul3A_58 = arith.muli %arg1, %mul3A_57 : i32
    "tpu.region"() ({
      %run_scoped3A = tpu.sem_alloc : memref<!tpu.dma_semaphore, #tpu.memory_space<semaphore_mem>>
      %dma_start3A = arith.constant 0 : i32
      %dma_start3A_60 = arith.constant 0 : i32
      %dma_start3A_61 = tpu.memref_slice %arg7[%arg0, %dma_start3A, %dma_start3A_60] : memref<2x10240x64xf32, #tpu.memory_space<hbm>> -> memref<1x10240x64xf32, #tpu.memory_space<hbm>>
      %dma_start3A_62 = tpu.memref_squeeze %dma_start3A_61 : memref<1x10240x64xf32, #tpu.memory_space<hbm>> -> memref<10240x64xf32, #tpu.memory_space<hbm>>
      %dma_start3A_63 = arith.constant 0 : i32
      %dma_start3A_64 = tpu.memref_slice %dma_start3A_62[%mul3A_58, %dma_start3A_63] : memref<10240x64xf32, #tpu.memory_space<hbm>> -> memref<640x64xf32, #tpu.memory_space<hbm>>
      %dma_start3A_65 = arith.constant 0 : i32
      %dma_start3A_66 = tpu.memref_slice %arg15[%mul3A_56, %dma_start3A_65] : memref<10240x64xf32, #tpu.memory_space<vmem_shared>> -> memref<640x64xf32, #tpu.memory_space<vmem_shared>>
      tpu.enqueue_dma source(%dma_start3A_66 : memref<640x64xf32, #tpu.memory_space<vmem_shared>>) target(%dma_start3A_64 : memref<640x64xf32, #tpu.memory_space<hbm>>) target_semaphore(%run_scoped3A : memref<!tpu.dma_semaphore, #tpu.memory_space<semaphore_mem>>)
      %dma_wait3A = arith.constant 0 : i32
      %dma_wait3A_67 = arith.constant 0 : i32
      %dma_wait3A_68 = tpu.memref_slice %arg7[%arg0, %dma_wait3A, %dma_wait3A_67] : memref<2x10240x64xf32, #tpu.memory_space<hbm>> -> memref<1x10240x64xf32, #tpu.memory_space<hbm>>
      %dma_wait3A_69 = tpu.memref_squeeze %dma_wait3A_68 : memref<1x10240x64xf32, #tpu.memory_space<hbm>> -> memref<10240x64xf32, #tpu.memory_space<hbm>>
      %dma_wait3A_70 = arith.constant 0 : i32
      %dma_wait3A_71 = tpu.memref_slice %dma_wait3A_69[%mul3A_58, %dma_wait3A_70] : memref<10240x64xf32, #tpu.memory_space<hbm>> -> memref<640x64xf32, #tpu.memory_space<hbm>>
      %dma_wait3A_72 = arith.constant 0 : i32
      %dma_wait3A_73 = tpu.memref_slice %arg15[%mul3A_56, %dma_wait3A_72] : memref<10240x64xf32, #tpu.memory_space<vmem_shared>> -> memref<640x64xf32, #tpu.memory_space<vmem_shared>>
      tpu.wait_dma2 semaphore(%run_scoped3A : memref<!tpu.dma_semaphore, #tpu.memory_space<semaphore_mem>>) src(%dma_wait3A_73 : memref<640x64xf32, #tpu.memory_space<vmem_shared>>) dst(%dma_wait3A_71 : memref<640x64xf32, #tpu.memory_space<hbm>>)
      tpu.yield
    }) : () -> ()
    %barrier3A_59 = arith.constant 0 : index
    tpu.barrier barrier_id(%barrier3A_59)
    return
  }
}

</mosaic_0001>

<sc_bundles>
// kernel: _sc_agg.3.cloned.1.call-start
scs
__scs_entry_jumppad:
0x0: {  	(pc) =	sbr.rel $0x88, $3  }
0x1: {  	(tag) =	ssettag $0x0;
	lr =	simm.s32 $0x1  }
0x2: {  	[smem:$0x3F9D] =	sst lr;
	_ =	strace $0xD0000000  }
0x3: {  	_ = 	snop  }
0x4: {  	_ = 	snop  }
0x5: {  	_ = 	snop  }
0x6: {  	_ = 	snop  }
0x7: {  	_ = 	snop  }
__scs_overlays_trampoline_lowered:
0x8: {  	[smem:$0x3FAC] =	sst s0  }
0x9: {  	[smem:$0x3FAD] =	sst s1  }
0xa: {  	[smem:$0x3FAE] =	sst s2  }
0xb: {  	[smem:$0x3FAF] =	sst s3  }
0xc: {  	[smem:$0x3FB0] =	sst s4  }
0xd: {  	[smem:$0x3FB1] =	sst s5  }
0xe: {  	[smem:$0x3FB2] =	sst s6  }
0xf: {  	[smem:$0x3FB3] =	sst s7  }
0x10: {  	[smem:$0x3FB4] =	sst s8  }
0x11: {  	[smem:$0x3FB5] =	sst s9;
	s0 =	simm.s32 @!p0 $0x0  }
0x12: {  	s1 =	sld [smem:$0x3F9B];
	s0 =	simm.s32 @p0 $0x1  }
0x13: {  	[smem:$0x3FB6] =	sst s0;
	s0 =	simm.s32 @!p1 $0x0  }
0x14: {  	s2 =	sld [smem:$0x3F9A];
	s0 =	simm.s32 @p1 $0x1  }
0x15: {  	[smem:$0x3FB7] =	sst s0;
	s0 =	simm.s32 @!p2 $0x0  }
0x16: {  	s3 =	sld [smem:$0x3FDB];
	s0 =	simm.s32 @p2 $0x1  }
0x17: {  	s4 =	simm.s32 $0x1BF5;
	[smem:$0x3FB9] =	sst s0  }
0x18: {  	s0 =	sld [smem:$0x3F9C];
	_ =	swait.ge [sflag:s4], $0x0  }
0x19: {  	s7 =	sld [smem:$0x3F9D]  }
0x1a: {  	s8 =	sadd.s32 $0xFFFFE003, lr  }
0x1b: {  	s9 =	sadd.s32 $0xFFFFFEF7, lr;
	s5 =	simm.s32 $0xFFFFFFFF;
	p2 =	slt.u32 s8, $0xFFFFF086  }
0x1c: {  	p1 =	slt.u32 s9, $0xF7A;
	s5 =	simm.s32 @!p2 $0x0  }
0x1d: {  	s5 =	simm.s32 @p1 $0x1;
	p0 =	seq.s32 s7, s2  }
0x1e: {  	s7 =	smul.u32 @!p0 $0xF7A, s2;
	p2 =	seq.s32 @!p0 s5, $0x0  }
0x1f: {  	s9 =	smul.u32 $0xF7A, s1;
	s8 =	simm.s32 @!p0 $0x1BF5;
	p2 =	por !p2, p0  }
0x20: {  	[sflag:s8] =	ssyncset.s32 @!p0 $0xFFFFF086;
	s6 =	sadd.s32 @!p0 s3, s7;
	s7 =	simm.s32 @!p0 $0x108  }
0x21: {  	s3 =	sadd.s32 s3, s9;
	s6 =	sadd.s32 @!p0 $0x88, s6;
	s7 =	simm.s32 @p2 $0x1082  }
0x22: {  	[simem:s7], [sflag:s8] =	dma.local @!p0 [hbm:s6], $0xF7A  }
0x23: {  	s9 =	sor.u32 $0xD0000000, s2;
	s6 =	simm.s32 $0x108;
	_ =	swait.ge @!p0 [sflag:s8], $0x0  }
0x24: {  	s3 =	sadd.s32 $0x88, s3;
	s6 =	simm.s32 @!p1 $0x1082;
	[sflag:s4] =	ssyncset.s32 $0xFFFFF086  }
0x25: {  	[simem:s6], [sflag:s4] =	dma.local [hbm:s3], $0xF7A  }
0x26: {  	[smem:$0x3F9D] =	sst s1;
	(tag) =	ssettag s2;
	_ =	strace s9  }
0x27: {  	s1 =	sld [smem:$0x3FAD]  }
0x28: {  	s2 =	sld [smem:$0x3FAE]  }
0x29: {  	s4 =	sld [smem:$0x3FB0]  }
0x2a: {  	p0 =	seq.s32 s5, $0x0;
	s5 =	sld [smem:$0x3FB1]  }
0x2b: {  	s6 =	sld [smem:$0x3FB2]  }
0x2c: {  	s7 =	sld [smem:$0x3FB3]  }
0x2d: {  	s3 =	simm.s32 $0x108;
	s8 =	sld [smem:$0x3FB4]  }
0x2e: {  	s3 =	simm.s32 @!p0 $0x1082;
	s9 =	sld [smem:$0x3FB5]  }
0x2f: {  	lr =	sadd.s32 s0, s3;
	s0 =	sld [smem:$0x3FAC]  }
0x30: {  	s3 =	sld [smem:$0x3FAF]  }
0x31: {  	[smem:$0x3FB8] =	sst s10  }
0x32: {  	s10 =	sld [smem:$0x3FB6];
	_ =	sdelay $0x3  }
0x33: {  	p0 =	seq.s32 s10, $0x1;
	s10 =	sld [smem:$0x3FB8];
	_ =	sdelay $0x3  }
0x34: {  	[smem:$0x3FB8] =	sst s10  }
0x35: {  	s10 =	sld [smem:$0x3FB7];
	_ =	sdelay $0x3  }
0x36: {  	p1 =	seq.s32 s10, $0x1;
	s10 =	sld [smem:$0x3FB8];
	_ =	sdelay $0x3  }
0x37: {  	[smem:$0x3FB8] =	sst s10  }
0x38: {  	s10 =	sld [smem:$0x3FB9]  }
0x39: {  	_ = 	snop;
	(pc) =	sbr.ind lr, $3  }
0x3a: {  	_ = 	snop  }
0x3b: {  	_ = 	snop  }
0x3c: {  	p2 =	seq.s32 s10, $0x1;
	s10 =	sld [smem:$0x3FB8]  }
0x3d: {  	_ =	shalt  }
0x3e: {  	_ =	shalt  }
0x3f: {  	_ =	shalt  }
0x40: {  	_ =	shalt  }
0x41: {  	_ =	shalt  }
0x42: {  	_ =	shalt  }
0x43: {  	_ =	shalt  }
0x44: {  	_ =	shalt  }
0x45: {  	_ =	shalt  }
0x46: {  	_ =	shalt  }
0x47: {  	_ =	shalt  }
0x48: {  	_ =	shalt  }
0x49: {  	_ =	shalt  }
0x4a: {  	_ =	shalt  }
0x4b: {  	_ =	shalt  }
0x4c: {  	_ =	shalt  }
0x4d: {  	_ =	shalt  }
0x4e: {  	_ =	shalt  }
0x4f: {  	_ =	shalt  }
0x50: {  	_ =	shalt  }
0x51: {  	_ =	shalt  }
0x52: {  	_ =	shalt  }
0x53: {  	_ =	shalt  }
0x54: {  	_ =	shalt  }
0x55: {  	_ =	shalt  }
0x56: {  	_ =	shalt  }
0x57: {  	_ =	shalt  }
0x58: {  	_ =	shalt  }
0x59: {  	_ =	shalt  }
0x5a: {  	_ =	shalt  }
0x5b: {  	_ =	shalt  }
0x5c: {  	_ =	shalt  }
0x5d: {  	_ =	shalt  }
0x5e: {  	_ =	shalt  }
0x5f: {  	_ =	shalt  }
0x60: {  	_ =	shalt  }
0x61: {  	_ =	shalt  }
0x62: {  	_ =	shalt  }
0x63: {  	_ =	shalt  }
0x64: {  	_ =	shalt  }
0x65: {  	_ =	shalt  }
0x66: {  	_ =	shalt  }
0x67: {  	_ =	shalt  }
0x68: {  	_ =	shalt  }
0x69: {  	_ =	shalt  }
0x6a: {  	_ =	shalt  }
0x6b: {  	_ =	shalt  }
0x6c: {  	_ =	shalt  }
0x6d: {  	_ =	shalt  }
0x6e: {  	_ =	shalt  }
0x6f: {  	_ =	shalt  }
0x70: {  	_ =	shalt  }
0x71: {  	_ =	shalt  }
0x72: {  	_ =	shalt  }
0x73: {  	_ =	shalt  }
0x74: {  	_ =	shalt  }
0x75: {  	_ =	shalt  }
0x76: {  	_ =	shalt  }
0x77: {  	_ =	shalt  }
0x78: {  	_ =	shalt  }
0x79: {  	_ =	shalt  }
0x7a: {  	_ =	shalt  }
0x7b: {  	_ =	shalt  }
0x7c: {  	_ =	shalt  }
0x7d: {  	_ =	shalt  }
0x7e: {  	_ =	shalt  }
0x7f: {  	_ =	shalt  }
0x80: {  	_ =	shalt  }
0x81: {  	_ =	shalt  }
0x82: {  	_ =	shalt  }
0x83: {  	_ =	shalt  }
0x84: {  	_ =	shalt  }
0x85: {  	_ =	shalt  }
0x86: {  	_ =	shalt  }
0x87: {  	_ =	shalt  }
.Lfunc_end0:
.L_simem_size_0:
called_computation_lowered:
.L_overlay_start_0:
0x88: {  	s2 =	sld [smem:$0x3FD9]  }
0x89: {  	s3 =	sld [smem:$0x3FFE];
	_ =	sdelay $0x1  }
0x8a: {  	s1 =	srdreg.scid  }
0x8b: {  	s0 =	sand.u32 $0x1, s1  }
0x8c: {  	s14 =	sshll.u32 s0, $0xA;
	s2 =	sadd.s32 s3, s2  }
0x8d: {  	s2 =	sadd.s32 s2, s14  }
0x8e: {  	[smem:$0x3FC4] =	sst s2  }
0x8f: {  	_ = 	snop  }
0x90: {  	s2 =	sld [smem:$0x3FD0];
	_ =	sdelay $0x1  }
0x91: {  	s15 =	sld [smem:$0x3FC7]  }
0x92: {  	s5 =	simm.s32 $0xA;
	s6 =	simm.s32 $0x10;
	s4 =	sld [smem:$0x3FC6]  }
0x93: {  	[smem:s6], [sflag:s5] =	dma.local [hbm:s2], $0x1  }
0x94: {  	_ =	swait.eq [sflag:s5], $0x1  }
0x95: {  	[sflag:s5] =	ssyncset.done $0x0  }
0x96: {  	s16 =	sld [smem:$0x10];
	[sflag:s5] =	ssyncadd.s32 $0xFFFFFFFF  }
0x97: {  	s17 =	sld [smem:$0x11];
	(tm) =	ssettm $0x1  }
0x98: {  	s18 =	sld [smem:$0x3FFB];
	_ =	sdelay $0x3  }
0x99: {  	_ =	strace s18  }
0x9a: {  	s6 =	sld [smem:$0x3FFC];
	_ =	sdelay $0x3  }
0x9b: {  	_ =	strace s6  }
0x9c: {  	s6 =	sld [smem:$0x3FFD];
	_ =	sdelay $0x3  }
0x9d: {  	_ =	strace s6  }
0x9e: {  	_ =	strace $0x8FFFFFFF  }
0x9f: {  	s19 =	sld [smem:$0x3FDB];
	_ =	sdelay $0x1  }
0xa0: {  	s7 =	simm.s32 $_scs_section_size  }
0xa1: {  	s8 =	simm.s32 $_size__tile_overlayer_lowered;
	s9 =	simm.s32 $_tile_overlayer_lowered  }
0xa2: {  	s22 =	simm.s32 $0x1BFF;
	s21 =	sshll.u32 s9, $0x1;
	s6 =	sadd.s32 s7, s19  }
0xa3: {  	s10 =	simm.s32 $0x0;
	s20 =	sshll.u32 s8, $0x1;
	s8 =	sadd.s32 s21, s6  }
0xa4: {  	[timem:s10], [sflag:s22] =	dma.local [hbm:s8], s20  }
0xa5: {  	_ =	swait.ge [sflag:s22], s20  }
0xa6: {  	s7 =	ssub.s32 $0x0, s20;
	[sflag:s22] =	ssyncset.done $0x0  }
0xa7: {  	[sflag:s22] =	ssyncadd.s32 s7;
	_ =	sdelay $0x1  }
0xa8: {  	s23 =	simm.s32 $0x1B8B  }
0xa9: {  	_ =	swait.ge [sflag:s23], $0x1  }
0xaa: {  	[sflag:s23] =	ssyncset.done $0x0  }
0xab: {  	s25 =	simm.s32 $0x1B8E;
	s24 =	sld [smem:$0x3FFE];
	[sflag:s23] =	ssyncadd.s32 $0xFFFFFFFF  }
0xac: {  	s26 =	simm.s32 $execute0_lowered;
	[smem:$0x3FD2] =	sst s25  }
0xad: {  	s8 =	sshll.u32 s26, $0x1;
	_ =	strace $0x80000046;
	[dreg:$0x1] =	wrdreg $0xFFFFFFFF  }
0xae: {  	s28 =	simm.s32 $_size_execute0_lowered;
	s6 =	sadd.s32 s6, s8;
	[dreg:$0x0] =	wrdreg $0x0  }
0xaf: {  	s8 =	sshll.u32 s28, $0x1;
	[dreg:$0x2] =	wrdreg s6  }
0xb0: {  	[dreg:$0x3] =	wrdreg s8  }
0xb1: {  	[dreg:$0x4] =	wrdreg $0xC0  }
0xb2: {  	_ =	task [dreg:s10], $0x5FFFF  }
0xb3: {  	[dreg:$0x1] =	wrdreg $0xFFFFFFFF  }
0xb4: {  	[dreg:$0x0] =	wrdreg $0x60  }
0xb5: {  	[dreg:$0x2] =	wrdreg s24  }
0xb6: {  	[dreg:$0x3] =	wrdreg s15  }
0xb7: {  	[dreg:$0x4] =	wrdreg s4  }
0xb8: {  	[dreg:$0x5] =	wrdreg s16  }
0xb9: {  	[dreg:$0x6] =	wrdreg s17  }
0xba: {  	[dreg:$0x7] =	wrdreg $0x90000  }
0xbb: {  	[dreg:$0x8] =	wrdreg $0x130000  }
0xbc: {  	[dreg:$0x9] =	wrdreg $0x9  }
0xbd: {  	_ =	task.clear_ibuf [dreg:s10], $0xAFFFF;
	_ =	strace $0x90000046  }
0xbe: {  	s29 =	simm.s32 $0x9;
	_ =	strace $0x80000048  }
0xbf: {  	_ =	swait.ge [sflag:s29], $0x1  }
0xc0: {  	[sflag:s29] =	ssyncadd.s32 $0xFFFFFFFF  }
0xc1: {  	_ =	strace $0x90000048  }
0xc2: {  	_ =	sfence  }
0xc3: {  	s30 =	sld [smem:$0x0];
	_ =	sdelay $0x2  }
0xc4: {  	s31 =	sshll.u32 s1, $0xD;
	s1 =	sshrl.u32 s1, $0x2  }
0xc5: {  	s3 =	sand.u32 $0x4000, s31;
	s1 =	sadd.s32 s1, s30  }
0xc6: {  	s0 =	sor.u32 s3, s0;
	s1 =	sshll.u32 s1, $0x11  }
0xc7: {  	s0 =	sor.u32 s1, s0  }
0xc8: {  	s0 =	sadd.s32 $0x8F2B, s0  }
0xc9: {  	[sflag:s0] =	ssyncadd.remote.s32 $0x1  }
0xca: {  	_ =	sfence.sel $0xFFFF  }
0xcb: {  	[dreg:$0x0] =	wrdreg $0xFFFFFFFF;
	(pc) =	sbr.abs _section_cstart, $3  }
0xcc: {  	[dreg:$0x1] =	wrdreg $0xFFFFFFFF  }
0xcd: {  	_ =	task.clear_ibuf [dreg:s10], $0x2FFFF;
	_ =	strace $0x9FFFFFFF  }
0xce: {  	(tm) =	ssettm $0x7FFFFFFF  }
0xcf: {  	_ =	shalt  }
tec
execute0_lowered:
.L_overlay_start_1:
0x0: {  	(tag) =	ssettag $0x1  }
0x1: {  	s0 =	rddreg [dreg:$0x0]  }
0x2: {  	s1 =	rddreg [dreg:$0x1]  }
0x3: {  	s5 =	rddreg [dreg:$0x2]  }
0x4: {  	s6 =	rddreg [dreg:$0x3]  }
0x5: {  	s7 =	rddreg [dreg:$0x4]  }
0x6: {  	s2 =	rddreg [dreg:$0x5]  }
0x7: {  	s3 =	rddreg [dreg:$0x6]  }
0x8: {  	s4 =	simm.s32 $0x0;
	s17 =	stileid.u32;
	s8 =	srdreg.scid  }
0x9: {  	s20 =	simm.s32 $0x1000;
	s21 =	simm.s32 $0x3;
	s29 =	simm.s32 $0x5000  }
0xa: {  	s30 =	simm.s32 $0x1;
	s28 =	simm.s32 $0x880;
	s31 =	simm.s32 $0x480  }
0xb: {  	[smem:$0x7FF] =	sst s4;
	s10 =	smul.u32 $0xA000, s17;
	s8 =	sand.u32 $0x1, s8  }
0xc: {  	s15 =	sadd.s32 $0x96000, s2;
	s26 =	sadd.s32 $0x13800, s0;
	s16 =	smul.u32 $0x28000, s17  }
0xd: {  	p0 =	seq.s32 s17, $0xF;
	_ =	strace $0x80000047;
	s9 =	ssub.s32 $0x2, s8  }
0xe: {  	s11 =	sshll.u32 s8, $0x4;
	s25 =	smul.u32 $0x14000, s8;
	[dreg:$0xa] =	wrdreg s26  }
0xf: {  	s12 =	sshrl.u32 s10, $0x3;
	s13 =	sshrl.u32 s9, $0x1;
	s11 =	sor.u32 s17, s11  }
0x10: {  	s23 =	sadd.s32 s10, s2;
	s10 =	sadd.s32 s10, s3;
	s18 =	sshrl.u32 s16, $0x2  }
0x11: {  	s16 =	simm.s32 $0x0;
	s14 =	sadd.s32 s12, s0;
	[dreg:$0x8] =	wrdreg s23  }
0x12: {  	s13 =	ssub.s32 s9, s13;
	s22 =	smul.u32 $0x500, s11;
	[dreg:$0xb] =	wrdreg s10  }
0x13: {  	s0 =	sadd.s32 $0x27200, s0;
	s19 =	sadd.s32 s7, s25;
	s7 =	simm.s32 $0x900  }
0x14: {  	s10 =	simm.s32 $0x280;
	s11 =	simm.s32 $0x980;
	s24 =	sadd.s32 $0xC00, s14  }
0x15: {  	s14 =	sadd.s32 $0x14600, s14;
	[dreg:$0xd] =	wrdreg s0;
	s23 =	smax.u32 s13, $0x1  }
0x16: {  	s0 =	sadd.s32 s12, s19;
	s19 =	simm.s32 $0x100;
	[dreg:$0x9] =	wrdreg s24  }
0x17: {  	s8 =	sadd.s32 s1, s22;
	s9 =	sadd.s32 s5, s22;
	[dreg:$0xc] =	wrdreg s14  }
0x18: {  	s1 =	sadd.s32 s6, s25;
	s5 =	sadd.s32 s18, s3;
	[dreg:$0xf] =	wrdreg s23  }
0x19: {  	s22 =	simm.s32 $0x800;
	[dreg:$0x16] =	wrdreg s0;
	s18 =	simm.s32 $0x180  }
0x1a: {  	s0 =	simm.s32 $0x7000;
	s24 =	sadd.s32 $0x2000, s5;
	[dreg:$0xe] =	wrdreg s5  }
0x1b: {  	s6 =	simm.s32 $0x2;
	s25 =	sadd.s32 $0x4000, s5;
	[dreg:$0x10] =	wrdreg s24  }
0x1c: {  	s14 =	simm.s32 $0xA00;
	s26 =	sadd.s32 $0x6000, s5;
	[dreg:$0x11] =	wrdreg s25  }
0x1d: {  	s23 =	simm.s32 $0x380;
	s5 =	sadd.s32 $0x8000, s5;
	[dreg:$0x12] =	wrdreg s26  }
0x1e: {  	s1 =	sadd.s32 s12, s1;
	s12 =	simm.s32 $0x300;
	[dreg:$0x13] =	wrdreg s5  }
0x1f: {  	s5 =	sshrl.u32 @p0 s15, $0x3;
	[dreg:$0x15] =	wrdreg s1;
	s25 =	simm.s32 $0x80  }
0x20: {  	s26 =	simm.s32 $0x3000;
	s24 =	simm.s32 $0xA80;
	s1 =	simm.s32 $0x400  }
0x21: {  	v0 =	vimm.f32 $0.0e+00;
	s15 =	simm.s32 $0xB00;
	[dreg:$0x14] =	wrdreg s5;
	s5 =	simm.s32 $0x200  }
.LBB2_1:
0x22: {  	[dreg:$0x17] =	wrdreg s16  }
0x23: {  	s13 =	rddreg [dreg:$0xa]  }
0x24: {  	s16 =	simm.s32 @p0 $0x1FC3;
	s17 =	rddreg [dreg:$0x14]  }
0x25: {  	[spmem:s17], [sflag:s16] =	dma.local @p0 [hbm:s13], $0xC80  }
0x26: {  	s16 =	simm.s32 @p0 $0x3  }
0x27: {  	_ =	swait.ge @p0 [sflag:s16], $0xC80  }
0x28: {  	s13 =	stileid.u32;
	[sflag:s16] =	ssyncset.done @p0 $0x0  }
0x29: {  	s17 =	sshll.u32 @!p0 s13, $0x6;
	s13 =	rddreg [dreg:$0x8];
	[sflag:s16] =	ssyncadd.s32 @p0 $0xFFFFF380  }
0x2a: {  	s16 =	sor.u32 @!p0 $0x1C03, s17;
	s17 =	sshrl.u32 @!p0 s13, $0x3;
	s13 =	rddreg [dreg:$0x9]  }
0x2b: {  	[dreg:$0x1a] =	wrdreg s17  }
0x2c: {  	[spmem:s17], [sflag:s16] =	dma.local @!p0 [hbm:s13], $0x1400  }
0x2d: {  	s17 =	simm.s32 @!p0 $0x3  }
0x2e: {  	_ =	swait.ge @!p0 [sflag:s17], $0x1400  }
0x2f: {  	s16 =	simm.s32 @!p0 $0x0;
	[sflag:s17] =	ssyncset.done @!p0 $0x0  }
0x30: {  	s16 =	simm.s32 @p0 $0x0;
	[sflag:s17] =	ssyncadd.s32 @!p0 $0xFFFFEC00  }
.LBB2_2:
0x31: {  	p1 =	seq.s32 s16, $0x7F00  }
.Ltmp0:
0x32: {  	s17 =	sshra.s32 s16, $0x2;
	(pc) =	sbr.rel @!p1 .LBB2_2-.Ltmp0, $4  }
0x33: {  	[tilespmem:s17+$0x1000] =	vst v0  }
0x34: {  	[tilespmem:s17+$0x1010] =	vst v0  }
0x35: {  	[tilespmem:s17+$0x1020] =	vst v0  }
0x36: {  	s16 =	sadd.s32 $0x100, s16;
	[tilespmem:s17+$0x1030] =	vst v0  }
0x37: {  	s13 =	rddreg [dreg:$0xe]  }
0x38: {  	[spmem:s13] =	stream.linear.scatter [tilespmem:s20], [sflag:$0x3], $0x2000, $0x38;
	[tilespmem:$0x1D000] =	vst v63  }
0x39: {  	_ =	swait.ge [sflag:s21], $0x2000  }
0x3a: {  	[sflag:s21] =	ssyncset.done $0x0  }
0x3b: {  	s17 =	rddreg [dreg:$0x10];
	[sflag:s21] =	ssyncadd.s32 $0xFFFFE000  }
0x3c: {  	[spmem:s17] =	stream.linear.scatter [tilespmem:s20], [sflag:$0x3], $0x2000, $0x38;
	[tilespmem:$0x1D000] =	vst v63  }
0x3d: {  	_ =	swait.ge [sflag:s21], $0x2000  }
0x3e: {  	[sflag:s21] =	ssyncset.done $0x0  }
0x3f: {  	s16 =	rddreg [dreg:$0x11];
	[sflag:s21] =	ssyncadd.s32 $0xFFFFE000  }
0x40: {  	[spmem:s16] =	stream.linear.scatter [tilespmem:s20], [sflag:$0x3], $0x2000, $0x38;
	[tilespmem:$0x1D000] =	vst v63  }
0x41: {  	_ =	swait.ge [sflag:s21], $0x2000  }
0x42: {  	[sflag:s21] =	ssyncset.done $0x0  }
0x43: {  	s17 =	rddreg [dreg:$0x12];
	[sflag:s21] =	ssyncadd.s32 $0xFFFFE000  }
0x44: {  	[spmem:s17] =	stream.linear.scatter [tilespmem:s20], [sflag:$0x3], $0x2000, $0x38;
	[tilespmem:$0x1D000] =	vst v63  }
0x45: {  	_ =	swait.ge [sflag:s21], $0x2000  }
0x46: {  	[sflag:s21] =	ssyncset.done $0x0  }
0x47: {  	s16 =	rddreg [dreg:$0x13];
	[sflag:s21] =	ssyncadd.s32 $0xFFFFE000  }
0x48: {  	[spmem:s16] =	stream.linear.scatter [tilespmem:s20], [sflag:$0x3], $0x2000, $0x38;
	[tilespmem:$0x1D000] =	vst v63  }
0x49: {  	_ =	swait.ge [sflag:s21], $0x2000  }
0x4a: {  	[sflag:s21] =	ssyncset.done $0x0  }
0x4b: {  	[sflag:s21] =	ssyncadd.s32 $0xFFFFE000  }
0x4c: {  	s16 =	sadd.s32 $0x0, s8;
	[bflag:$0x0] =	sbarrier.arrive $0xFFFF  }
0x4d: {  	[tilespmem:s4], [sflag:$0x3] =	stream.linear.gather [hbm4b:s16+s4], $0x800, $0x38;
	[tilespmem:$0x1D000] =	vst v63  }
0x4e: {  	_ =	swait.ge [sflag:s21], $0x800  }
0x4f: {  	[sflag:s21] =	ssyncset.done $0x0  }
0x50: {  	s17 =	sadd.s32 $0x0, s9;
	[sflag:s21] =	ssyncadd.s32 $0xFFFFF800  }
0x51: {  	[tilespmem:s22], [sflag:$0x3] =	stream.linear.gather [hbm4b:s17+s4], $0x800, $0x38;
	[tilespmem:$0x1D000] =	vst v63  }
0x52: {  	_ =	swait.ge [sflag:s21], $0x800  }
0x53: {  	[sflag:s21] =	ssyncset.done $0x0  }
0x54: {  	[sflag:s21] =	ssyncadd.s32 $0xFFFFF800  }
0x55: {  	[tilespmem:s20], [sflag:$0x1] =	stream.indirect.gather [spmem:s2], $0x40, s4, s25, $0xb8;
	[tilespmem:$0x1D000] =	vst v63  }
0x56: {  	_ = 	snop  }
0x57: {  	[tilespmem:s26], [sflag:$0x1] =	stream.indirect.gather [spmem:s2], $0x40, s25, s25, $0xb8;
	[tilespmem:$0x1D000] =	vst v63  }
0x58: {  	_ = 	snop  }
0x59: {  	[tilespmem:s29], [sflag:$0x1] =	stream.indirect.gather [spmem:s2], $0x40, s19, s25, $0xb8;
	[tilespmem:$0x1D000] =	vst v63  }
0x5a: {  	_ =	swait.ge [sflag:s30], $0x2000  }
0x5b: {  	[sflag:s30] =	ssyncset.done $0x0  }
0x5c: {  	[sflag:s30] =	ssyncadd.s32 $0xFFFFE000  }
0x5d: {  	[spmem:s3] =	stream.indirect.scatter.add.f32 [tilespmem:s20], [sflag:$0x2], $0x40, s22, s25, $0xb8;
	[tilespmem:$0x1D000] =	vst v63  }
0x5e: {  	_ = 	snop  }
0x5f: {  	[tilespmem:s0], [sflag:$0x1] =	stream.indirect.gather [spmem:s2], $0x40, s18, s25, $0xb8;
	[tilespmem:$0x1D000] =	vst v63  }
0x60: {  	_ =	swait.ge [sflag:s30], $0x2000  }
0x61: {  	[sflag:s30] =	ssyncset.done $0x0  }
0x62: {  	[sflag:s30] =	ssyncadd.s32 $0xFFFFE000  }
0x63: {  	[spmem:s3] =	stream.indirect.scatter.add.f32 [tilespmem:s26], [sflag:$0x2], $0x40, s28, s25, $0xb8;
	[tilespmem:$0x1D000] =	vst v63  }
0x64: {  	_ =	swait.ge [sflag:s6], $0x2000  }
0x65: {  	[sflag:s6] =	ssyncset.done $0x0  }
0x66: {  	[sflag:s6] =	ssyncadd.s32 $0xFFFFE000  }
0x67: {  	[tilespmem:s20], [sflag:$0x1] =	stream.indirect.gather [spmem:s2], $0x40, s5, s25, $0xb8;
	[tilespmem:$0x1D000] =	vst v63  }
0x68: {  	_ =	swait.ge [sflag:s30], $0x2000  }
0x69: {  	[sflag:s30] =	ssyncset.done $0x0  }
0x6a: {  	[sflag:s30] =	ssyncadd.s32 $0xFFFFE000  }
0x6b: {  	[spmem:s3] =	stream.indirect.scatter.add.f32 [tilespmem:s29], [sflag:$0x2], $0x40, s7, s25, $0xb8;
	[tilespmem:$0x1D000] =	vst v63  }
0x6c: {  	_ =	swait.ge [sflag:s6], $0x2000  }
0x6d: {  	[sflag:s6] =	ssyncset.done $0x0  }
0x6e: {  	[sflag:s6] =	ssyncadd.s32 $0xFFFFE000  }
0x6f: {  	[tilespmem:s26], [sflag:$0x1] =	stream.indirect.gather [spmem:s2], $0x40, s10, s25, $0xb8;
	[tilespmem:$0x1D000] =	vst v63  }
0x70: {  	_ =	swait.ge [sflag:s30], $0x2000  }
0x71: {  	[sflag:s30] =	ssyncset.done $0x0  }
0x72: {  	[sflag:s30] =	ssyncadd.s32 $0xFFFFE000  }
0x73: {  	[spmem:s3] =	stream.indirect.scatter.add.f32 [tilespmem:s0], [sflag:$0x2], $0x40, s11, s25, $0xb8;
	[tilespmem:$0x1D000] =	vst v63  }
0x74: {  	_ =	swait.ge [sflag:s6], $0x2000  }
0x75: {  	[sflag:s6] =	ssyncset.done $0x0  }
0x76: {  	[sflag:s6] =	ssyncadd.s32 $0xFFFFE000  }
0x77: {  	[tilespmem:s29], [sflag:$0x1] =	stream.indirect.gather [spmem:s2], $0x40, s12, s25, $0xb8;
	[tilespmem:$0x1D000] =	vst v63  }
0x78: {  	_ =	swait.ge [sflag:s30], $0x2000  }
0x79: {  	[sflag:s30] =	ssyncset.done $0x0  }
0x7a: {  	[sflag:s30] =	ssyncadd.s32 $0xFFFFE000  }
0x7b: {  	[spmem:s3] =	stream.indirect.scatter.add.f32 [tilespmem:s20], [sflag:$0x2], $0x40, s14, s25, $0xb8;
	[tilespmem:$0x1D000] =	vst v63  }
0x7c: {  	_ =	swait.ge [sflag:s6], $0x2000  }
0x7d: {  	[sflag:s6] =	ssyncset.done $0x0  }
0x7e: {  	[sflag:s6] =	ssyncadd.s32 $0xFFFFE000  }
0x7f: {  	[tilespmem:s0], [sflag:$0x1] =	stream.indirect.gather [spmem:s2], $0x40, s23, s25, $0xb8;
	[tilespmem:$0x1D000] =	vst v63  }
0x80: {  	_ =	swait.ge [sflag:s30], $0x2000  }
0x81: {  	[sflag:s30] =	ssyncset.done $0x0  }
0x82: {  	[sflag:s30] =	ssyncadd.s32 $0xFFFFE000  }
0x83: {  	[spmem:s3] =	stream.indirect.scatter.add.f32 [tilespmem:s26], [sflag:$0x2], $0x40, s24, s25, $0xb8;
	[tilespmem:$0x1D000] =	vst v63  }
0x84: {  	_ =	swait.ge [sflag:s6], $0x2000  }
0x85: {  	[sflag:s6] =	ssyncset.done $0x0  }
0x86: {  	[sflag:s6] =	ssyncadd.s32 $0xFFFFE000  }
0x87: {  	[tilespmem:s20], [sflag:$0x1] =	stream.indirect.gather [spmem:s2], $0x40, s1, s25, $0xb8;
	[tilespmem:$0x1D000] =	vst v63  }
0x88: {  	_ =	swait.ge [sflag:s30], $0x2000  }
0x89: {  	[sflag:s30] =	ssyncset.done $0x0  }
0x8a: {  	[sflag:s30] =	ssyncadd.s32 $0xFFFFE000  }
0x8b: {  	[spmem:s3] =	stream.indirect.scatter.add.f32 [tilespmem:s29], [sflag:$0x2], $0x40, s15, s25, $0xb8;
	[tilespmem:$0x1D000] =	vst v63  }
0x8c: {  	_ =	swait.ge [sflag:s6], $0x2000  }
0x8d: {  	[sflag:s6] =	ssyncset.done $0x0  }
0x8e: {  	[sflag:s6] =	ssyncadd.s32 $0xFFFFE000  }
0x8f: {  	[tilespmem:s26], [sflag:$0x1] =	stream.indirect.gather [spmem:s2], $0x40, s31, s25, $0xb8;
	[tilespmem:$0x1D000] =	vst v63  }
0x90: {  	_ =	swait.ge [sflag:s30], $0x2000  }
0x91: {  	[sflag:s30] =	ssyncset.done $0x0  }
0x92: {  	s24 =	simm.s32 $0xB80;
	[sflag:s30] =	ssyncadd.s32 $0xFFFFE000  }
0x93: {  	[spmem:s3] =	stream.indirect.scatter.add.f32 [tilespmem:s0], [sflag:$0x2], $0x40, s24, s25, $0xb8;
	[tilespmem:$0x1D000] =	vst v63  }
0x94: {  	_ =	swait.ge [sflag:s6], $0x2000  }
0x95: {  	[sflag:s6] =	ssyncset.done $0x0  }
0x96: {  	s5 =	simm.s32 $0x500;
	[sflag:s6] =	ssyncadd.s32 $0xFFFFE000  }
0x97: {  	[tilespmem:s29], [sflag:$0x1] =	stream.indirect.gather [spmem:s2], $0x40, s5, s25, $0xb8;
	[tilespmem:$0x1D000] =	vst v63  }
0x98: {  	_ =	swait.ge [sflag:s30], $0x2000  }
0x99: {  	[sflag:s30] =	ssyncset.done $0x0  }
0x9a: {  	s7 =	simm.s32 $0xC00;
	[sflag:s30] =	ssyncadd.s32 $0xFFFFE000  }
0x9b: {  	[spmem:s3] =	stream.indirect.scatter.add.f32 [tilespmem:s20], [sflag:$0x2], $0x40, s7, s25, $0xb8;
	[tilespmem:$0x1D000] =	vst v63  }
0x9c: {  	_ =	swait.ge [sflag:s6], $0x2000  }
0x9d: {  	[sflag:s6] =	ssyncset.done $0x0  }
0x9e: {  	s10 =	simm.s32 $0x580;
	[sflag:s6] =	ssyncadd.s32 $0xFFFFE000  }
0x9f: {  	[tilespmem:s0], [sflag:$0x1] =	stream.indirect.gather [spmem:s2], $0x40, s10, s25, $0xb8;
	[tilespmem:$0x1D000] =	vst v63  }
0xa0: {  	_ =	swait.ge [sflag:s30], $0x2000  }
0xa1: {  	[sflag:s30] =	ssyncset.done $0x0  }
0xa2: {  	s11 =	simm.s32 $0xC80;
	[sflag:s30] =	ssyncadd.s32 $0xFFFFE000  }
0xa3: {  	[spmem:s3] =	stream.indirect.scatter.add.f32 [tilespmem:s26], [sflag:$0x2], $0x40, s11, s25, $0xb8;
	[tilespmem:$0x1D000] =	vst v63  }
0xa4: {  	_ =	swait.ge [sflag:s6], $0x2000  }
0xa5: {  	[sflag:s6] =	ssyncset.done $0x0  }
0xa6: {  	s12 =	simm.s32 $0x600;
	[sflag:s6] =	ssyncadd.s32 $0xFFFFE000  }
0xa7: {  	[tilespmem:s20], [sflag:$0x1] =	stream.indirect.gather [spmem:s2], $0x40, s12, s25, $0xb8;
	[tilespmem:$0x1D000] =	vst v63  }
0xa8: {  	_ =	swait.ge [sflag:s30], $0x2000  }
0xa9: {  	[sflag:s30] =	ssyncset.done $0x0  }
0xaa: {  	s13 =	simm.s32 $0xD00;
	[sflag:s30] =	ssyncadd.s32 $0xFFFFE000  }
0xab: {  	[spmem:s3] =	stream.indirect.scatter.add.f32 [tilespmem:s29], [sflag:$0x2], $0x40, s13, s25, $0xb8;
	[tilespmem:$0x1D000] =	vst v63  }
0xac: {  	_ =	swait.ge [sflag:s6], $0x2000  }
0xad: {  	[sflag:s6] =	ssyncset.done $0x0  }
0xae: {  	s14 =	simm.s32 $0x680;
	[sflag:s6] =	ssyncadd.s32 $0xFFFFE000  }
0xaf: {  	[tilespmem:s26], [sflag:$0x1] =	stream.indirect.gather [spmem:s2], $0x40, s14, s25, $0xb8;
	[tilespmem:$0x1D000] =	vst v63  }
0xb0: {  	_ =	swait.ge [sflag:s30], $0x2000  }
0xb1: {  	[sflag:s30] =	ssyncset.done $0x0  }
0xb2: {  	s15 =	simm.s32 $0xD80;
	[sflag:s30] =	ssyncadd.s32 $0xFFFFE000  }
0xb3: {  	[spmem:s3] =	stream.indirect.scatter.add.f32 [tilespmem:s0], [sflag:$0x2], $0x40, s15, s25, $0xb8;
	[tilespmem:$0x1D000] =	vst v63  }
0xb4: {  	_ =	swait.ge [sflag:s6], $0x2000  }
0xb5: {  	[sflag:s6] =	ssyncset.done $0x0  }
0xb6: {  	s16 =	simm.s32 $0x700;
	[sflag:s6] =	ssyncadd.s32 $0xFFFFE000  }
0xb7: {  	[tilespmem:s29], [sflag:$0x1] =	stream.indirect.gather [spmem:s2], $0x40, s16, s25, $0xb8;
	[tilespmem:$0x1D000] =	vst v63  }
0xb8: {  	_ =	swait.ge [sflag:s30], $0x2000  }
0xb9: {  	[sflag:s30] =	ssyncset.done $0x0  }
0xba: {  	s17 =	simm.s32 $0xE00;
	[sflag:s30] =	ssyncadd.s32 $0xFFFFE000  }
0xbb: {  	[spmem:s3] =	stream.indirect.scatter.add.f32 [tilespmem:s20], [sflag:$0x2], $0x40, s17, s25, $0xb8;
	[tilespmem:$0x1D000] =	vst v63  }
0xbc: {  	_ =	swait.ge [sflag:s6], $0x2000  }
0xbd: {  	[sflag:s6] =	ssyncset.done $0x0  }
0xbe: {  	s18 =	simm.s32 $0x780;
	[sflag:s6] =	ssyncadd.s32 $0xFFFFE000  }
0xbf: {  	[tilespmem:s0], [sflag:$0x1] =	stream.indirect.gather [spmem:s2], $0x40, s18, s25, $0xb8;
	[tilespmem:$0x1D000] =	vst v63  }
0xc0: {  	_ =	swait.ge [sflag:s30], $0x2000  }
0xc1: {  	[sflag:s30] =	ssyncset.done $0x0  }
0xc2: {  	s19 =	simm.s32 $0xE80;
	[sflag:s30] =	ssyncadd.s32 $0xFFFFE000  }
0xc3: {  	[spmem:s3] =	stream.indirect.scatter.add.f32 [tilespmem:s26], [sflag:$0x2], $0x40, s19, s25, $0xb8;
	[tilespmem:$0x1D000] =	vst v63  }
0xc4: {  	_ =	swait.ge [sflag:s6], $0x2000  }
0xc5: {  	[sflag:s6] =	ssyncset.done $0x0  }
0xc6: {  	[sflag:s6] =	ssyncadd.s32 $0xFFFFE000  }
0xc7: {  	_ =	swait.ge [sflag:s30], $0x2000  }
0xc8: {  	[sflag:s30] =	ssyncset.done $0x0  }
0xc9: {  	s23 =	simm.s32 $0xF00;
	[sflag:s30] =	ssyncadd.s32 $0xFFFFE000  }
0xca: {  	[spmem:s3] =	stream.indirect.scatter.add.f32 [tilespmem:s29], [sflag:$0x2], $0x40, s23, s25, $0xb8;
	[tilespmem:$0x1D000] =	vst v63  }
0xcb: {  	_ =	swait.ge [sflag:s6], $0x2000  }
0xcc: {  	[sflag:s6] =	ssyncset.done $0x0  }
0xcd: {  	[sflag:s6] =	ssyncadd.s32 $0xFFFFE000  }
0xce: {  	s28 =	simm.s32 $0x180;
	_ =	swait.ge [sflag:s30], $0x2000  }
0xcf: {  	s1 =	simm.s32 $0x400;
	s31 =	simm.s32 $0x880;
	[sflag:s30] =	ssyncset.done $0x0  }
0xd0: {  	s24 =	simm.s32 $0xF80;
	s5 =	simm.s32 $0x200;
	[sflag:s30] =	ssyncadd.s32 $0xFFFFE000  }
0xd1: {  	[spmem:s3] =	stream.indirect.scatter.add.f32 [tilespmem:s0], [sflag:$0x2], $0x40, s24, s25, $0xb8;
	[tilespmem:$0x1D000] =	vst v63  }
0xd2: {  	s7 =	simm.s32 $0x900;
	s10 =	simm.s32 $0x280;
	_ =	swait.ge [sflag:s6], $0x2000  }
0xd3: {  	s11 =	simm.s32 $0x980;
	s12 =	simm.s32 $0x300;
	[sflag:s6] =	ssyncset.done $0x0  }
0xd4: {  	s14 =	simm.s32 $0xA00;
	s15 =	simm.s32 $0xB00;
	[sflag:s6] =	ssyncadd.s32 $0xFFFFE000  }
0xd5: {  	s16 =	simm.s32 $0x100;
	s17 =	simm.s32 $0x200;
	_ =	swait.ge [sflag:s6], $0x2000  }
0xd6: {  	s23 =	simm.s32 $0x380;
	s24 =	simm.s32 $0xA80;
	[sflag:s6] =	ssyncset.done $0x0  }
.LBB2_4:
0xd7: {  	s19 =	sadd.s32 s16, s8  }
0xd8: {  	[sflag:s6] =	ssyncadd.s32 $0xFFFFE000;
	s13 =	smov.u32 s17;
	s18 =	sadd.s32 $0x100, s17  }
0xd9: {  	[tilespmem:s4], [sflag:$0x3] =	stream.linear.gather [hbm4b:s19+s4], $0x800, $0x38;
	[tilespmem:$0x1D000] =	vst v63  }
0xda: {  	s19 =	simm.s32 $0x100  }
0xdb: {  	p1 =	sne.s32 s17, $0x400;
	_ =	swait.ge [sflag:s21], $0x800  }
0xdc: {  	[sflag:s21] =	ssyncset.done $0x0  }
0xdd: {  	s17 =	sadd.s32 s16, s9;
	s16 =	smov.u32 s13;
	[sflag:s21] =	ssyncadd.s32 $0xFFFFF800  }
0xde: {  	[tilespmem:s22], [sflag:$0x3] =	stream.linear.gather [hbm4b:s17+s4], $0x800, $0x38;
	[tilespmem:$0x1D000] =	vst v63  }
0xdf: {  	_ =	swait.ge [sflag:s21], $0x800  }
0xe0: {  	[sflag:s21] =	ssyncset.done $0x0  }
0xe1: {  	[sflag:s21] =	ssyncadd.s32 $0xFFFFF800  }
0xe2: {  	[tilespmem:s20], [sflag:$0x1] =	stream.indirect.gather [spmem:s2], $0x40, s4, s25, $0xb8;
	[tilespmem:$0x1D000] =	vst v63  }
0xe3: {  	_ = 	snop  }
0xe4: {  	[tilespmem:s26], [sflag:$0x1] =	stream.indirect.gather [spmem:s2], $0x40, s25, s25, $0xb8;
	[tilespmem:$0x1D000] =	vst v63  }
0xe5: {  	_ = 	snop  }
0xe6: {  	[tilespmem:s29], [sflag:$0x1] =	stream.indirect.gather [spmem:s2], $0x40, s19, s25, $0xb8;
	[tilespmem:$0x1D000] =	vst v63  }
0xe7: {  	_ =	swait.ge [sflag:s30], $0x2000  }
0xe8: {  	[sflag:s30] =	ssyncset.done $0x0  }
0xe9: {  	[sflag:s30] =	ssyncadd.s32 $0xFFFFE000  }
0xea: {  	[spmem:s3] =	stream.indirect.scatter.add.f32 [tilespmem:s20], [sflag:$0x2], $0x40, s22, s25, $0xb8;
	[tilespmem:$0x1D000] =	vst v63  }
0xeb: {  	_ = 	snop  }
0xec: {  	[tilespmem:s0], [sflag:$0x1] =	stream.indirect.gather [spmem:s2], $0x40, s28, s25, $0xb8;
	[tilespmem:$0x1D000] =	vst v63  }
0xed: {  	_ =	swait.ge [sflag:s30], $0x2000  }
0xee: {  	[sflag:s30] =	ssyncset.done $0x0  }
0xef: {  	[sflag:s30] =	ssyncadd.s32 $0xFFFFE000  }
0xf0: {  	[spmem:s3] =	stream.indirect.scatter.add.f32 [tilespmem:s26], [sflag:$0x2], $0x40, s31, s25, $0xb8;
	[tilespmem:$0x1D000] =	vst v63  }
0xf1: {  	_ =	swait.ge [sflag:s6], $0x2000  }
0xf2: {  	[sflag:s6] =	ssyncset.done $0x0  }
0xf3: {  	[sflag:s6] =	ssyncadd.s32 $0xFFFFE000  }
0xf4: {  	[tilespmem:s20], [sflag:$0x1] =	stream.indirect.gather [spmem:s2], $0x40, s5, s25, $0xb8;
	[tilespmem:$0x1D000] =	vst v63  }
0xf5: {  	_ =	swait.ge [sflag:s30], $0x2000  }
0xf6: {  	[sflag:s30] =	ssyncset.done $0x0  }
0xf7: {  	[sflag:s30] =	ssyncadd.s32 $0xFFFFE000  }
0xf8: {  	[spmem:s3] =	stream.indirect.scatter.add.f32 [tilespmem:s29], [sflag:$0x2], $0x40, s7, s25, $0xb8;
	[tilespmem:$0x1D000] =	vst v63  }
0xf9: {  	_ =	swait.ge [sflag:s6], $0x2000  }
0xfa: {  	[sflag:s6] =	ssyncset.done $0x0  }
0xfb: {  	[sflag:s6] =	ssyncadd.s32 $0xFFFFE000  }
0xfc: {  	[tilespmem:s26], [sflag:$0x1] =	stream.indirect.gather [spmem:s2], $0x40, s10, s25, $0xb8;
	[tilespmem:$0x1D000] =	vst v63  }
0xfd: {  	_ =	swait.ge [sflag:s30], $0x2000  }
0xfe: {  	[sflag:s30] =	ssyncset.done $0x0  }
0xff: {  	[sflag:s30] =	ssyncadd.s32 $0xFFFFE000  }
0x100: {  	[spmem:s3] =	stream.indirect.scatter.add.f32 [tilespmem:s0], [sflag:$0x2], $0x40, s11, s25, $0xb8;
	[tilespmem:$0x1D000] =	vst v63  }
0x101: {  	_ =	swait.ge [sflag:s6], $0x2000  }
0x102: {  	[sflag:s6] =	ssyncset.done $0x0  }
0x103: {  	[sflag:s6] =	ssyncadd.s32 $0xFFFFE000  }
0x104: {  	[tilespmem:s29], [sflag:$0x1] =	stream.indirect.gather [spmem:s2], $0x40, s12, s25, $0xb8;
	[tilespmem:$0x1D000] =	vst v63  }
0x105: {  	_ =	swait.ge [sflag:s30], $0x2000  }
0x106: {  	[sflag:s30] =	ssyncset.done $0x0  }
0x107: {  	[sflag:s30] =	ssyncadd.s32 $0xFFFFE000  }
0x108: {  	[spmem:s3] =	stream.indirect.scatter.add.f32 [tilespmem:s20], [sflag:$0x2], $0x40, s14, s25, $0xb8;
	[tilespmem:$0x1D000] =	vst v63  }
0x109: {  	_ =	swait.ge [sflag:s6], $0x2000  }
0x10a: {  	[sflag:s6] =	ssyncset.done $0x0  }
0x10b: {  	[sflag:s6] =	ssyncadd.s32 $0xFFFFE000  }
0x10c: {  	[tilespmem:s0], [sflag:$0x1] =	stream.indirect.gather [spmem:s2], $0x40, s23, s25, $0xb8;
	[tilespmem:$0x1D000] =	vst v63  }
0x10d: {  	_ =	swait.ge [sflag:s30], $0x2000  }
0x10e: {  	[sflag:s30] =	ssyncset.done $0x0  }
0x10f: {  	[sflag:s30] =	ssyncadd.s32 $0xFFFFE000  }
0x110: {  	[spmem:s3] =	stream.indirect.scatter.add.f32 [tilespmem:s26], [sflag:$0x2], $0x40, s24, s25, $0xb8;
	[tilespmem:$0x1D000] =	vst v63  }
0x111: {  	_ =	swait.ge [sflag:s6], $0x2000  }
0x112: {  	[sflag:s6] =	ssyncset.done $0x0  }
0x113: {  	[sflag:s6] =	ssyncadd.s32 $0xFFFFE000  }
0x114: {  	[tilespmem:s20], [sflag:$0x1] =	stream.indirect.gather [spmem:s2], $0x40, s1, s25, $0xb8;
	[tilespmem:$0x1D000] =	vst v63  }
0x115: {  	_ =	swait.ge [sflag:s30], $0x2000  }
0x116: {  	[sflag:s30] =	ssyncset.done $0x0  }
0x117: {  	[sflag:s30] =	ssyncadd.s32 $0xFFFFE000  }
0x118: {  	[spmem:s3] =	stream.indirect.scatter.add.f32 [tilespmem:s29], [sflag:$0x2], $0x40, s15, s25, $0xb8;
	[tilespmem:$0x1D000] =	vst v63  }
0x119: {  	_ =	swait.ge [sflag:s6], $0x2000  }
0x11a: {  	[sflag:s6] =	ssyncset.done $0x0  }
0x11b: {  	s13 =	simm.s32 $0x480;
	[sflag:s6] =	ssyncadd.s32 $0xFFFFE000  }
0x11c: {  	[tilespmem:s26], [sflag:$0x1] =	stream.indirect.gather [spmem:s2], $0x40, s13, s25, $0xb8;
	[tilespmem:$0x1D000] =	vst v63  }
0x11d: {  	_ =	swait.ge [sflag:s30], $0x2000  }
0x11e: {  	[sflag:s30] =	ssyncset.done $0x0  }
0x11f: {  	s13 =	simm.s32 $0xB80;
	[sflag:s30] =	ssyncadd.s32 $0xFFFFE000  }
0x120: {  	[spmem:s3] =	stream.indirect.scatter.add.f32 [tilespmem:s0], [sflag:$0x2], $0x40, s13, s25, $0xb8;
	[tilespmem:$0x1D000] =	vst v63  }
0x121: {  	_ =	swait.ge [sflag:s6], $0x2000  }
0x122: {  	[sflag:s6] =	ssyncset.done $0x0  }
0x123: {  	s13 =	simm.s32 $0x500;
	[sflag:s6] =	ssyncadd.s32 $0xFFFFE000  }
0x124: {  	[tilespmem:s29], [sflag:$0x1] =	stream.indirect.gather [spmem:s2], $0x40, s13, s25, $0xb8;
	[tilespmem:$0x1D000] =	vst v63  }
0x125: {  	_ =	swait.ge [sflag:s30], $0x2000  }
0x126: {  	[sflag:s30] =	ssyncset.done $0x0  }
0x127: {  	s13 =	simm.s32 $0xC00;
	[sflag:s30] =	ssyncadd.s32 $0xFFFFE000  }
0x128: {  	[spmem:s3] =	stream.indirect.scatter.add.f32 [tilespmem:s20], [sflag:$0x2], $0x40, s13, s25, $0xb8;
	[tilespmem:$0x1D000] =	vst v63  }
0x129: {  	_ =	swait.ge [sflag:s6], $0x2000  }
0x12a: {  	[sflag:s6] =	ssyncset.done $0x0  }
0x12b: {  	s13 =	simm.s32 $0x580;
	[sflag:s6] =	ssyncadd.s32 $0xFFFFE000  }
0x12c: {  	[tilespmem:s0], [sflag:$0x1] =	stream.indirect.gather [spmem:s2], $0x40, s13, s25, $0xb8;
	[tilespmem:$0x1D000] =	vst v63  }
0x12d: {  	_ =	swait.ge [sflag:s30], $0x2000  }
0x12e: {  	[sflag:s30] =	ssyncset.done $0x0  }
0x12f: {  	s13 =	simm.s32 $0xC80;
	[sflag:s30] =	ssyncadd.s32 $0xFFFFE000  }
0x130: {  	[spmem:s3] =	stream.indirect.scatter.add.f32 [tilespmem:s26], [sflag:$0x2], $0x40, s13, s25, $0xb8;
	[tilespmem:$0x1D000] =	vst v63  }
0x131: {  	_ =	swait.ge [sflag:s6], $0x2000  }
0x132: {  	[sflag:s6] =	ssyncset.done $0x0  }
0x133: {  	s13 =	simm.s32 $0x600;
	[sflag:s6] =	ssyncadd.s32 $0xFFFFE000  }
0x134: {  	[tilespmem:s20], [sflag:$0x1] =	stream.indirect.gather [spmem:s2], $0x40, s13, s25, $0xb8;
	[tilespmem:$0x1D000] =	vst v63  }
0x135: {  	_ =	swait.ge [sflag:s30], $0x2000  }
0x136: {  	[sflag:s30] =	ssyncset.done $0x0  }
0x137: {  	s13 =	simm.s32 $0xD00;
	[sflag:s30] =	ssyncadd.s32 $0xFFFFE000  }
0x138: {  	[spmem:s3] =	stream.indirect.scatter.add.f32 [tilespmem:s29], [sflag:$0x2], $0x40, s13, s25, $0xb8;
	[tilespmem:$0x1D000] =	vst v63  }
0x139: {  	_ =	swait.ge [sflag:s6], $0x2000  }
0x13a: {  	[sflag:s6] =	ssyncset.done $0x0  }
0x13b: {  	s13 =	simm.s32 $0x680;
	[sflag:s6] =	ssyncadd.s32 $0xFFFFE000  }
0x13c: {  	[tilespmem:s26], [sflag:$0x1] =	stream.indirect.gather [spmem:s2], $0x40, s13, s25, $0xb8;
	[tilespmem:$0x1D000] =	vst v63  }
0x13d: {  	_ =	swait.ge [sflag:s30], $0x2000  }
0x13e: {  	[sflag:s30] =	ssyncset.done $0x0  }
0x13f: {  	s13 =	simm.s32 $0xD80;
	[sflag:s30] =	ssyncadd.s32 $0xFFFFE000  }
0x140: {  	[spmem:s3] =	stream.indirect.scatter.add.f32 [tilespmem:s0], [sflag:$0x2], $0x40, s13, s25, $0xb8;
	[tilespmem:$0x1D000] =	vst v63  }
0x141: {  	_ =	swait.ge [sflag:s6], $0x2000  }
0x142: {  	[sflag:s6] =	ssyncset.done $0x0  }
0x143: {  	s13 =	simm.s32 $0x700;
	[sflag:s6] =	ssyncadd.s32 $0xFFFFE000  }
0x144: {  	[tilespmem:s29], [sflag:$0x1] =	stream.indirect.gather [spmem:s2], $0x40, s13, s25, $0xb8;
	[tilespmem:$0x1D000] =	vst v63  }
0x145: {  	_ =	swait.ge [sflag:s30], $0x2000  }
0x146: {  	[sflag:s30] =	ssyncset.done $0x0  }
0x147: {  	s13 =	simm.s32 $0xE00;
	[sflag:s30] =	ssyncadd.s32 $0xFFFFE000  }
0x148: {  	[spmem:s3] =	stream.indirect.scatter.add.f32 [tilespmem:s20], [sflag:$0x2], $0x40, s13, s25, $0xb8;
	[tilespmem:$0x1D000] =	vst v63  }
0x149: {  	_ =	swait.ge [sflag:s6], $0x2000  }
0x14a: {  	[sflag:s6] =	ssyncset.done $0x0  }
0x14b: {  	s13 =	simm.s32 $0x780;
	[sflag:s6] =	ssyncadd.s32 $0xFFFFE000  }
0x14c: {  	[tilespmem:s0], [sflag:$0x1] =	stream.indirect.gather [spmem:s2], $0x40, s13, s25, $0xb8;
	[tilespmem:$0x1D000] =	vst v63  }
0x14d: {  	_ =	swait.ge [sflag:s30], $0x2000  }
0x14e: {  	[sflag:s30] =	ssyncset.done $0x0  }
0x14f: {  	s13 =	simm.s32 $0xE80;
	[sflag:s30] =	ssyncadd.s32 $0xFFFFE000  }
0x150: {  	[spmem:s3] =	stream.indirect.scatter.add.f32 [tilespmem:s26], [sflag:$0x2], $0x40, s13, s25, $0xb8;
	[tilespmem:$0x1D000] =	vst v63  }
0x151: {  	_ =	swait.ge [sflag:s6], $0x2000  }
0x152: {  	[sflag:s6] =	ssyncset.done $0x0  }
0x153: {  	[sflag:s6] =	ssyncadd.s32 $0xFFFFE000  }
0x154: {  	_ =	swait.ge [sflag:s30], $0x2000  }
0x155: {  	[sflag:s30] =	ssyncset.done $0x0  }
0x156: {  	s13 =	simm.s32 $0xF00;
	[sflag:s30] =	ssyncadd.s32 $0xFFFFE000  }
0x157: {  	[spmem:s3] =	stream.indirect.scatter.add.f32 [tilespmem:s29], [sflag:$0x2], $0x40, s13, s25, $0xb8;
	[tilespmem:$0x1D000] =	vst v63  }
0x158: {  	_ =	swait.ge [sflag:s6], $0x2000  }
0x159: {  	[sflag:s6] =	ssyncset.done $0x0  }
0x15a: {  	[sflag:s6] =	ssyncadd.s32 $0xFFFFE000  }
0x15b: {  	_ =	swait.ge [sflag:s30], $0x2000  }
0x15c: {  	[sflag:s30] =	ssyncset.done $0x0  }
0x15d: {  	s13 =	simm.s32 $0xF80;
	[sflag:s30] =	ssyncadd.s32 $0xFFFFE000  }
0x15e: {  	[spmem:s3] =	stream.indirect.scatter.add.f32 [tilespmem:s0], [sflag:$0x2], $0x40, s13, s25, $0xb8;
	[tilespmem:$0x1D000] =	vst v63  }
.Ltmp1:
0x15f: {  	_ =	swait.ge [sflag:s6], $0x2000;
	(pc) =	sbr.rel @p1 .LBB2_4-.Ltmp1, $4  }
0x160: {  	[sflag:s6] =	ssyncset.done $0x0  }
0x161: {  	[sflag:s6] =	ssyncadd.s32 $0xFFFFE000  }
0x162: {  	_ =	swait.ge [sflag:s6], $0x2000  }
0x163: {  	s17 =	smov.u32 s18;
	[sflag:s6] =	ssyncset.done $0x0  }
0x164: {  	s13 =	sadd.s32 s16, s8;
	[sflag:s6] =	ssyncadd.s32 $0xFFFFE000  }
0x165: {  	[tilespmem:s4], [sflag:$0x3] =	stream.linear.gather [hbm4b:s13+s4], $0x800, $0x38;
	[tilespmem:$0x1D000] =	vst v63  }
0x166: {  	_ =	swait.ge [sflag:s21], $0x800  }
0x167: {  	[sflag:s21] =	ssyncset.done $0x0  }
0x168: {  	s18 =	sadd.s32 s16, s9;
	[sflag:s21] =	ssyncadd.s32 $0xFFFFF800  }
0x169: {  	[tilespmem:s22], [sflag:$0x3] =	stream.linear.gather [hbm4b:s18+s4], $0x800, $0x38;
	[tilespmem:$0x1D000] =	vst v63  }
0x16a: {  	_ =	swait.ge [sflag:s21], $0x800  }
0x16b: {  	[sflag:s21] =	ssyncset.done $0x0  }
0x16c: {  	[sflag:s21] =	ssyncadd.s32 $0xFFFFF800  }
0x16d: {  	[tilespmem:s20], [sflag:$0x1] =	stream.indirect.gather [spmem:s2], $0x40, s4, s25, $0xb8;
	[tilespmem:$0x1D000] =	vst v63  }
0x16e: {  	_ = 	snop  }
0x16f: {  	[tilespmem:s26], [sflag:$0x1] =	stream.indirect.gather [spmem:s2], $0x40, s25, s25, $0xb8;
	[tilespmem:$0x1D000] =	vst v63  }
0x170: {  	_ = 	snop  }
0x171: {  	[tilespmem:s29], [sflag:$0x1] =	stream.indirect.gather [spmem:s2], $0x40, s19, s25, $0xb8;
	[tilespmem:$0x1D000] =	vst v63  }
0x172: {  	_ =	swait.ge [sflag:s30], $0x2000  }
0x173: {  	[sflag:s30] =	ssyncset.done $0x0  }
0x174: {  	[sflag:s30] =	ssyncadd.s32 $0xFFFFE000  }
0x175: {  	[spmem:s3] =	stream.indirect.scatter.add.f32 [tilespmem:s20], [sflag:$0x2], $0x40, s22, s25, $0xb8;
	[tilespmem:$0x1D000] =	vst v63  }
0x176: {  	_ = 	snop  }
0x177: {  	[tilespmem:s0], [sflag:$0x1] =	stream.indirect.gather [spmem:s2], $0x40, s28, s25, $0xb8;
	[tilespmem:$0x1D000] =	vst v63  }
0x178: {  	_ =	swait.ge [sflag:s30], $0x2000  }
0x179: {  	[sflag:s30] =	ssyncset.done $0x0  }
0x17a: {  	[sflag:s30] =	ssyncadd.s32 $0xFFFFE000  }
0x17b: {  	[spmem:s3] =	stream.indirect.scatter.add.f32 [tilespmem:s26], [sflag:$0x2], $0x40, s31, s25, $0xb8;
	[tilespmem:$0x1D000] =	vst v63  }
0x17c: {  	_ =	swait.ge [sflag:s6], $0x2000  }
0x17d: {  	[sflag:s6] =	ssyncset.done $0x0  }
0x17e: {  	[sflag:s6] =	ssyncadd.s32 $0xFFFFE000  }
0x17f: {  	[tilespmem:s20], [sflag:$0x1] =	stream.indirect.gather [spmem:s2], $0x40, s5, s25, $0xb8;
	[tilespmem:$0x1D000] =	vst v63  }
0x180: {  	_ =	swait.ge [sflag:s30], $0x2000  }
0x181: {  	[sflag:s30] =	ssyncset.done $0x0  }
0x182: {  	[sflag:s30] =	ssyncadd.s32 $0xFFFFE000  }
0x183: {  	[spmem:s3] =	stream.indirect.scatter.add.f32 [tilespmem:s29], [sflag:$0x2], $0x40, s7, s25, $0xb8;
	[tilespmem:$0x1D000] =	vst v63  }
0x184: {  	_ =	swait.ge [sflag:s6], $0x2000  }
0x185: {  	[sflag:s6] =	ssyncset.done $0x0  }
0x186: {  	[sflag:s6] =	ssyncadd.s32 $0xFFFFE000  }
0x187: {  	[tilespmem:s26], [sflag:$0x1] =	stream.indirect.gather [spmem:s2], $0x40, s10, s25, $0xb8;
	[tilespmem:$0x1D000] =	vst v63  }
0x188: {  	_ =	swait.ge [sflag:s30], $0x2000  }
0x189: {  	[sflag:s30] =	ssyncset.done $0x0  }
0x18a: {  	[sflag:s30] =	ssyncadd.s32 $0xFFFFE000  }
0x18b: {  	[spmem:s3] =	stream.indirect.scatter.add.f32 [tilespmem:s0], [sflag:$0x2], $0x40, s11, s25, $0xb8;
	[tilespmem:$0x1D000] =	vst v63  }
0x18c: {  	_ =	swait.ge [sflag:s6], $0x2000  }
0x18d: {  	[sflag:s6] =	ssyncset.done $0x0  }
0x18e: {  	[sflag:s6] =	ssyncadd.s32 $0xFFFFE000  }
0x18f: {  	[tilespmem:s29], [sflag:$0x1] =	stream.indirect.gather [spmem:s2], $0x40, s12, s25, $0xb8;
	[tilespmem:$0x1D000] =	vst v63  }
0x190: {  	_ =	swait.ge [sflag:s30], $0x2000  }
0x191: {  	[sflag:s30] =	ssyncset.done $0x0  }
0x192: {  	[sflag:s30] =	ssyncadd.s32 $0xFFFFE000  }
0x193: {  	[spmem:s3] =	stream.indirect.scatter.add.f32 [tilespmem:s20], [sflag:$0x2], $0x40, s14, s25, $0xb8;
	[tilespmem:$0x1D000] =	vst v63  }
0x194: {  	_ =	swait.ge [sflag:s6], $0x2000  }
0x195: {  	[sflag:s6] =	ssyncset.done $0x0  }
0x196: {  	[sflag:s6] =	ssyncadd.s32 $0xFFFFE000  }
0x197: {  	[tilespmem:s0], [sflag:$0x1] =	stream.indirect.gather [spmem:s2], $0x40, s23, s25, $0xb8;
	[tilespmem:$0x1D000] =	vst v63  }
0x198: {  	_ =	swait.ge [sflag:s30], $0x2000  }
0x199: {  	[sflag:s30] =	ssyncset.done $0x0  }
0x19a: {  	[sflag:s30] =	ssyncadd.s32 $0xFFFFE000  }
0x19b: {  	[spmem:s3] =	stream.indirect.scatter.add.f32 [tilespmem:s26], [sflag:$0x2], $0x40, s24, s25, $0xb8;
	[tilespmem:$0x1D000] =	vst v63  }
0x19c: {  	_ =	swait.ge [sflag:s6], $0x2000  }
0x19d: {  	[sflag:s6] =	ssyncset.done $0x0  }
0x19e: {  	[sflag:s6] =	ssyncadd.s32 $0xFFFFE000  }
0x19f: {  	[tilespmem:s20], [sflag:$0x1] =	stream.indirect.gather [spmem:s2], $0x40, s1, s25, $0xb8;
	[tilespmem:$0x1D000] =	vst v63  }
0x1a0: {  	_ =	swait.ge [sflag:s30], $0x2000  }
0x1a1: {  	[sflag:s30] =	ssyncset.done $0x0  }
0x1a2: {  	[sflag:s30] =	ssyncadd.s32 $0xFFFFE000  }
0x1a3: {  	[spmem:s3] =	stream.indirect.scatter.add.f32 [tilespmem:s29], [sflag:$0x2], $0x40, s15, s25, $0xb8;
	[tilespmem:$0x1D000] =	vst v63  }
0x1a4: {  	_ =	swait.ge [sflag:s6], $0x2000  }
0x1a5: {  	[sflag:s6] =	ssyncset.done $0x0  }
0x1a6: {  	s14 =	simm.s32 $0x480;
	[sflag:s6] =	ssyncadd.s32 $0xFFFFE000  }
0x1a7: {  	[tilespmem:s26], [sflag:$0x1] =	stream.indirect.gather [spmem:s2], $0x40, s14, s25, $0xb8;
	[tilespmem:$0x1D000] =	vst v63  }
0x1a8: {  	_ =	swait.ge [sflag:s30], $0x2000  }
0x1a9: {  	[sflag:s30] =	ssyncset.done $0x0  }
0x1aa: {  	s15 =	simm.s32 $0xB80;
	[sflag:s30] =	ssyncadd.s32 $0xFFFFE000  }
0x1ab: {  	[spmem:s3] =	stream.indirect.scatter.add.f32 [tilespmem:s0], [sflag:$0x2], $0x40, s15, s25, $0xb8;
	[tilespmem:$0x1D000] =	vst v63  }
0x1ac: {  	_ =	swait.ge [sflag:s6], $0x2000  }
0x1ad: {  	[sflag:s6] =	ssyncset.done $0x0  }
0x1ae: {  	s16 =	simm.s32 $0x500;
	[sflag:s6] =	ssyncadd.s32 $0xFFFFE000  }
0x1af: {  	[tilespmem:s29], [sflag:$0x1] =	stream.indirect.gather [spmem:s2], $0x40, s16, s25, $0xb8;
	[tilespmem:$0x1D000] =	vst v63  }
0x1b0: {  	_ =	swait.ge [sflag:s30], $0x2000  }
0x1b1: {  	[sflag:s30] =	ssyncset.done $0x0  }
0x1b2: {  	s17 =	simm.s32 $0xC00;
	[sflag:s30] =	ssyncadd.s32 $0xFFFFE000  }
0x1b3: {  	[spmem:s3] =	stream.indirect.scatter.add.f32 [tilespmem:s20], [sflag:$0x2], $0x40, s17, s25, $0xb8;
	[tilespmem:$0x1D000] =	vst v63  }
0x1b4: {  	_ =	swait.ge [sflag:s6], $0x2000  }
0x1b5: {  	[sflag:s6] =	ssyncset.done $0x0  }
0x1b6: {  	s18 =	simm.s32 $0x580;
	[sflag:s6] =	ssyncadd.s32 $0xFFFFE000  }
0x1b7: {  	[tilespmem:s0], [sflag:$0x1] =	stream.indirect.gather [spmem:s2], $0x40, s18, s25, $0xb8;
	[tilespmem:$0x1D000] =	vst v63  }
0x1b8: {  	_ =	swait.ge [sflag:s30], $0x2000  }
0x1b9: {  	[sflag:s30] =	ssyncset.done $0x0  }
0x1ba: {  	s23 =	simm.s32 $0xC80;
	[sflag:s30] =	ssyncadd.s32 $0xFFFFE000  }
0x1bb: {  	[spmem:s3] =	stream.indirect.scatter.add.f32 [tilespmem:s26], [sflag:$0x2], $0x40, s23, s25, $0xb8;
	[tilespmem:$0x1D000] =	vst v63  }
0x1bc: {  	_ =	swait.ge [sflag:s6], $0x2000  }
0x1bd: {  	[sflag:s6] =	ssyncset.done $0x0  }
0x1be: {  	s24 =	simm.s32 $0x600;
	[sflag:s6] =	ssyncadd.s32 $0xFFFFE000  }
0x1bf: {  	[tilespmem:s20], [sflag:$0x1] =	stream.indirect.gather [spmem:s2], $0x40, s24, s25, $0xb8;
	[tilespmem:$0x1D000] =	vst v63  }
0x1c0: {  	_ =	swait.ge [sflag:s30], $0x2000  }
0x1c1: {  	[sflag:s30] =	ssyncset.done $0x0  }
0x1c2: {  	s5 =	simm.s32 $0xD00;
	[sflag:s30] =	ssyncadd.s32 $0xFFFFE000  }
0x1c3: {  	[spmem:s3] =	stream.indirect.scatter.add.f32 [tilespmem:s29], [sflag:$0x2], $0x40, s5, s25, $0xb8;
	[tilespmem:$0x1D000] =	vst v63  }
0x1c4: {  	_ =	swait.ge [sflag:s6], $0x2000  }
0x1c5: {  	[sflag:s6] =	ssyncset.done $0x0  }
0x1c6: {  	s7 =	simm.s32 $0x680;
	[sflag:s6] =	ssyncadd.s32 $0xFFFFE000  }
0x1c7: {  	[tilespmem:s26], [sflag:$0x1] =	stream.indirect.gather [spmem:s2], $0x40, s7, s25, $0xb8;
	[tilespmem:$0x1D000] =	vst v63  }
0x1c8: {  	_ =	swait.ge [sflag:s30], $0x2000  }
0x1c9: {  	[sflag:s30] =	ssyncset.done $0x0  }
0x1ca: {  	s10 =	simm.s32 $0xD80;
	[sflag:s30] =	ssyncadd.s32 $0xFFFFE000  }
0x1cb: {  	[spmem:s3] =	stream.indirect.scatter.add.f32 [tilespmem:s0], [sflag:$0x2], $0x40, s10, s25, $0xb8;
	[tilespmem:$0x1D000] =	vst v63  }
0x1cc: {  	_ =	swait.ge [sflag:s6], $0x2000  }
0x1cd: {  	[sflag:s6] =	ssyncset.done $0x0  }
0x1ce: {  	s11 =	simm.s32 $0x700;
	[sflag:s6] =	ssyncadd.s32 $0xFFFFE000  }
0x1cf: {  	[tilespmem:s29], [sflag:$0x1] =	stream.indirect.gather [spmem:s2], $0x40, s11, s25, $0xb8;
	[tilespmem:$0x1D000] =	vst v63  }
0x1d0: {  	_ =	swait.ge [sflag:s30], $0x2000  }
0x1d1: {  	[sflag:s30] =	ssyncset.done $0x0  }
0x1d2: {  	s12 =	simm.s32 $0xE00;
	[sflag:s30] =	ssyncadd.s32 $0xFFFFE000  }
0x1d3: {  	[spmem:s3] =	stream.indirect.scatter.add.f32 [tilespmem:s20], [sflag:$0x2], $0x40, s12, s25, $0xb8;
	[tilespmem:$0x1D000] =	vst v63  }
0x1d4: {  	_ =	swait.ge [sflag:s6], $0x2000  }
0x1d5: {  	[sflag:s6] =	ssyncset.done $0x0  }
0x1d6: {  	s13 =	simm.s32 $0x780;
	[sflag:s6] =	ssyncadd.s32 $0xFFFFE000  }
0x1d7: {  	[tilespmem:s0], [sflag:$0x1] =	stream.indirect.gather [spmem:s2], $0x40, s13, s25, $0xb8;
	[tilespmem:$0x1D000] =	vst v63  }
0x1d8: {  	_ =	swait.ge [sflag:s30], $0x2000  }
0x1d9: {  	[sflag:s30] =	ssyncset.done $0x0  }
0x1da: {  	s14 =	simm.s32 $0xE80;
	[sflag:s30] =	ssyncadd.s32 $0xFFFFE000  }
0x1db: {  	[spmem:s3] =	stream.indirect.scatter.add.f32 [tilespmem:s26], [sflag:$0x2], $0x40, s14, s25, $0xb8;
	[tilespmem:$0x1D000] =	vst v63  }
0x1dc: {  	_ =	swait.ge [sflag:s6], $0x2000  }
0x1dd: {  	[sflag:s6] =	ssyncset.done $0x0  }
0x1de: {  	[sflag:s6] =	ssyncadd.s32 $0xFFFFE000  }
0x1df: {  	_ =	swait.ge [sflag:s30], $0x2000  }
0x1e0: {  	[sflag:s30] =	ssyncset.done $0x0  }
0x1e1: {  	s15 =	simm.s32 $0xF00;
	[sflag:s30] =	ssyncadd.s32 $0xFFFFE000  }
0x1e2: {  	[spmem:s3] =	stream.indirect.scatter.add.f32 [tilespmem:s29], [sflag:$0x2], $0x40, s15, s25, $0xb8;
	[tilespmem:$0x1D000] =	vst v63  }
0x1e3: {  	_ =	swait.ge [sflag:s6], $0x2000  }
0x1e4: {  	[sflag:s6] =	ssyncset.done $0x0  }
0x1e5: {  	[sflag:s6] =	ssyncadd.s32 $0xFFFFE000  }
0x1e6: {  	_ =	swait.ge [sflag:s30], $0x2000  }
0x1e7: {  	[sflag:s30] =	ssyncset.done $0x0  }
0x1e8: {  	s16 =	simm.s32 $0xF80;
	[sflag:s30] =	ssyncadd.s32 $0xFFFFE000  }
0x1e9: {  	[spmem:s3] =	stream.indirect.scatter.add.f32 [tilespmem:s0], [sflag:$0x2], $0x40, s16, s25, $0xb8;
	[tilespmem:$0x1D000] =	vst v63  }
0x1ea: {  	_ =	swait.ge [sflag:s6], $0x2000  }
0x1eb: {  	[sflag:s6] =	ssyncset.done $0x0  }
0x1ec: {  	[sflag:s6] =	ssyncadd.s32 $0xFFFFE000  }
0x1ed: {  	_ =	swait.ge [sflag:s6], $0x2000  }
0x1ee: {  	[sflag:s6] =	ssyncset.done $0x0  }
0x1ef: {  	[sflag:s6] =	ssyncadd.s32 $0xFFFFE000  }
0x1f0: {  	[bflag:$0x0] =	sbarrier.arrive $0xFFFF  }
0x1f1: {  	s17 =	stileid.u32;
	s18 =	rddreg [dreg:$0xb]  }
0x1f2: {  	s13 =	sshll.u32 s17, $0x6;
	s24 =	rddreg [dreg:$0x15];
	s23 =	sshrl.u32 s18, $0x3  }
0x1f3: {  	s1 =	sor.u32 $0x1C03, s13;
	[dreg:$0x19] =	wrdreg s23  }
0x1f4: {  	[hbm:s24], [sflag:s1] =	dma.local [spmem:s23], $0x1400  }
0x1f5: {  	_ =	swait.ge [sflag:s21], $0x1400  }
0x1f6: {  	[sflag:s21] =	ssyncset.done $0x0  }
0x1f7: {  	[sflag:s21] =	ssyncadd.s32 $0xFFFFEC00  }
0x1f8: {  	[bflag:$0x0] =	sbarrier.arrive $0xFFFF  }
0x1f9: {  	s13 =	rddreg [dreg:$0xd]  }
0x1fa: {  	s28 =	simm.s32 $0x880;
	s31 =	simm.s32 $0x480;
	s16 =	rddreg [dreg:$0x14]  }
0x1fb: {  	[spmem:s16], [sflag:s1] =	dma.local @p0 [hbm:s13], $0xC80  }
0x1fc: {  	s7 =	simm.s32 $0x900;
	s10 =	simm.s32 $0x280;
	s13 =	simm.s32 @p0 $0x3  }
0x1fd: {  	s11 =	simm.s32 $0x980;
	_ =	swait.ge @p0 [sflag:s13], $0xC80;
	[dreg:$0x18] =	wrdreg s1  }
0x1fe: {  	s12 =	simm.s32 $0x300;
	[sflag:s13] =	ssyncset.done @p0 $0x0;
	s5 =	rddreg [dreg:$0x1a]  }
0x1ff: {  	s17 =	simm.s32 $0x100;
	[sflag:s13] =	ssyncadd.s32 @p0 $0xFFFFF380;
	s13 =	rddreg [dreg:$0xc]  }
0x200: {  	[spmem:s5], [sflag:s1] =	dma.local @!p0 [hbm:s13], $0x1400  }
0x201: {  	s14 =	simm.s32 $0xA00;
	s15 =	simm.s32 $0xB00;
	s13 =	simm.s32 @!p0 $0x3  }
0x202: {  	s18 =	simm.s32 $0x180;
	s23 =	simm.s32 $0x380;
	_ =	swait.ge @!p0 [sflag:s13], $0x1400  }
0x203: {  	s24 =	simm.s32 $0xA80;
	s16 =	simm.s32 $0x0;
	[sflag:s13] =	ssyncset.done @!p0 $0x0  }
0x204: {  	s5 =	simm.s32 $0x200;
	s1 =	simm.s32 $0x400;
	[sflag:s13] =	ssyncadd.s32 @!p0 $0xFFFFEC00  }
.LBB2_6:
0x205: {  	p1 =	sne.s32 s17, $0x7F00;
	[tilespmem:s16+$0x1030] =	vst v0;
	s13 =	smov.u32 s17;
	s17 =	sadd.s32 $0x100, s17  }
.Ltmp2:
0x206: {  	[tilespmem:s16+$0x1020] =	vst v0;
	(pc) =	sbr.rel @p1 .LBB2_6-.Ltmp2, $3  }
0x207: {  	[tilespmem:s16+$0x1000] =	vst v0  }
0x208: {  	[tilespmem:s16+$0x1010] =	vst v0;
	_ =	sdelay $0x1  }
0x209: {  	s16 =	sshra.s32 s13, $0x2  }
0x20a: {  	[tilespmem:s16+$0x1030] =	vst v0  }
0x20b: {  	[tilespmem:s16+$0x1020] =	vst v0  }
0x20c: {  	[tilespmem:s16+$0x1000] =	vst v0  }
0x20d: {  	[tilespmem:s16+$0x1010] =	vst v0;
	s13 =	rddreg [dreg:$0xe]  }
0x20e: {  	[spmem:s13] =	stream.linear.scatter [tilespmem:s20], [sflag:$0x3], $0x2000, $0x38;
	[tilespmem:$0x1D000] =	vst v63  }
0x20f: {  	_ =	swait.ge [sflag:s21], $0x2000  }
0x210: {  	[sflag:s21] =	ssyncset.done $0x0  }
0x211: {  	s16 =	rddreg [dreg:$0x10];
	[sflag:s21] =	ssyncadd.s32 $0xFFFFE000  }
0x212: {  	[spmem:s16] =	stream.linear.scatter [tilespmem:s20], [sflag:$0x3], $0x2000, $0x38;
	[tilespmem:$0x1D000] =	vst v63  }
0x213: {  	_ =	swait.ge [sflag:s21], $0x2000  }
0x214: {  	[sflag:s21] =	ssyncset.done $0x0  }
0x215: {  	s17 =	rddreg [dreg:$0x11];
	[sflag:s21] =	ssyncadd.s32 $0xFFFFE000  }
0x216: {  	[spmem:s17] =	stream.linear.scatter [tilespmem:s20], [sflag:$0x3], $0x2000, $0x38;
	[tilespmem:$0x1D000] =	vst v63  }
0x217: {  	_ =	swait.ge [sflag:s21], $0x2000  }
0x218: {  	[sflag:s21] =	ssyncset.done $0x0  }
0x219: {  	s16 =	rddreg [dreg:$0x12];
	[sflag:s21] =	ssyncadd.s32 $0xFFFFE000  }
0x21a: {  	[spmem:s16] =	stream.linear.scatter [tilespmem:s20], [sflag:$0x3], $0x2000, $0x38;
	[tilespmem:$0x1D000] =	vst v63  }
0x21b: {  	_ =	swait.ge [sflag:s21], $0x2000  }
0x21c: {  	[sflag:s21] =	ssyncset.done $0x0  }
0x21d: {  	s17 =	rddreg [dreg:$0x13];
	[sflag:s21] =	ssyncadd.s32 $0xFFFFE000  }
0x21e: {  	[spmem:s17] =	stream.linear.scatter [tilespmem:s20], [sflag:$0x3], $0x2000, $0x38;
	[tilespmem:$0x1D000] =	vst v63  }
0x21f: {  	_ =	swait.ge [sflag:s21], $0x2000  }
0x220: {  	[sflag:s21] =	ssyncset.done $0x0  }
0x221: {  	[sflag:s21] =	ssyncadd.s32 $0xFFFFE000  }
0x222: {  	s16 =	sadd.s32 $0x0, s8;
	[bflag:$0x0] =	sbarrier.arrive $0xFFFF  }
0x223: {  	[tilespmem:s4], [sflag:$0x3] =	stream.linear.gather [hbm4b:s16+s4], $0x800, $0x38;
	[tilespmem:$0x1D000] =	vst v63  }
0x224: {  	_ =	swait.ge [sflag:s21], $0x800  }
0x225: {  	[sflag:s21] =	ssyncset.done $0x0  }
0x226: {  	s17 =	sadd.s32 $0x0, s9;
	[sflag:s21] =	ssyncadd.s32 $0xFFFFF800  }
0x227: {  	[tilespmem:s22], [sflag:$0x3] =	stream.linear.gather [hbm4b:s17+s4], $0x800, $0x38;
	[tilespmem:$0x1D000] =	vst v63  }
0x228: {  	_ =	swait.ge [sflag:s21], $0x800  }
0x229: {  	[sflag:s21] =	ssyncset.done $0x0  }
0x22a: {  	[sflag:s21] =	ssyncadd.s32 $0xFFFFF800  }
0x22b: {  	[tilespmem:s20], [sflag:$0x1] =	stream.indirect.gather [spmem:s2], $0x40, s4, s25, $0xb8;
	[tilespmem:$0x1D000] =	vst v63  }
0x22c: {  	_ = 	snop  }
0x22d: {  	[tilespmem:s26], [sflag:$0x1] =	stream.indirect.gather [spmem:s2], $0x40, s25, s25, $0xb8;
	[tilespmem:$0x1D000] =	vst v63  }
0x22e: {  	_ = 	snop  }
0x22f: {  	[tilespmem:s29], [sflag:$0x1] =	stream.indirect.gather [spmem:s2], $0x40, s19, s25, $0xb8;
	[tilespmem:$0x1D000] =	vst v63  }
0x230: {  	_ =	swait.ge [sflag:s30], $0x2000  }
0x231: {  	[sflag:s30] =	ssyncset.done $0x0  }
0x232: {  	[sflag:s30] =	ssyncadd.s32 $0xFFFFE000  }
0x233: {  	[spmem:s3] =	stream.indirect.scatter.add.f32 [tilespmem:s20], [sflag:$0x2], $0x40, s22, s25, $0xb8;
	[tilespmem:$0x1D000] =	vst v63  }
0x234: {  	_ = 	snop  }
0x235: {  	[tilespmem:s0], [sflag:$0x1] =	stream.indirect.gather [spmem:s2], $0x40, s18, s25, $0xb8;
	[tilespmem:$0x1D000] =	vst v63  }
0x236: {  	_ =	swait.ge [sflag:s30], $0x2000  }
0x237: {  	[sflag:s30] =	ssyncset.done $0x0  }
0x238: {  	[sflag:s30] =	ssyncadd.s32 $0xFFFFE000  }
0x239: {  	[spmem:s3] =	stream.indirect.scatter.add.f32 [tilespmem:s26], [sflag:$0x2], $0x40, s28, s25, $0xb8;
	[tilespmem:$0x1D000] =	vst v63  }
0x23a: {  	_ =	swait.ge [sflag:s6], $0x2000  }
0x23b: {  	[sflag:s6] =	ssyncset.done $0x0  }
0x23c: {  	[sflag:s6] =	ssyncadd.s32 $0xFFFFE000  }
0x23d: {  	[tilespmem:s20], [sflag:$0x1] =	stream.indirect.gather [spmem:s2], $0x40, s5, s25, $0xb8;
	[tilespmem:$0x1D000] =	vst v63  }
0x23e: {  	_ =	swait.ge [sflag:s30], $0x2000  }
0x23f: {  	[sflag:s30] =	ssyncset.done $0x0  }
0x240: {  	[sflag:s30] =	ssyncadd.s32 $0xFFFFE000  }
0x241: {  	[spmem:s3] =	stream.indirect.scatter.add.f32 [tilespmem:s29], [sflag:$0x2], $0x40, s7, s25, $0xb8;
	[tilespmem:$0x1D000] =	vst v63  }
0x242: {  	_ =	swait.ge [sflag:s6], $0x2000  }
0x243: {  	[sflag:s6] =	ssyncset.done $0x0  }
0x244: {  	[sflag:s6] =	ssyncadd.s32 $0xFFFFE000  }
0x245: {  	[tilespmem:s26], [sflag:$0x1] =	stream.indirect.gather [spmem:s2], $0x40, s10, s25, $0xb8;
	[tilespmem:$0x1D000] =	vst v63  }
0x246: {  	_ =	swait.ge [sflag:s30], $0x2000  }
0x247: {  	[sflag:s30] =	ssyncset.done $0x0  }
0x248: {  	[sflag:s30] =	ssyncadd.s32 $0xFFFFE000  }
0x249: {  	[spmem:s3] =	stream.indirect.scatter.add.f32 [tilespmem:s0], [sflag:$0x2], $0x40, s11, s25, $0xb8;
	[tilespmem:$0x1D000] =	vst v63  }
0x24a: {  	_ =	swait.ge [sflag:s6], $0x2000  }
0x24b: {  	[sflag:s6] =	ssyncset.done $0x0  }
0x24c: {  	[sflag:s6] =	ssyncadd.s32 $0xFFFFE000  }
0x24d: {  	[tilespmem:s29], [sflag:$0x1] =	stream.indirect.gather [spmem:s2], $0x40, s12, s25, $0xb8;
	[tilespmem:$0x1D000] =	vst v63  }
0x24e: {  	_ =	swait.ge [sflag:s30], $0x2000  }
0x24f: {  	[sflag:s30] =	ssyncset.done $0x0  }
0x250: {  	[sflag:s30] =	ssyncadd.s32 $0xFFFFE000  }
0x251: {  	[spmem:s3] =	stream.indirect.scatter.add.f32 [tilespmem:s20], [sflag:$0x2], $0x40, s14, s25, $0xb8;
	[tilespmem:$0x1D000] =	vst v63  }
0x252: {  	_ =	swait.ge [sflag:s6], $0x2000  }
0x253: {  	[sflag:s6] =	ssyncset.done $0x0  }
0x254: {  	[sflag:s6] =	ssyncadd.s32 $0xFFFFE000  }
0x255: {  	[tilespmem:s0], [sflag:$0x1] =	stream.indirect.gather [spmem:s2], $0x40, s23, s25, $0xb8;
	[tilespmem:$0x1D000] =	vst v63  }
0x256: {  	_ =	swait.ge [sflag:s30], $0x2000  }
0x257: {  	[sflag:s30] =	ssyncset.done $0x0  }
0x258: {  	[sflag:s30] =	ssyncadd.s32 $0xFFFFE000  }
0x259: {  	[spmem:s3] =	stream.indirect.scatter.add.f32 [tilespmem:s26], [sflag:$0x2], $0x40, s24, s25, $0xb8;
	[tilespmem:$0x1D000] =	vst v63  }
0x25a: {  	_ =	swait.ge [sflag:s6], $0x2000  }
0x25b: {  	[sflag:s6] =	ssyncset.done $0x0  }
0x25c: {  	[sflag:s6] =	ssyncadd.s32 $0xFFFFE000  }
0x25d: {  	[tilespmem:s20], [sflag:$0x1] =	stream.indirect.gather [spmem:s2], $0x40, s1, s25, $0xb8;
	[tilespmem:$0x1D000] =	vst v63  }
0x25e: {  	_ =	swait.ge [sflag:s30], $0x2000  }
0x25f: {  	[sflag:s30] =	ssyncset.done $0x0  }
0x260: {  	[sflag:s30] =	ssyncadd.s32 $0xFFFFE000  }
0x261: {  	[spmem:s3] =	stream.indirect.scatter.add.f32 [tilespmem:s29], [sflag:$0x2], $0x40, s15, s25, $0xb8;
	[tilespmem:$0x1D000] =	vst v63  }
0x262: {  	_ =	swait.ge [sflag:s6], $0x2000  }
0x263: {  	[sflag:s6] =	ssyncset.done $0x0  }
0x264: {  	[sflag:s6] =	ssyncadd.s32 $0xFFFFE000  }
0x265: {  	[tilespmem:s26], [sflag:$0x1] =	stream.indirect.gather [spmem:s2], $0x40, s31, s25, $0xb8;
	[tilespmem:$0x1D000] =	vst v63  }
0x266: {  	_ =	swait.ge [sflag:s30], $0x2000  }
0x267: {  	[sflag:s30] =	ssyncset.done $0x0  }
0x268: {  	s24 =	simm.s32 $0xB80;
	[sflag:s30] =	ssyncadd.s32 $0xFFFFE000  }
0x269: {  	[spmem:s3] =	stream.indirect.scatter.add.f32 [tilespmem:s0], [sflag:$0x2], $0x40, s24, s25, $0xb8;
	[tilespmem:$0x1D000] =	vst v63  }
0x26a: {  	_ =	swait.ge [sflag:s6], $0x2000  }
0x26b: {  	[sflag:s6] =	ssyncset.done $0x0  }
0x26c: {  	s5 =	simm.s32 $0x500;
	[sflag:s6] =	ssyncadd.s32 $0xFFFFE000  }
0x26d: {  	[tilespmem:s29], [sflag:$0x1] =	stream.indirect.gather [spmem:s2], $0x40, s5, s25, $0xb8;
	[tilespmem:$0x1D000] =	vst v63  }
0x26e: {  	_ =	swait.ge [sflag:s30], $0x2000  }
0x26f: {  	[sflag:s30] =	ssyncset.done $0x0  }
0x270: {  	s7 =	simm.s32 $0xC00;
	[sflag:s30] =	ssyncadd.s32 $0xFFFFE000  }
0x271: {  	[spmem:s3] =	stream.indirect.scatter.add.f32 [tilespmem:s20], [sflag:$0x2], $0x40, s7, s25, $0xb8;
	[tilespmem:$0x1D000] =	vst v63  }
0x272: {  	_ =	swait.ge [sflag:s6], $0x2000  }
0x273: {  	[sflag:s6] =	ssyncset.done $0x0  }
0x274: {  	s10 =	simm.s32 $0x580;
	[sflag:s6] =	ssyncadd.s32 $0xFFFFE000  }
0x275: {  	[tilespmem:s0], [sflag:$0x1] =	stream.indirect.gather [spmem:s2], $0x40, s10, s25, $0xb8;
	[tilespmem:$0x1D000] =	vst v63  }
0x276: {  	_ =	swait.ge [sflag:s30], $0x2000  }
0x277: {  	[sflag:s30] =	ssyncset.done $0x0  }
0x278: {  	s11 =	simm.s32 $0xC80;
	[sflag:s30] =	ssyncadd.s32 $0xFFFFE000  }
0x279: {  	[spmem:s3] =	stream.indirect.scatter.add.f32 [tilespmem:s26], [sflag:$0x2], $0x40, s11, s25, $0xb8;
	[tilespmem:$0x1D000] =	vst v63  }
0x27a: {  	_ =	swait.ge [sflag:s6], $0x2000  }
0x27b: {  	[sflag:s6] =	ssyncset.done $0x0  }
0x27c: {  	s12 =	simm.s32 $0x600;
	[sflag:s6] =	ssyncadd.s32 $0xFFFFE000  }
0x27d: {  	[tilespmem:s20], [sflag:$0x1] =	stream.indirect.gather [spmem:s2], $0x40, s12, s25, $0xb8;
	[tilespmem:$0x1D000] =	vst v63  }
0x27e: {  	_ =	swait.ge [sflag:s30], $0x2000  }
0x27f: {  	[sflag:s30] =	ssyncset.done $0x0  }
0x280: {  	s13 =	simm.s32 $0xD00;
	[sflag:s30] =	ssyncadd.s32 $0xFFFFE000  }
0x281: {  	[spmem:s3] =	stream.indirect.scatter.add.f32 [tilespmem:s29], [sflag:$0x2], $0x40, s13, s25, $0xb8;
	[tilespmem:$0x1D000] =	vst v63  }
0x282: {  	_ =	swait.ge [sflag:s6], $0x2000  }
0x283: {  	[sflag:s6] =	ssyncset.done $0x0  }
0x284: {  	s14 =	simm.s32 $0x680;
	[sflag:s6] =	ssyncadd.s32 $0xFFFFE000  }
0x285: {  	[tilespmem:s26], [sflag:$0x1] =	stream.indirect.gather [spmem:s2], $0x40, s14, s25, $0xb8;
	[tilespmem:$0x1D000] =	vst v63  }
0x286: {  	_ =	swait.ge [sflag:s30], $0x2000  }
0x287: {  	[sflag:s30] =	ssyncset.done $0x0  }
0x288: {  	s15 =	simm.s32 $0xD80;
	[sflag:s30] =	ssyncadd.s32 $0xFFFFE000  }
0x289: {  	[spmem:s3] =	stream.indirect.scatter.add.f32 [tilespmem:s0], [sflag:$0x2], $0x40, s15, s25, $0xb8;
	[tilespmem:$0x1D000] =	vst v63  }
0x28a: {  	_ =	swait.ge [sflag:s6], $0x2000  }
0x28b: {  	[sflag:s6] =	ssyncset.done $0x0  }
0x28c: {  	s16 =	simm.s32 $0x700;
	[sflag:s6] =	ssyncadd.s32 $0xFFFFE000  }
0x28d: {  	[tilespmem:s29], [sflag:$0x1] =	stream.indirect.gather [spmem:s2], $0x40, s16, s25, $0xb8;
	[tilespmem:$0x1D000] =	vst v63  }
0x28e: {  	_ =	swait.ge [sflag:s30], $0x2000  }
0x28f: {  	[sflag:s30] =	ssyncset.done $0x0  }
0x290: {  	s17 =	simm.s32 $0xE00;
	[sflag:s30] =	ssyncadd.s32 $0xFFFFE000  }
0x291: {  	[spmem:s3] =	stream.indirect.scatter.add.f32 [tilespmem:s20], [sflag:$0x2], $0x40, s17, s25, $0xb8;
	[tilespmem:$0x1D000] =	vst v63  }
0x292: {  	_ =	swait.ge [sflag:s6], $0x2000  }
0x293: {  	[sflag:s6] =	ssyncset.done $0x0  }
0x294: {  	s18 =	simm.s32 $0x780;
	[sflag:s6] =	ssyncadd.s32 $0xFFFFE000  }
0x295: {  	[tilespmem:s0], [sflag:$0x1] =	stream.indirect.gather [spmem:s2], $0x40, s18, s25, $0xb8;
	[tilespmem:$0x1D000] =	vst v63  }
0x296: {  	_ =	swait.ge [sflag:s30], $0x2000  }
0x297: {  	[sflag:s30] =	ssyncset.done $0x0  }
0x298: {  	s19 =	simm.s32 $0xE80;
	[sflag:s30] =	ssyncadd.s32 $0xFFFFE000  }
0x299: {  	[spmem:s3] =	stream.indirect.scatter.add.f32 [tilespmem:s26], [sflag:$0x2], $0x40, s19, s25, $0xb8;
	[tilespmem:$0x1D000] =	vst v63  }
0x29a: {  	_ =	swait.ge [sflag:s6], $0x2000  }
0x29b: {  	[sflag:s6] =	ssyncset.done $0x0  }
0x29c: {  	[sflag:s6] =	ssyncadd.s32 $0xFFFFE000  }
0x29d: {  	_ =	swait.ge [sflag:s30], $0x2000  }
0x29e: {  	[sflag:s30] =	ssyncset.done $0x0  }
0x29f: {  	s23 =	simm.s32 $0xF00;
	[sflag:s30] =	ssyncadd.s32 $0xFFFFE000  }
0x2a0: {  	[spmem:s3] =	stream.indirect.scatter.add.f32 [tilespmem:s29], [sflag:$0x2], $0x40, s23, s25, $0xb8;
	[tilespmem:$0x1D000] =	vst v63  }
0x2a1: {  	_ =	swait.ge [sflag:s6], $0x2000  }
0x2a2: {  	[sflag:s6] =	ssyncset.done $0x0  }
0x2a3: {  	[sflag:s6] =	ssyncadd.s32 $0xFFFFE000  }
0x2a4: {  	s28 =	simm.s32 $0x180;
	_ =	swait.ge [sflag:s30], $0x2000  }
0x2a5: {  	s1 =	simm.s32 $0x400;
	s31 =	simm.s32 $0x880;
	[sflag:s30] =	ssyncset.done $0x0  }
0x2a6: {  	s24 =	simm.s32 $0xF80;
	s5 =	simm.s32 $0x200;
	[sflag:s30] =	ssyncadd.s32 $0xFFFFE000  }
0x2a7: {  	[spmem:s3] =	stream.indirect.scatter.add.f32 [tilespmem:s0], [sflag:$0x2], $0x40, s24, s25, $0xb8;
	[tilespmem:$0x1D000] =	vst v63  }
0x2a8: {  	s7 =	simm.s32 $0x900;
	s10 =	simm.s32 $0x280;
	_ =	swait.ge [sflag:s6], $0x2000  }
0x2a9: {  	s11 =	simm.s32 $0x980;
	s12 =	simm.s32 $0x300;
	[sflag:s6] =	ssyncset.done $0x0  }
0x2aa: {  	s14 =	simm.s32 $0xA00;
	s15 =	simm.s32 $0xB00;
	[sflag:s6] =	ssyncadd.s32 $0xFFFFE000  }
0x2ab: {  	s16 =	simm.s32 $0x100;
	s18 =	simm.s32 $0x200;
	_ =	swait.ge [sflag:s6], $0x2000  }
0x2ac: {  	s23 =	simm.s32 $0x380;
	s24 =	simm.s32 $0xA80;
	[sflag:s6] =	ssyncset.done $0x0  }
.LBB2_8:
0x2ad: {  	s13 =	sadd.s32 s16, s8  }
0x2ae: {  	[sflag:s6] =	ssyncadd.s32 $0xFFFFE000;
	s19 =	smov.u32 s18;
	s17 =	sadd.s32 $0x100, s18  }
0x2af: {  	[tilespmem:s4], [sflag:$0x3] =	stream.linear.gather [hbm4b:s13+s4], $0x800, $0x38;
	[tilespmem:$0x1D000] =	vst v63  }
0x2b0: {  	p1 =	sne.s32 s18, $0x400;
	_ =	swait.ge [sflag:s21], $0x800  }
0x2b1: {  	s13 =	sadd.s32 s16, s9;
	[sflag:s21] =	ssyncset.done $0x0  }
0x2b2: {  	s16 =	smov.u32 s19;
	s19 =	simm.s32 $0x100;
	[sflag:s21] =	ssyncadd.s32 $0xFFFFF800  }
0x2b3: {  	[tilespmem:s22], [sflag:$0x3] =	stream.linear.gather [hbm4b:s13+s4], $0x800, $0x38;
	[tilespmem:$0x1D000] =	vst v63  }
0x2b4: {  	_ =	swait.ge [sflag:s21], $0x800  }
0x2b5: {  	[sflag:s21] =	ssyncset.done $0x0  }
0x2b6: {  	[sflag:s21] =	ssyncadd.s32 $0xFFFFF800  }
0x2b7: {  	[tilespmem:s20], [sflag:$0x1] =	stream.indirect.gather [spmem:s2], $0x40, s4, s25, $0xb8;
	[tilespmem:$0x1D000] =	vst v63  }
0x2b8: {  	_ = 	snop  }
0x2b9: {  	[tilespmem:s26], [sflag:$0x1] =	stream.indirect.gather [spmem:s2], $0x40, s25, s25, $0xb8;
	[tilespmem:$0x1D000] =	vst v63  }
0x2ba: {  	_ = 	snop  }
0x2bb: {  	[tilespmem:s29], [sflag:$0x1] =	stream.indirect.gather [spmem:s2], $0x40, s19, s25, $0xb8;
	[tilespmem:$0x1D000] =	vst v63  }
0x2bc: {  	_ =	swait.ge [sflag:s30], $0x2000  }
0x2bd: {  	[sflag:s30] =	ssyncset.done $0x0  }
0x2be: {  	[sflag:s30] =	ssyncadd.s32 $0xFFFFE000  }
0x2bf: {  	[spmem:s3] =	stream.indirect.scatter.add.f32 [tilespmem:s20], [sflag:$0x2], $0x40, s22, s25, $0xb8;
	[tilespmem:$0x1D000] =	vst v63  }
0x2c0: {  	_ = 	snop  }
0x2c1: {  	[tilespmem:s0], [sflag:$0x1] =	stream.indirect.gather [spmem:s2], $0x40, s28, s25, $0xb8;
	[tilespmem:$0x1D000] =	vst v63  }
0x2c2: {  	_ =	swait.ge [sflag:s30], $0x2000  }
0x2c3: {  	[sflag:s30] =	ssyncset.done $0x0  }
0x2c4: {  	[sflag:s30] =	ssyncadd.s32 $0xFFFFE000  }
0x2c5: {  	[spmem:s3] =	stream.indirect.scatter.add.f32 [tilespmem:s26], [sflag:$0x2], $0x40, s31, s25, $0xb8;
	[tilespmem:$0x1D000] =	vst v63  }
0x2c6: {  	_ =	swait.ge [sflag:s6], $0x2000  }
0x2c7: {  	[sflag:s6] =	ssyncset.done $0x0  }
0x2c8: {  	[sflag:s6] =	ssyncadd.s32 $0xFFFFE000  }
0x2c9: {  	[tilespmem:s20], [sflag:$0x1] =	stream.indirect.gather [spmem:s2], $0x40, s5, s25, $0xb8;
	[tilespmem:$0x1D000] =	vst v63  }
0x2ca: {  	_ =	swait.ge [sflag:s30], $0x2000  }
0x2cb: {  	[sflag:s30] =	ssyncset.done $0x0  }
0x2cc: {  	[sflag:s30] =	ssyncadd.s32 $0xFFFFE000  }
0x2cd: {  	[spmem:s3] =	stream.indirect.scatter.add.f32 [tilespmem:s29], [sflag:$0x2], $0x40, s7, s25, $0xb8;
	[tilespmem:$0x1D000] =	vst v63  }
0x2ce: {  	_ =	swait.ge [sflag:s6], $0x2000  }
0x2cf: {  	[sflag:s6] =	ssyncset.done $0x0  }
0x2d0: {  	[sflag:s6] =	ssyncadd.s32 $0xFFFFE000  }
0x2d1: {  	[tilespmem:s26], [sflag:$0x1] =	stream.indirect.gather [spmem:s2], $0x40, s10, s25, $0xb8;
	[tilespmem:$0x1D000] =	vst v63  }
0x2d2: {  	_ =	swait.ge [sflag:s30], $0x2000  }
0x2d3: {  	[sflag:s30] =	ssyncset.done $0x0  }
0x2d4: {  	[sflag:s30] =	ssyncadd.s32 $0xFFFFE000  }
0x2d5: {  	[spmem:s3] =	stream.indirect.scatter.add.f32 [tilespmem:s0], [sflag:$0x2], $0x40, s11, s25, $0xb8;
	[tilespmem:$0x1D000] =	vst v63  }
0x2d6: {  	_ =	swait.ge [sflag:s6], $0x2000  }
0x2d7: {  	[sflag:s6] =	ssyncset.done $0x0  }
0x2d8: {  	[sflag:s6] =	ssyncadd.s32 $0xFFFFE000  }
0x2d9: {  	[tilespmem:s29], [sflag:$0x1] =	stream.indirect.gather [spmem:s2], $0x40, s12, s25, $0xb8;
	[tilespmem:$0x1D000] =	vst v63  }
0x2da: {  	_ =	swait.ge [sflag:s30], $0x2000  }
0x2db: {  	[sflag:s30] =	ssyncset.done $0x0  }
0x2dc: {  	[sflag:s30] =	ssyncadd.s32 $0xFFFFE000  }
0x2dd: {  	[spmem:s3] =	stream.indirect.scatter.add.f32 [tilespmem:s20], [sflag:$0x2], $0x40, s14, s25, $0xb8;
	[tilespmem:$0x1D000] =	vst v63  }
0x2de: {  	_ =	swait.ge [sflag:s6], $0x2000  }
0x2df: {  	[sflag:s6] =	ssyncset.done $0x0  }
0x2e0: {  	[sflag:s6] =	ssyncadd.s32 $0xFFFFE000  }
0x2e1: {  	[tilespmem:s0], [sflag:$0x1] =	stream.indirect.gather [spmem:s2], $0x40, s23, s25, $0xb8;
	[tilespmem:$0x1D000] =	vst v63  }
0x2e2: {  	_ =	swait.ge [sflag:s30], $0x2000  }
0x2e3: {  	[sflag:s30] =	ssyncset.done $0x0  }
0x2e4: {  	[sflag:s30] =	ssyncadd.s32 $0xFFFFE000  }
0x2e5: {  	[spmem:s3] =	stream.indirect.scatter.add.f32 [tilespmem:s26], [sflag:$0x2], $0x40, s24, s25, $0xb8;
	[tilespmem:$0x1D000] =	vst v63  }
0x2e6: {  	_ =	swait.ge [sflag:s6], $0x2000  }
0x2e7: {  	[sflag:s6] =	ssyncset.done $0x0  }
0x2e8: {  	[sflag:s6] =	ssyncadd.s32 $0xFFFFE000  }
0x2e9: {  	[tilespmem:s20], [sflag:$0x1] =	stream.indirect.gather [spmem:s2], $0x40, s1, s25, $0xb8;
	[tilespmem:$0x1D000] =	vst v63  }
0x2ea: {  	_ =	swait.ge [sflag:s30], $0x2000  }
0x2eb: {  	[sflag:s30] =	ssyncset.done $0x0  }
0x2ec: {  	[sflag:s30] =	ssyncadd.s32 $0xFFFFE000  }
0x2ed: {  	[spmem:s3] =	stream.indirect.scatter.add.f32 [tilespmem:s29], [sflag:$0x2], $0x40, s15, s25, $0xb8;
	[tilespmem:$0x1D000] =	vst v63  }
0x2ee: {  	_ =	swait.ge [sflag:s6], $0x2000  }
0x2ef: {  	[sflag:s6] =	ssyncset.done $0x0  }
0x2f0: {  	s13 =	simm.s32 $0x480;
	[sflag:s6] =	ssyncadd.s32 $0xFFFFE000  }
0x2f1: {  	[tilespmem:s26], [sflag:$0x1] =	stream.indirect.gather [spmem:s2], $0x40, s13, s25, $0xb8;
	[tilespmem:$0x1D000] =	vst v63  }
0x2f2: {  	_ =	swait.ge [sflag:s30], $0x2000  }
0x2f3: {  	[sflag:s30] =	ssyncset.done $0x0  }
0x2f4: {  	s13 =	simm.s32 $0xB80;
	[sflag:s30] =	ssyncadd.s32 $0xFFFFE000  }
0x2f5: {  	[spmem:s3] =	stream.indirect.scatter.add.f32 [tilespmem:s0], [sflag:$0x2], $0x40, s13, s25, $0xb8;
	[tilespmem:$0x1D000] =	vst v63  }
0x2f6: {  	_ =	swait.ge [sflag:s6], $0x2000  }
0x2f7: {  	[sflag:s6] =	ssyncset.done $0x0  }
0x2f8: {  	s13 =	simm.s32 $0x500;
	[sflag:s6] =	ssyncadd.s32 $0xFFFFE000  }
0x2f9: {  	[tilespmem:s29], [sflag:$0x1] =	stream.indirect.gather [spmem:s2], $0x40, s13, s25, $0xb8;
	[tilespmem:$0x1D000] =	vst v63  }
0x2fa: {  	_ =	swait.ge [sflag:s30], $0x2000  }
0x2fb: {  	[sflag:s30] =	ssyncset.done $0x0  }
0x2fc: {  	s13 =	simm.s32 $0xC00;
	[sflag:s30] =	ssyncadd.s32 $0xFFFFE000  }
0x2fd: {  	[spmem:s3] =	stream.indirect.scatter.add.f32 [tilespmem:s20], [sflag:$0x2], $0x40, s13, s25, $0xb8;
	[tilespmem:$0x1D000] =	vst v63  }
0x2fe: {  	_ =	swait.ge [sflag:s6], $0x2000  }
0x2ff: {  	[sflag:s6] =	ssyncset.done $0x0  }
0x300: {  	s13 =	simm.s32 $0x580;
	[sflag:s6] =	ssyncadd.s32 $0xFFFFE000  }
0x301: {  	[tilespmem:s0], [sflag:$0x1] =	stream.indirect.gather [spmem:s2], $0x40, s13, s25, $0xb8;
	[tilespmem:$0x1D000] =	vst v63  }
0x302: {  	_ =	swait.ge [sflag:s30], $0x2000  }
0x303: {  	[sflag:s30] =	ssyncset.done $0x0  }
0x304: {  	s13 =	simm.s32 $0xC80;
	[sflag:s30] =	ssyncadd.s32 $0xFFFFE000  }
0x305: {  	[spmem:s3] =	stream.indirect.scatter.add.f32 [tilespmem:s26], [sflag:$0x2], $0x40, s13, s25, $0xb8;
	[tilespmem:$0x1D000] =	vst v63  }
0x306: {  	_ =	swait.ge [sflag:s6], $0x2000  }
0x307: {  	[sflag:s6] =	ssyncset.done $0x0  }
0x308: {  	s13 =	simm.s32 $0x600;
	[sflag:s6] =	ssyncadd.s32 $0xFFFFE000  }
0x309: {  	[tilespmem:s20], [sflag:$0x1] =	stream.indirect.gather [spmem:s2], $0x40, s13, s25, $0xb8;
	[tilespmem:$0x1D000] =	vst v63  }
0x30a: {  	_ =	swait.ge [sflag:s30], $0x2000  }
0x30b: {  	[sflag:s30] =	ssyncset.done $0x0  }
0x30c: {  	s13 =	simm.s32 $0xD00;
	[sflag:s30] =	ssyncadd.s32 $0xFFFFE000  }
0x30d: {  	[spmem:s3] =	stream.indirect.scatter.add.f32 [tilespmem:s29], [sflag:$0x2], $0x40, s13, s25, $0xb8;
	[tilespmem:$0x1D000] =	vst v63  }
0x30e: {  	_ =	swait.ge [sflag:s6], $0x2000  }
0x30f: {  	[sflag:s6] =	ssyncset.done $0x0  }
0x310: {  	s13 =	simm.s32 $0x680;
	[sflag:s6] =	ssyncadd.s32 $0xFFFFE000  }
0x311: {  	[tilespmem:s26], [sflag:$0x1] =	stream.indirect.gather [spmem:s2], $0x40, s13, s25, $0xb8;
	[tilespmem:$0x1D000] =	vst v63  }
0x312: {  	_ =	swait.ge [sflag:s30], $0x2000  }
0x313: {  	[sflag:s30] =	ssyncset.done $0x0  }
0x314: {  	s13 =	simm.s32 $0xD80;
	[sflag:s30] =	ssyncadd.s32 $0xFFFFE000  }
0x315: {  	[spmem:s3] =	stream.indirect.scatter.add.f32 [tilespmem:s0], [sflag:$0x2], $0x40, s13, s25, $0xb8;
	[tilespmem:$0x1D000] =	vst v63  }
0x316: {  	_ =	swait.ge [sflag:s6], $0x2000  }
0x317: {  	[sflag:s6] =	ssyncset.done $0x0  }
0x318: {  	s13 =	simm.s32 $0x700;
	[sflag:s6] =	ssyncadd.s32 $0xFFFFE000  }
0x319: {  	[tilespmem:s29], [sflag:$0x1] =	stream.indirect.gather [spmem:s2], $0x40, s13, s25, $0xb8;
	[tilespmem:$0x1D000] =	vst v63  }
0x31a: {  	_ =	swait.ge [sflag:s30], $0x2000  }
0x31b: {  	[sflag:s30] =	ssyncset.done $0x0  }
0x31c: {  	s13 =	simm.s32 $0xE00;
	[sflag:s30] =	ssyncadd.s32 $0xFFFFE000  }
0x31d: {  	[spmem:s3] =	stream.indirect.scatter.add.f32 [tilespmem:s20], [sflag:$0x2], $0x40, s13, s25, $0xb8;
	[tilespmem:$0x1D000] =	vst v63  }
0x31e: {  	_ =	swait.ge [sflag:s6], $0x2000  }
0x31f: {  	[sflag:s6] =	ssyncset.done $0x0  }
0x320: {  	s13 =	simm.s32 $0x780;
	[sflag:s6] =	ssyncadd.s32 $0xFFFFE000  }
0x321: {  	[tilespmem:s0], [sflag:$0x1] =	stream.indirect.gather [spmem:s2], $0x40, s13, s25, $0xb8;
	[tilespmem:$0x1D000] =	vst v63  }
0x322: {  	_ =	swait.ge [sflag:s30], $0x2000  }
0x323: {  	[sflag:s30] =	ssyncset.done $0x0  }
0x324: {  	s13 =	simm.s32 $0xE80;
	[sflag:s30] =	ssyncadd.s32 $0xFFFFE000  }
0x325: {  	[spmem:s3] =	stream.indirect.scatter.add.f32 [tilespmem:s26], [sflag:$0x2], $0x40, s13, s25, $0xb8;
	[tilespmem:$0x1D000] =	vst v63  }
0x326: {  	_ =	swait.ge [sflag:s6], $0x2000  }
0x327: {  	[sflag:s6] =	ssyncset.done $0x0  }
0x328: {  	[sflag:s6] =	ssyncadd.s32 $0xFFFFE000  }
0x329: {  	_ =	swait.ge [sflag:s30], $0x2000  }
0x32a: {  	[sflag:s30] =	ssyncset.done $0x0  }
0x32b: {  	s13 =	simm.s32 $0xF00;
	[sflag:s30] =	ssyncadd.s32 $0xFFFFE000  }
0x32c: {  	[spmem:s3] =	stream.indirect.scatter.add.f32 [tilespmem:s29], [sflag:$0x2], $0x40, s13, s25, $0xb8;
	[tilespmem:$0x1D000] =	vst v63  }
0x32d: {  	_ =	swait.ge [sflag:s6], $0x2000  }
0x32e: {  	[sflag:s6] =	ssyncset.done $0x0  }
0x32f: {  	[sflag:s6] =	ssyncadd.s32 $0xFFFFE000  }
0x330: {  	_ =	swait.ge [sflag:s30], $0x2000  }
0x331: {  	[sflag:s30] =	ssyncset.done $0x0  }
0x332: {  	s13 =	simm.s32 $0xF80;
	[sflag:s30] =	ssyncadd.s32 $0xFFFFE000  }
0x333: {  	[spmem:s3] =	stream.indirect.scatter.add.f32 [tilespmem:s0], [sflag:$0x2], $0x40, s13, s25, $0xb8;
	[tilespmem:$0x1D000] =	vst v63  }
.Ltmp3:
0x334: {  	_ =	swait.ge [sflag:s6], $0x2000;
	(pc) =	sbr.rel @p1 .LBB2_8-.Ltmp3, $4  }
0x335: {  	[sflag:s6] =	ssyncset.done $0x0  }
0x336: {  	[sflag:s6] =	ssyncadd.s32 $0xFFFFE000  }
0x337: {  	_ =	swait.ge [sflag:s6], $0x2000  }
0x338: {  	s18 =	smov.u32 s17;
	[sflag:s6] =	ssyncset.done $0x0  }
0x339: {  	s13 =	sadd.s32 s16, s8;
	[sflag:s6] =	ssyncadd.s32 $0xFFFFE000  }
0x33a: {  	[tilespmem:s4], [sflag:$0x3] =	stream.linear.gather [hbm4b:s13+s4], $0x800, $0x38;
	[tilespmem:$0x1D000] =	vst v63  }
0x33b: {  	_ =	swait.ge [sflag:s21], $0x800  }
0x33c: {  	[sflag:s21] =	ssyncset.done $0x0  }
0x33d: {  	s18 =	sadd.s32 s16, s9;
	[sflag:s21] =	ssyncadd.s32 $0xFFFFF800  }
0x33e: {  	[tilespmem:s22], [sflag:$0x3] =	stream.linear.gather [hbm4b:s18+s4], $0x800, $0x38;
	[tilespmem:$0x1D000] =	vst v63  }
0x33f: {  	_ =	swait.ge [sflag:s21], $0x800  }
0x340: {  	[sflag:s21] =	ssyncset.done $0x0  }
0x341: {  	[sflag:s21] =	ssyncadd.s32 $0xFFFFF800  }
0x342: {  	[tilespmem:s20], [sflag:$0x1] =	stream.indirect.gather [spmem:s2], $0x40, s4, s25, $0xb8;
	[tilespmem:$0x1D000] =	vst v63  }
0x343: {  	_ = 	snop  }
0x344: {  	[tilespmem:s26], [sflag:$0x1] =	stream.indirect.gather [spmem:s2], $0x40, s25, s25, $0xb8;
	[tilespmem:$0x1D000] =	vst v63  }
0x345: {  	_ = 	snop  }
0x346: {  	[tilespmem:s29], [sflag:$0x1] =	stream.indirect.gather [spmem:s2], $0x40, s19, s25, $0xb8;
	[tilespmem:$0x1D000] =	vst v63  }
0x347: {  	_ =	swait.ge [sflag:s30], $0x2000  }
0x348: {  	[sflag:s30] =	ssyncset.done $0x0  }
0x349: {  	[sflag:s30] =	ssyncadd.s32 $0xFFFFE000  }
0x34a: {  	[spmem:s3] =	stream.indirect.scatter.add.f32 [tilespmem:s20], [sflag:$0x2], $0x40, s22, s25, $0xb8;
	[tilespmem:$0x1D000] =	vst v63  }
0x34b: {  	_ = 	snop  }
0x34c: {  	[tilespmem:s0], [sflag:$0x1] =	stream.indirect.gather [spmem:s2], $0x40, s28, s25, $0xb8;
	[tilespmem:$0x1D000] =	vst v63  }
0x34d: {  	_ =	swait.ge [sflag:s30], $0x2000  }
0x34e: {  	[sflag:s30] =	ssyncset.done $0x0  }
0x34f: {  	[sflag:s30] =	ssyncadd.s32 $0xFFFFE000  }
0x350: {  	[spmem:s3] =	stream.indirect.scatter.add.f32 [tilespmem:s26], [sflag:$0x2], $0x40, s31, s25, $0xb8;
	[tilespmem:$0x1D000] =	vst v63  }
0x351: {  	_ =	swait.ge [sflag:s6], $0x2000  }
0x352: {  	[sflag:s6] =	ssyncset.done $0x0  }
0x353: {  	[sflag:s6] =	ssyncadd.s32 $0xFFFFE000  }
0x354: {  	[tilespmem:s20], [sflag:$0x1] =	stream.indirect.gather [spmem:s2], $0x40, s5, s25, $0xb8;
	[tilespmem:$0x1D000] =	vst v63  }
0x355: {  	_ =	swait.ge [sflag:s30], $0x2000  }
0x356: {  	[sflag:s30] =	ssyncset.done $0x0  }
0x357: {  	[sflag:s30] =	ssyncadd.s32 $0xFFFFE000  }
0x358: {  	[spmem:s3] =	stream.indirect.scatter.add.f32 [tilespmem:s29], [sflag:$0x2], $0x40, s7, s25, $0xb8;
	[tilespmem:$0x1D000] =	vst v63  }
0x359: {  	_ =	swait.ge [sflag:s6], $0x2000  }
0x35a: {  	[sflag:s6] =	ssyncset.done $0x0  }
0x35b: {  	[sflag:s6] =	ssyncadd.s32 $0xFFFFE000  }
0x35c: {  	[tilespmem:s26], [sflag:$0x1] =	stream.indirect.gather [spmem:s2], $0x40, s10, s25, $0xb8;
	[tilespmem:$0x1D000] =	vst v63  }
0x35d: {  	_ =	swait.ge [sflag:s30], $0x2000  }
0x35e: {  	[sflag:s30] =	ssyncset.done $0x0  }
0x35f: {  	[sflag:s30] =	ssyncadd.s32 $0xFFFFE000  }
0x360: {  	[spmem:s3] =	stream.indirect.scatter.add.f32 [tilespmem:s0], [sflag:$0x2], $0x40, s11, s25, $0xb8;
	[tilespmem:$0x1D000] =	vst v63  }
0x361: {  	_ =	swait.ge [sflag:s6], $0x2000  }
0x362: {  	[sflag:s6] =	ssyncset.done $0x0  }
0x363: {  	[sflag:s6] =	ssyncadd.s32 $0xFFFFE000  }
0x364: {  	[tilespmem:s29], [sflag:$0x1] =	stream.indirect.gather [spmem:s2], $0x40, s12, s25, $0xb8;
	[tilespmem:$0x1D000] =	vst v63  }
0x365: {  	_ =	swait.ge [sflag:s30], $0x2000  }
0x366: {  	[sflag:s30] =	ssyncset.done $0x0  }
0x367: {  	[sflag:s30] =	ssyncadd.s32 $0xFFFFE000  }
0x368: {  	[spmem:s3] =	stream.indirect.scatter.add.f32 [tilespmem:s20], [sflag:$0x2], $0x40, s14, s25, $0xb8;
	[tilespmem:$0x1D000] =	vst v63  }
0x369: {  	_ =	swait.ge [sflag:s6], $0x2000  }
0x36a: {  	[sflag:s6] =	ssyncset.done $0x0  }
0x36b: {  	[sflag:s6] =	ssyncadd.s32 $0xFFFFE000  }
0x36c: {  	[tilespmem:s0], [sflag:$0x1] =	stream.indirect.gather [spmem:s2], $0x40, s23, s25, $0xb8;
	[tilespmem:$0x1D000] =	vst v63  }
0x36d: {  	_ =	swait.ge [sflag:s30], $0x2000  }
0x36e: {  	[sflag:s30] =	ssyncset.done $0x0  }
0x36f: {  	[sflag:s30] =	ssyncadd.s32 $0xFFFFE000  }
0x370: {  	[spmem:s3] =	stream.indirect.scatter.add.f32 [tilespmem:s26], [sflag:$0x2], $0x40, s24, s25, $0xb8;
	[tilespmem:$0x1D000] =	vst v63  }
0x371: {  	_ =	swait.ge [sflag:s6], $0x2000  }
0x372: {  	[sflag:s6] =	ssyncset.done $0x0  }
0x373: {  	[sflag:s6] =	ssyncadd.s32 $0xFFFFE000  }
0x374: {  	[tilespmem:s20], [sflag:$0x1] =	stream.indirect.gather [spmem:s2], $0x40, s1, s25, $0xb8;
	[tilespmem:$0x1D000] =	vst v63  }
0x375: {  	_ =	swait.ge [sflag:s30], $0x2000  }
0x376: {  	[sflag:s30] =	ssyncset.done $0x0  }
0x377: {  	[sflag:s30] =	ssyncadd.s32 $0xFFFFE000  }
0x378: {  	[spmem:s3] =	stream.indirect.scatter.add.f32 [tilespmem:s29], [sflag:$0x2], $0x40, s15, s25, $0xb8;
	[tilespmem:$0x1D000] =	vst v63  }
0x379: {  	_ =	swait.ge [sflag:s6], $0x2000  }
0x37a: {  	[sflag:s6] =	ssyncset.done $0x0  }
0x37b: {  	s13 =	simm.s32 $0x480;
	[sflag:s6] =	ssyncadd.s32 $0xFFFFE000  }
0x37c: {  	[tilespmem:s26], [sflag:$0x1] =	stream.indirect.gather [spmem:s2], $0x40, s13, s25, $0xb8;
	[tilespmem:$0x1D000] =	vst v63  }
0x37d: {  	_ =	swait.ge [sflag:s30], $0x2000  }
0x37e: {  	[sflag:s30] =	ssyncset.done $0x0  }
0x37f: {  	s14 =	simm.s32 $0xB80;
	[sflag:s30] =	ssyncadd.s32 $0xFFFFE000  }
0x380: {  	[spmem:s3] =	stream.indirect.scatter.add.f32 [tilespmem:s0], [sflag:$0x2], $0x40, s14, s25, $0xb8;
	[tilespmem:$0x1D000] =	vst v63  }
0x381: {  	_ =	swait.ge [sflag:s6], $0x2000  }
0x382: {  	[sflag:s6] =	ssyncset.done $0x0  }
0x383: {  	s15 =	simm.s32 $0x500;
	[sflag:s6] =	ssyncadd.s32 $0xFFFFE000  }
0x384: {  	[tilespmem:s29], [sflag:$0x1] =	stream.indirect.gather [spmem:s2], $0x40, s15, s25, $0xb8;
	[tilespmem:$0x1D000] =	vst v63  }
0x385: {  	_ =	swait.ge [sflag:s30], $0x2000  }
0x386: {  	[sflag:s30] =	ssyncset.done $0x0  }
0x387: {  	s16 =	simm.s32 $0xC00;
	[sflag:s30] =	ssyncadd.s32 $0xFFFFE000  }
0x388: {  	[spmem:s3] =	stream.indirect.scatter.add.f32 [tilespmem:s20], [sflag:$0x2], $0x40, s16, s25, $0xb8;
	[tilespmem:$0x1D000] =	vst v63  }
0x389: {  	_ =	swait.ge [sflag:s6], $0x2000  }
0x38a: {  	[sflag:s6] =	ssyncset.done $0x0  }
0x38b: {  	s17 =	simm.s32 $0x580;
	[sflag:s6] =	ssyncadd.s32 $0xFFFFE000  }
0x38c: {  	[tilespmem:s0], [sflag:$0x1] =	stream.indirect.gather [spmem:s2], $0x40, s17, s25, $0xb8;
	[tilespmem:$0x1D000] =	vst v63  }
0x38d: {  	_ =	swait.ge [sflag:s30], $0x2000  }
0x38e: {  	[sflag:s30] =	ssyncset.done $0x0  }
0x38f: {  	s18 =	simm.s32 $0xC80;
	[sflag:s30] =	ssyncadd.s32 $0xFFFFE000  }
0x390: {  	[spmem:s3] =	stream.indirect.scatter.add.f32 [tilespmem:s26], [sflag:$0x2], $0x40, s18, s25, $0xb8;
	[tilespmem:$0x1D000] =	vst v63  }
0x391: {  	_ =	swait.ge [sflag:s6], $0x2000  }
0x392: {  	[sflag:s6] =	ssyncset.done $0x0  }
0x393: {  	s23 =	simm.s32 $0x600;
	[sflag:s6] =	ssyncadd.s32 $0xFFFFE000  }
0x394: {  	[tilespmem:s20], [sflag:$0x1] =	stream.indirect.gather [spmem:s2], $0x40, s23, s25, $0xb8;
	[tilespmem:$0x1D000] =	vst v63  }
0x395: {  	_ =	swait.ge [sflag:s30], $0x2000  }
0x396: {  	[sflag:s30] =	ssyncset.done $0x0  }
0x397: {  	s24 =	simm.s32 $0xD00;
	[sflag:s30] =	ssyncadd.s32 $0xFFFFE000  }
0x398: {  	[spmem:s3] =	stream.indirect.scatter.add.f32 [tilespmem:s29], [sflag:$0x2], $0x40, s24, s25, $0xb8;
	[tilespmem:$0x1D000] =	vst v63  }
0x399: {  	_ =	swait.ge [sflag:s6], $0x2000  }
0x39a: {  	[sflag:s6] =	ssyncset.done $0x0  }
0x39b: {  	s5 =	simm.s32 $0x680;
	[sflag:s6] =	ssyncadd.s32 $0xFFFFE000  }
0x39c: {  	[tilespmem:s26], [sflag:$0x1] =	stream.indirect.gather [spmem:s2], $0x40, s5, s25, $0xb8;
	[tilespmem:$0x1D000] =	vst v63  }
0x39d: {  	_ =	swait.ge [sflag:s30], $0x2000  }
0x39e: {  	[sflag:s30] =	ssyncset.done $0x0  }
0x39f: {  	s7 =	simm.s32 $0xD80;
	[sflag:s30] =	ssyncadd.s32 $0xFFFFE000  }
0x3a0: {  	[spmem:s3] =	stream.indirect.scatter.add.f32 [tilespmem:s0], [sflag:$0x2], $0x40, s7, s25, $0xb8;
	[tilespmem:$0x1D000] =	vst v63  }
0x3a1: {  	_ =	swait.ge [sflag:s6], $0x2000  }
0x3a2: {  	[sflag:s6] =	ssyncset.done $0x0  }
0x3a3: {  	s10 =	simm.s32 $0x700;
	[sflag:s6] =	ssyncadd.s32 $0xFFFFE000  }
0x3a4: {  	[tilespmem:s29], [sflag:$0x1] =	stream.indirect.gather [spmem:s2], $0x40, s10, s25, $0xb8;
	[tilespmem:$0x1D000] =	vst v63  }
0x3a5: {  	_ =	swait.ge [sflag:s30], $0x2000  }
0x3a6: {  	[sflag:s30] =	ssyncset.done $0x0  }
0x3a7: {  	s11 =	simm.s32 $0xE00;
	[sflag:s30] =	ssyncadd.s32 $0xFFFFE000  }
0x3a8: {  	[spmem:s3] =	stream.indirect.scatter.add.f32 [tilespmem:s20], [sflag:$0x2], $0x40, s11, s25, $0xb8;
	[tilespmem:$0x1D000] =	vst v63  }
0x3a9: {  	_ =	swait.ge [sflag:s6], $0x2000  }
0x3aa: {  	[sflag:s6] =	ssyncset.done $0x0  }
0x3ab: {  	s12 =	simm.s32 $0x780;
	[sflag:s6] =	ssyncadd.s32 $0xFFFFE000  }
0x3ac: {  	[tilespmem:s0], [sflag:$0x1] =	stream.indirect.gather [spmem:s2], $0x40, s12, s25, $0xb8;
	[tilespmem:$0x1D000] =	vst v63  }
0x3ad: {  	_ =	swait.ge [sflag:s30], $0x2000  }
0x3ae: {  	[sflag:s30] =	ssyncset.done $0x0  }
0x3af: {  	s13 =	simm.s32 $0xE80;
	[sflag:s30] =	ssyncadd.s32 $0xFFFFE000  }
0x3b0: {  	[spmem:s3] =	stream.indirect.scatter.add.f32 [tilespmem:s26], [sflag:$0x2], $0x40, s13, s25, $0xb8;
	[tilespmem:$0x1D000] =	vst v63  }
0x3b1: {  	_ =	swait.ge [sflag:s6], $0x2000  }
0x3b2: {  	[sflag:s6] =	ssyncset.done $0x0  }
0x3b3: {  	[sflag:s6] =	ssyncadd.s32 $0xFFFFE000  }
0x3b4: {  	_ =	swait.ge [sflag:s30], $0x2000  }
0x3b5: {  	[sflag:s30] =	ssyncset.done $0x0  }
0x3b6: {  	s14 =	simm.s32 $0xF00;
	[sflag:s30] =	ssyncadd.s32 $0xFFFFE000  }
0x3b7: {  	[spmem:s3] =	stream.indirect.scatter.add.f32 [tilespmem:s29], [sflag:$0x2], $0x40, s14, s25, $0xb8;
	[tilespmem:$0x1D000] =	vst v63  }
0x3b8: {  	_ =	swait.ge [sflag:s6], $0x2000  }
0x3b9: {  	[sflag:s6] =	ssyncset.done $0x0  }
0x3ba: {  	[sflag:s6] =	ssyncadd.s32 $0xFFFFE000  }
0x3bb: {  	_ =	swait.ge [sflag:s30], $0x2000  }
0x3bc: {  	[sflag:s30] =	ssyncset.done $0x0  }
0x3bd: {  	s15 =	simm.s32 $0xF80;
	[sflag:s30] =	ssyncadd.s32 $0xFFFFE000  }
0x3be: {  	[spmem:s3] =	stream.indirect.scatter.add.f32 [tilespmem:s0], [sflag:$0x2], $0x40, s15, s25, $0xb8;
	[tilespmem:$0x1D000] =	vst v63  }
0x3bf: {  	_ =	swait.ge [sflag:s6], $0x2000  }
0x3c0: {  	[sflag:s6] =	ssyncset.done $0x0  }
0x3c1: {  	[sflag:s6] =	ssyncadd.s32 $0xFFFFE000  }
0x3c2: {  	_ =	swait.ge [sflag:s6], $0x2000  }
0x3c3: {  	[sflag:s6] =	ssyncset.done $0x0  }
0x3c4: {  	[sflag:s6] =	ssyncadd.s32 $0xFFFFE000  }
0x3c5: {  	[bflag:$0x0] =	sbarrier.arrive $0xFFFF  }
0x3c6: {  	s16 =	rddreg [dreg:$0x16]  }
0x3c7: {  	s17 =	rddreg [dreg:$0x18]  }
0x3c8: {  	s18 =	rddreg [dreg:$0x19]  }
0x3c9: {  	[hbm:s16], [sflag:s17] =	dma.local [spmem:s18], $0x1400  }
0x3ca: {  	_ =	swait.ge [sflag:s21], $0x1400  }
0x3cb: {  	s23 =	rddreg [dreg:$0x17]  }
0x3cc: {  	s24 =	rddreg [dreg:$0xf];
	s16 =	sadd.s32 $0x1, s23  }
0x3cd: {  	s28 =	simm.s32 $0x880;
	s31 =	simm.s32 $0x480;
	p1 =	sne.s32 s16, s24  }
.Ltmp4:
0x3ce: {  	s1 =	simm.s32 $0x400;
	s5 =	simm.s32 $0x200;
	(pc) =	sbr.rel @p1 .LBB2_1-.Ltmp4, $4  }
0x3cf: {  	s7 =	simm.s32 $0x900;
	s10 =	simm.s32 $0x280;
	[sflag:s21] =	ssyncset.done $0x0  }
0x3d0: {  	s11 =	simm.s32 $0x980;
	s12 =	simm.s32 $0x300;
	[sflag:s21] =	ssyncadd.s32 $0xFFFFEC00  }
0x3d1: {  	s14 =	simm.s32 $0xA00;
	s15 =	simm.s32 $0xB00;
	[bflag:$0x0] =	sbarrier.arrive $0xFFFF  }
0x3d2: {  	s18 =	simm.s32 $0x180;
	s23 =	simm.s32 $0x380;
	s24 =	simm.s32 $0xA80  }
0x3d3: {  	_ =	sfence.sel $0x180000  }
0x3d4: {  	[bflag:$0x0] =	sbarrier.arrive $0xFFFF  }
0x3d5: {  	_ =	strace $0x90000047  }
0x3d6: {  	s0 =	stileid.u32;
	[bflag:$0x2] =	sbarrier.arrive $0xFFFF  }
0x3d7: {  	p0 =	sne.s32 s0, $0x0;
	s0 =	rddreg [dreg:$0x7]  }
0x3d8: {  	s0 =	sadd.s32 @!p0 $0x100000, s0  }
0x3d9: {  	[sflag:s0] =	ssyncadd.tile.s32 @!p0 $0x1;
	_ =	shalt  }
.Lfunc_end2:
_tile_overlayer_lowered:
.L_overlay_start_2:
0x3da: {  	(tag) =	ssettag $0x2  }
0x3db: {  	s0 =	rddreg [dreg:$0x0];
	s2 =	stileid.u32  }
0x3dc: {  	s1 =	rddreg [dreg:$0x1];
	p0 =	sne.s32 s2, $0x0  }
0x3dd: {  	s3 =	rddreg [dreg:$0x2];
	[bflag:$0x3] =	sbarrier.arrive $0xFFFF;
	s2 =	simm.s32 @!p0 $0x1C03  }
0x3de: {  	[timem:s3], [sflag:s2] =	dma.local @!p0 [hbm:s0], s1  }
0x3df: {  	s0 =	simm.s32 @!p0 $0x3  }
0x3e0: {  	_ =	swait.ge @!p0 [sflag:s0], s1  }
0x3e1: {  	s1 =	ssub.s32 @!p0 $0x0, s1;
	[sflag:s0] =	ssyncset.done @!p0 $0x0  }
0x3e2: {  	[sflag:s0] =	ssyncadd.s32 @!p0 s1  }
0x3e3: {  	[bflag:$0x3] =	sbarrier.arrive $0xFFFF  }
0x3e4: {  	_ =	shalt  }

</sc_bundles>
